<compile_context>
chip_gen: v7x
topology: tpu7x:2x2x1
jax: 0.10.2.dev20260603
libtpu: 0.0.44.dev20260713+nightly
codegen_flags: <defaults>
</compile_context>

<pallas_src>
import jax
import jax.numpy as jnp
from jax import lax
from jax.experimental import pallas as pl
from jax.experimental.pallas import tpu as pltpu
from jax.experimental.pallas import tpu_sc as plsc

_N = 10000
_NPAD = 10016
_E = 320000
_ETOT = _E + _N
_NC, _NS = 2, 16
_NW = _NC * _NS
_K = 128
_K1 = 256
_BW = 10496
_EPAD = _BW * _NW
_RPS = _NPAD // _NS

_GDN = lax.GatherDimensionNumbers(
    offset_dims=(), collapsed_slice_dims=(0,), start_index_map=(0,))


def _perm(w, idx):
    return lax.gather(w, idx.reshape(16, 1), _GDN, (1,),
                      mode=lax.GatherScatterMode.PROMISE_IN_BOUNDS)


def _bfly(w, ks):
    lanes = lax.iota(jnp.int32, 16)
    for k in ks:
        w = w + _perm(w, lanes ^ k)
    return w


def _sc_layer(xl, xr, edges3d, attf, *, width, multihead, kc):
    V = width // 16
    ch = _BW // kc
    assert _BW % kc == 0
    mesh = plsc.VectorSubcoreMesh(core_axis_name="c", subcore_axis_name="s")
    out_type = (
        jax.ShapeDtypeStruct((_NC, _NPAD, width), jnp.float32),
        jax.ShapeDtypeStruct((_NC, _NPAD, 16), jnp.float32),
    )
    scratch = [
        pltpu.VMEM((2, kc), jnp.int32),
        pltpu.VMEM((kc, width), jnp.float32),
        pltpu.VMEM((kc, width), jnp.float32),
        pltpu.VMEM((kc, 16), jnp.float32),
        pltpu.VMEM((width,), jnp.float32),
        pltpu.VMEM_SHARED((_NPAD, width), jnp.float32),
        pltpu.VMEM_SHARED((_NPAD, 16), jnp.float32),
        pltpu.SemaphoreType.DMA,
        pltpu.SemaphoreType.DMA,
    ]

    def body(xl_h, xr_h, edg_h, att_h, outn_h, outp_h,
             idx, xlb, xrb, pb, attb, shn, shp, sem0, sem1):
        c = lax.axis_index("c")
        s = lax.axis_index("s")
        wid = s * _NC + c

        pltpu.sync_copy(att_h, attb)
        att_v = [attb[pl.ds(16 * v, 16)] for v in range(V)]

        lanes = lax.iota(jnp.int32, 16)
        cidx = (lanes & 1) * 8
        cmask = [((lanes & 7) >> 1) == v for v in range(4)]

        zv = jnp.zeros((16,), jnp.float32)

        @pl.loop(0, kc)
        def _zero(e):
            for v in range(V):
                xlb[e, pl.ds(16 * v, 16)] = zv
            pb[e, pl.ds(0, 16)] = zv

        r0 = s * _RPS
        nfull, rem = _RPS // kc, _RPS % kc

        @pl.loop(0, nfull)
        def _zinit(j):
            pltpu.sync_copy(xlb, shn.at[pl.ds(r0 + j * kc, kc)])
            pltpu.sync_copy(pb, shp.at[pl.ds(r0 + j * kc, kc)])
        if rem:
            rr = r0 + nfull * kc
            pltpu.sync_copy(xlb.at[pl.ds(0, rem)], shn.at[pl.ds(rr, rem)])
            pltpu.sync_copy(pb.at[pl.ds(0, rem)], shp.at[pl.ds(rr, rem)])

        plsc.subcore_barrier()

        @pl.loop(0, ch)
        def _chunk(i):
            pltpu.sync_copy(edg_h.at[wid * ch + i], idx)
            g1 = pltpu.async_copy(xl_h.at[idx.at[0]], xlb, sem0)
            g2 = pltpu.async_copy(xr_h.at[idx.at[1]], xrb, sem1)
            g1.wait()
            g2.wait()

            @pl.loop(0, kc, unroll=2)
            def _edge(e):
                xs = [xlb[e, pl.ds(16 * v, 16)] for v in range(V)]
                if multihead:
                    pc = None
                    for v in range(V):
                        sv = xs[v] + xrb[e, pl.ds(16 * v, 16)]
                        tv = jnp.maximum(sv, 0.2 * sv)
                        pv = jnp.exp(_bfly(tv * att_v[v], (1, 2, 4)))
                        xrb[e, pl.ds(16 * v, 16)] = pv * xs[v]
                        gv = jnp.where(cmask[v], _perm(pv, cidx), 0.0)
                        pc = gv if pc is None else pc + gv
                    pb[e, pl.ds(0, 16)] = pc
                else:
                    acc = None
                    for v in range(V):
                        sv = xs[v] + xrb[e, pl.ds(16 * v, 16)]
                        tv = jnp.maximum(sv, 0.2 * sv)
                        wv = tv * att_v[v]
                        acc = wv if acc is None else acc + wv
                    p = jnp.exp(_bfly(acc, (1, 2, 4, 8)))
                    pb[e, pl.ds(0, 16)] = p
                    for v in range(V):
                        xrb[e, pl.ds(16 * v, 16)] = p * xs[v]

            pltpu.sync_copy(xrb, shn.at[idx.at[1]], add=True)
            pltpu.sync_copy(pb, shp.at[idx.at[1]], add=True)

        plsc.subcore_barrier()

        pltpu.sync_copy(shn.at[pl.ds(r0, _RPS)], outn_h.at[c, pl.ds(r0, _RPS)])
        pltpu.sync_copy(shp.at[pl.ds(r0, _RPS)], outp_h.at[c, pl.ds(r0, _RPS)])

    fn = pl.kernel(body, out_type=out_type, mesh=mesh, scratch_types=scratch,
                   compiler_params=pltpu.CompilerParams(use_tc_tiling_on_sc=False))
    return fn(xl, xr, edges3d, attf)


def _mm_body(x_ref, w_ref, o_ref):
    o_ref[...] = jnp.dot(x_ref[...], w_ref[...], preferred_element_type=jnp.float32)


_BR = 2504


def _tc_matmul(x, w):
    r, d = x.shape
    _, cd = w.shape
    return pl.pallas_call(
        _mm_body,
        grid=(r // _BR,),
        in_specs=[pl.BlockSpec((_BR, d), lambda i: (i, 0)),
                  pl.BlockSpec((d, cd), lambda i: (0, 0))],
        out_specs=pl.BlockSpec((_BR, cd), lambda i: (i, 0)),
        out_shape=jax.ShapeDtypeStruct((r, cd), jnp.float32),
    )(x, w)


def _combine1_body(an_ref, ap_ref, b_ref, w_ref, o_ref):
    num = an_ref[0] + an_ref[1]
    den8 = ap_ref[0][:, :8] + ap_ref[1][:, :8] + 1e-16
    den = jnp.concatenate(
        [jnp.broadcast_to(den8[:, h:h + 1], (num.shape[0], 8)) for h in range(8)],
        axis=1)
    h = num / den + b_ref[...]
    h = jnp.where(h > 0, h, jnp.exp(h) - 1.0)
    o_ref[...] = jnp.dot(h, w_ref[...], preferred_element_type=jnp.float32)


def _combine1(an, ap, b1, w2):
    return pl.pallas_call(
        _combine1_body,
        grid=(_NPAD // _BR,),
        in_specs=[pl.BlockSpec((_NC, _BR, 64), lambda i: (0, i, 0)),
                  pl.BlockSpec((_NC, _BR, 16), lambda i: (0, i, 0)),
                  pl.BlockSpec((1, 64), lambda i: (0, 0)),
                  pl.BlockSpec((64, 256), lambda i: (0, 0))],
        out_specs=pl.BlockSpec((_BR, 256), lambda i: (i, 0)),
        out_shape=jax.ShapeDtypeStruct((_NPAD, 256), jnp.float32),
    )(an, ap, b1, w2)


def _final_body(an_ref, ap_ref, b_ref, o_ref):
    num = an_ref[0] + an_ref[1]
    den = ap_ref[0][:, 0:1] + ap_ref[1][:, 0:1] + 1e-16
    o_ref[...] = num / den + b_ref[...]


def _final(an, ap, b2):
    return pl.pallas_call(
        _final_body,
        grid=(_NPAD // _BR,),
        in_specs=[pl.BlockSpec((_NC, _BR, 128), lambda i: (0, i, 0)),
                  pl.BlockSpec((_NC, _BR, 16), lambda i: (0, i, 0)),
                  pl.BlockSpec((1, 128), lambda i: (0, 0))],
        out_specs=pl.BlockSpec((_BR, 128), lambda i: (i, 0)),
        out_shape=jax.ShapeDtypeStruct((_NPAD, 128), jnp.float32),
    )(an, ap, b2)


def kernel(x, edge_index, W1l, W1r, att1, b1, W2l, W2r, att2, b2):
    f32 = jnp.float32
    xp = jnp.zeros((_NPAD, 128), f32).at[:_N].set(x)
    loops = jnp.arange(_N, dtype=jnp.int32)
    padi = jnp.full((_EPAD - _ETOT,), _N, jnp.int32)
    srcp = jnp.concatenate([edge_index[0].astype(jnp.int32), loops, padi])
    dstp = jnp.concatenate([edge_index[1].astype(jnp.int32), loops, padi])
    e128 = jnp.stack([srcp.reshape(-1, _K), dstp.reshape(-1, _K)], axis=1)
    e256 = jnp.stack([srcp.reshape(-1, _K1), dstp.reshape(-1, _K1)], axis=1)

    z1 = _tc_matmul(xp, jnp.concatenate([W1l, W1r], axis=1))
    an1, ap1 = _sc_layer(z1[:, :64], z1[:, 64:], e256, att1.reshape(-1),
                         width=64, multihead=True, kc=_K1)
    z2 = _combine1(an1, ap1, b1.reshape(1, 64),
                   jnp.concatenate([W2l, W2r], axis=1))
    an2, ap2 = _sc_layer(z2[:, :128], z2[:, 128:], e128, att2.reshape(-1),
                         width=128, multihead=False, kc=_K)
    out = _final(an2, ap2, b2.reshape(1, 128))
    return out[:_N]

# --- scband reference (transcript-rebuilt; emitter-appended) ---
"""Pipeline reference for scband-gatv2-34849364639936 (READ-ONLY COPY).

The authoritative reference and input builder live on the scoring server;
editing this copy changes nothing except your own understanding.
"""

import jax, jax.numpy as jnp
import numpy as np

N = 10000
E = 320000
D_IN = 128
D_OUT = 128
H1, C1 = 8, 8
H2, C2 = 1, 128


def setup_inputs(seed: int = 0) -> dict:
    key = jax.random.key(seed)
    ks = jax.random.split(key, 12)
    x = jax.random.normal(ks[0], (N, D_IN), dtype=jnp.float32)
    edge_index = jax.random.randint(ks[1], (2, E), 0, N, dtype=jnp.int32)
    s = 0.1
    W1l = jax.random.normal(ks[2], (D_IN, H1 * C1), dtype=jnp.float32) * s
    W1r = jax.random.normal(ks[3], (D_IN, H1 * C1), dtype=jnp.float32) * s
    att1 = jax.random.normal(ks[4], (H1, C1), dtype=jnp.float32) * s
    b1 = jnp.zeros((H1 * C1,), dtype=jnp.float32)
    W2l = jax.random.normal(ks[5], (H1 * C1, H2 * C2), dtype=jnp.float32) * s
    W2r = jax.random.normal(ks[6], (H1 * C1, H2 * C2), dtype=jnp.float32) * s
    att2 = jax.random.normal(ks[7], (H2, C2), dtype=jnp.float32) * s
    b2 = jnp.zeros((C2,), dtype=jnp.float32)
    return {"x": x, "edge_index": edge_index, "W1l": W1l, "W1r": W1r,
            "att1": att1, "b1": b1, "W2l": W2l, "W2r": W2r, "att2": att2, "b2": b2}


def _gatv2_layer(x, src, dst, Wl, Wr, att, b, H, C, concat):
    n = x.shape[0]
    xl = (x @ Wl).reshape(n, H, C)
    xr = (x @ Wr).reshape(n, H, C)
    # GATv2 attention: att . LeakyReLU(W_l x_j + W_r x_i)
    e = jax.nn.leaky_relu(xl[src] + xr[dst], negative_slope=0.2)
    logits = jnp.sum(e * att[None, :, :], axis=-1)  # [E, H]
    # segment softmax over destination nodes (numerically stable)
    m = jax.ops.segment_max(logits, dst, num_segments=n)
    m = jnp.where(jnp.isfinite(m), m, 0.0)
    m = jax.lax.stop_gradient(m)
    p = jnp.exp(logits - m[dst])
    ssum = jax.ops.segment_sum(p, dst, num_segments=n)
    alpha = p / (ssum[dst] + 1e-16)
    out = jax.ops.segment_sum(alpha[:, :, None] * xl[src], dst, num_segments=n)
    if concat:
        out = out.reshape(n, H * C)
    else:
        out = jnp.mean(out, axis=1)
    return out + b


def reference(x, edge_index, W1l, W1r, att1, b1, W2l, W2r, att2, b2):
    # dropout layers are identity in eval mode (training=False)
    loops = jnp.arange(N, dtype=edge_index.dtype)
    src = jnp.concatenate([edge_index[0], loops])  # add_self_loops=True (PyG default)
    dst = jnp.concatenate([edge_index[1], loops])
    h = _gatv2_layer(x, src, dst, W1l, W1r, att1, b1, H1, C1, True)
    h = jax.nn.elu(h)
    out = _gatv2_layer(h, src, dst, W2l, W2r, att2, b2, H2, C2, False)
    return out

if __name__ == "__main__":
    import jax
    _d = setup_inputs()
    print(jax.jit(kernel)(*tuple(_d.values())))

</pallas_src>

<mosaic_0001>
#map = affine_map<(d0, d1) -> (0, 0)>
#map1 = affine_map<(d0, d1) -> (0, 0, 0)>
#map2 = affine_map<(d0, d1) -> (0)>
module attributes {stable_mosaic.version = 14 : i64} {
  func.func @body(%arg0: i32, %arg1: i32, %arg2: memref<10016x64xf32, #tpu.memory_space<hbm>>, %arg3: memref<10016x64xf32, #tpu.memory_space<hbm>>, %arg4: memref<1312x2x256xi32, #tpu.memory_space<hbm>>, %arg5: memref<64xf32, #tpu.memory_space<hbm>>, %arg6: memref<2x10016x64xf32, #tpu.memory_space<hbm>>, %arg7: memref<2x10016x16xf32, #tpu.memory_space<hbm>>, %arg8: memref<2x256xi32, #tpu.memory_space<vmem>>, %arg9: memref<256x64xf32, #tpu.memory_space<vmem>>, %arg10: memref<256x64xf32, #tpu.memory_space<vmem>>, %arg11: memref<256x16xf32, #tpu.memory_space<vmem>>, %arg12: memref<64xf32, #tpu.memory_space<vmem>>, %arg13: memref<10016x64xf32, #tpu.memory_space<vmem_shared>>, %arg14: memref<10016x16xf32, #tpu.memory_space<vmem_shared>>, %arg15: memref<!tpu.dma_semaphore, #tpu.memory_space<semaphore_mem>>, %arg16: memref<!tpu.dma_semaphore, #tpu.memory_space<semaphore_mem>>) attributes {dimension_semantics = [#tpu.dimension_semantics<core_parallel>, #tpu.dimension_semantics<subcore_parallel>], iteration_bounds = array<i64: 2, 16>, scalar_prefetch = 0 : i64, scratch_operands = 9 : i64, tpu.core_type = #tpu.core_type<sc_vector_subcore>, window_params = [{transform_indices = #map}, {transform_indices = #map}, {transform_indices = #map1}, {transform_indices = #map2}, {transform_indices = #map1}, {transform_indices = #map1}]} {
    %mul3A = arith.constant 2 : i32
    %mul3A_0 = arith.muli %arg1, %mul3A : i32
    %add3A = arith.addi %mul3A_0, %arg0 : i32
    "tpu.region"() ({
      %run_scoped3A = tpu.sem_alloc : memref<!tpu.dma_semaphore, #tpu.memory_space<semaphore_mem>>
      tpu.enqueue_dma source(%arg5 : memref<64xf32, #tpu.memory_space<hbm>>) target(%arg12 : memref<64xf32, #tpu.memory_space<vmem>>) target_semaphore(%run_scoped3A : memref<!tpu.dma_semaphore, #tpu.memory_space<semaphore_mem>>)
      tpu.wait_dma2 semaphore(%run_scoped3A : memref<!tpu.dma_semaphore, #tpu.memory_space<semaphore_mem>>) src(%arg5 : memref<64xf32, #tpu.memory_space<hbm>>) dst(%arg12 : memref<64xf32, #tpu.memory_space<vmem>>)
      tpu.yield
    }) : () -> ()
    %get3A = arith.constant 0 : index
    %get3A_1 = tpu.vector_load %arg12[%get3A] {strides = array<i32>} : memref<64xf32, #tpu.memory_space<vmem>>, vector<16xf32>,
    %get3A_2 = vector.shape_cast %get3A_1 : vector<16xf32> to vector<16xf32>
    %get3A_3 = arith.constant 16 : index
    %get3A_4 = tpu.vector_load %arg12[%get3A_3] {strides = array<i32>} : memref<64xf32, #tpu.memory_space<vmem>>, vector<16xf32>,
    %get3A_5 = vector.shape_cast %get3A_4 : vector<16xf32> to vector<16xf32>
    %get3A_6 = arith.constant 32 : index
    %get3A_7 = tpu.vector_load %arg12[%get3A_6] {strides = array<i32>} : memref<64xf32, #tpu.memory_space<vmem>>, vector<16xf32>,
    %get3A_8 = vector.shape_cast %get3A_7 : vector<16xf32> to vector<16xf32>
    %get3A_9 = arith.constant 48 : index
    %get3A_10 = tpu.vector_load %arg12[%get3A_9] {strides = array<i32>} : memref<64xf32, #tpu.memory_space<vmem>>, vector<16xf32>,
    %get3A_11 = vector.shape_cast %get3A_10 : vector<16xf32> to vector<16xf32>
    %iota3A = tpu.iota {dimensions = array<i32: 0>} : vector<16xi32>
    %and3A = arith.constant 1 : i32
    %and3A_12 = vector.broadcast %and3A : i32 to vector<16xi32>
    %and3A_13 = arith.andi %iota3A, %and3A_12 : vector<16xi32>
    %mul3A_14 = arith.constant 8 : i32
    %mul3A_15 = vector.broadcast %mul3A_14 : i32 to vector<16xi32>
    %mul3A_16 = arith.muli %and3A_13, %mul3A_15 : vector<16xi32>
    %and3A_17 = arith.constant 7 : i32
    %and3A_18 = vector.broadcast %and3A_17 : i32 to vector<16xi32>
    %and3A_19 = arith.andi %iota3A, %and3A_18 : vector<16xi32>
    %shift_right_arithmetic3A = arith.constant 1 : i32
    %shift_right_arithmetic3A_20 = vector.broadcast %shift_right_arithmetic3A : i32 to vector<16xi32>
    %shift_right_arithmetic3A_21 = arith.shrsi %and3A_19, %shift_right_arithmetic3A_20 : vector<16xi32>
    %eq3A = arith.constant 0 : i32
    %eq3A_22 = vector.broadcast %eq3A : i32 to vector<16xi32>
    %eq3A_23 = arith.cmpi eq, %shift_right_arithmetic3A_21, %eq3A_22 : vector<16xi32>
    %and3A_24 = arith.constant 7 : i32
    %and3A_25 = vector.broadcast %and3A_24 : i32 to vector<16xi32>
    %and3A_26 = arith.andi %iota3A, %and3A_25 : vector<16xi32>
    %shift_right_arithmetic3A_27 = arith.constant 1 : i32
    %shift_right_arithmetic3A_28 = vector.broadcast %shift_right_arithmetic3A_27 : i32 to vector<16xi32>
    %shift_right_arithmetic3A_29 = arith.shrsi %and3A_26, %shift_right_arithmetic3A_28 : vector<16xi32>
    %eq3A_30 = arith.constant 1 : i32
    %eq3A_31 = vector.broadcast %eq3A_30 : i32 to vector<16xi32>
    %eq3A_32 = arith.cmpi eq, %shift_right_arithmetic3A_29, %eq3A_31 : vector<16xi32>
    %and3A_33 = arith.constant 7 : i32
    %and3A_34 = vector.broadcast %and3A_33 : i32 to vector<16xi32>
    %and3A_35 = arith.andi %iota3A, %and3A_34 : vector<16xi32>
    %shift_right_arithmetic3A_36 = arith.constant 1 : i32
    %shift_right_arithmetic3A_37 = vector.broadcast %shift_right_arithmetic3A_36 : i32 to vector<16xi32>
    %shift_right_arithmetic3A_38 = arith.shrsi %and3A_35, %shift_right_arithmetic3A_37 : vector<16xi32>
    %eq3A_39 = arith.constant 2 : i32
    %eq3A_40 = vector.broadcast %eq3A_39 : i32 to vector<16xi32>
    %eq3A_41 = arith.cmpi eq, %shift_right_arithmetic3A_38, %eq3A_40 : vector<16xi32>
    %and3A_42 = arith.constant 7 : i32
    %and3A_43 = vector.broadcast %and3A_42 : i32 to vector<16xi32>
    %and3A_44 = arith.andi %iota3A, %and3A_43 : vector<16xi32>
    %shift_right_arithmetic3A_45 = arith.constant 1 : i32
    %shift_right_arithmetic3A_46 = vector.broadcast %shift_right_arithmetic3A_45 : i32 to vector<16xi32>
    %shift_right_arithmetic3A_47 = arith.shrsi %and3A_44, %shift_right_arithmetic3A_46 : vector<16xi32>
    %eq3A_48 = arith.constant 3 : i32
    %eq3A_49 = vector.broadcast %eq3A_48 : i32 to vector<16xi32>
    %eq3A_50 = arith.cmpi eq, %shift_right_arithmetic3A_47, %eq3A_49 : vector<16xi32>
    %broadcast_in_dim3A = arith.constant 0.000000e+00 : f32
    %broadcast_in_dim3A_51 = vector.broadcast %broadcast_in_dim3A : f32 to vector<16xf32>
    %scan3A = arith.constant 0 : i32
    %scan3A_52 = arith.constant 256 : i32
    %scan3A_53 = arith.addi %scan3A, %scan3A_52 : i32
    %scan3A_54 = arith.constant 1 : i32
    scf.for %scan3A_71 = %scan3A to %scan3A_53 step %scan3A_54  : i32 {
      %mul3A_72 = arith.constant 1 : i32
      %mul3A_73 = arith.muli %scan3A_71, %mul3A_72 : i32
      %add3A_74 = arith.constant 0 : i32
      %add3A_75 = arith.addi %add3A_74, %mul3A_73 : i32
      %swap3A = arith.index_cast %add3A_75 : i32 to index
      %swap3A_76 = arith.constant 0 : index
      %swap3A_77 = tpu.vector_load %arg9[%swap3A, %swap3A_76] {strides = array<i32>} : memref<256x64xf32, #tpu.memory_space<vmem>>, vector<1x16xf32>,
      %swap3A_78 = vector.shape_cast %swap3A_77 : vector<1x16xf32> to vector<16xf32>
      %swap3A_79 = vector.shape_cast %broadcast_in_dim3A_51 : vector<16xf32> to vector<1x16xf32>
      tpu.vector_store %arg9[%swap3A, %swap3A_76], %swap3A_79 {strides = array<i32>} : memref<256x64xf32, #tpu.memory_space<vmem>>, vector<1x16xf32>,
      %swap3A_80 = arith.index_cast %add3A_75 : i32 to index
      %swap3A_81 = arith.constant 16 : index
      %swap3A_82 = tpu.vector_load %arg9[%swap3A_80, %swap3A_81] {strides = array<i32>} : memref<256x64xf32, #tpu.memory_space<vmem>>, vector<1x16xf32>,
      %swap3A_83 = vector.shape_cast %swap3A_82 : vector<1x16xf32> to vector<16xf32>
      %swap3A_84 = vector.shape_cast %broadcast_in_dim3A_51 : vector<16xf32> to vector<1x16xf32>
      tpu.vector_store %arg9[%swap3A_80, %swap3A_81], %swap3A_84 {strides = array<i32>} : memref<256x64xf32, #tpu.memory_space<vmem>>, vector<1x16xf32>,
      %swap3A_85 = arith.index_cast %add3A_75 : i32 to index
      %swap3A_86 = arith.constant 32 : index
      %swap3A_87 = tpu.vector_load %arg9[%swap3A_85, %swap3A_86] {strides = array<i32>} : memref<256x64xf32, #tpu.memory_space<vmem>>, vector<1x16xf32>,
      %swap3A_88 = vector.shape_cast %swap3A_87 : vector<1x16xf32> to vector<16xf32>
      %swap3A_89 = vector.shape_cast %broadcast_in_dim3A_51 : vector<16xf32> to vector<1x16xf32>
      tpu.vector_store %arg9[%swap3A_85, %swap3A_86], %swap3A_89 {strides = array<i32>} : memref<256x64xf32, #tpu.memory_space<vmem>>, vector<1x16xf32>,
      %swap3A_90 = arith.index_cast %add3A_75 : i32 to index
      %swap3A_91 = arith.constant 48 : index
      %swap3A_92 = tpu.vector_load %arg9[%swap3A_90, %swap3A_91] {strides = array<i32>} : memref<256x64xf32, #tpu.memory_space<vmem>>, vector<1x16xf32>,
      %swap3A_93 = vector.shape_cast %swap3A_92 : vector<1x16xf32> to vector<16xf32>
      %swap3A_94 = vector.shape_cast %broadcast_in_dim3A_51 : vector<16xf32> to vector<1x16xf32>
      tpu.vector_store %arg9[%swap3A_90, %swap3A_91], %swap3A_94 {strides = array<i32>} : memref<256x64xf32, #tpu.memory_space<vmem>>, vector<1x16xf32>,
      %swap3A_95 = arith.index_cast %add3A_75 : i32 to index
      %swap3A_96 = arith.constant 0 : index
      %swap3A_97 = tpu.vector_load %arg11[%swap3A_95, %swap3A_96] {strides = array<i32>} : memref<256x16xf32, #tpu.memory_space<vmem>>, vector<1x16xf32>,
      %swap3A_98 = vector.shape_cast %swap3A_97 : vector<1x16xf32> to vector<16xf32>
      %swap3A_99 = vector.shape_cast %broadcast_in_dim3A_51 : vector<16xf32> to vector<1x16xf32>
      tpu.vector_store %arg11[%swap3A_95, %swap3A_96], %swap3A_99 {strides = array<i32>} : memref<256x16xf32, #tpu.memory_space<vmem>>, vector<1x16xf32>,
    }
    %scan3A_55 = arith.constant 256 : i32
    %mul3A_56 = arith.constant 626 : i32
    %mul3A_57 = arith.muli %arg1, %mul3A_56 : i32
    %scan3A_58 = arith.constant 0 : i32
    %scan3A_59 = arith.constant 2 : i32
    %scan3A_60 = arith.addi %scan3A_58, %scan3A_59 : i32
    %scan3A_61 = arith.constant 1 : i32
    scf.for %scan3A_71 = %scan3A_58 to %scan3A_60 step %scan3A_61  : i32 {
      %mul3A_72 = arith.constant 1 : i32
      %mul3A_73 = arith.muli %scan3A_71, %mul3A_72 : i32
      %add3A_74 = arith.constant 0 : i32
      %add3A_75 = arith.addi %add3A_74, %mul3A_73 : i32
      %mul3A_76 = arith.constant 256 : i32
      %mul3A_77 = arith.muli %add3A_75, %mul3A_76 : i32
      %add3A_78 = arith.addi %mul3A_57, %mul3A_77 : i32
      "tpu.region"() ({
        %run_scoped3A = tpu.sem_alloc : memref<!tpu.dma_semaphore, #tpu.memory_space<semaphore_mem>>
        %dma_start3A = arith.constant 0 : i32
        %dma_start3A_82 = tpu.memref_slice %arg13[%add3A_78, %dma_start3A] : memref<10016x64xf32, #tpu.memory_space<vmem_shared>> -> memref<256x64xf32, #tpu.memory_space<vmem_shared>>
        %dma_start3A_83 = arith.constant 0 : i32
        %dma_start3A_84 = tpu.memref_slice %arg13[%add3A_78, %dma_start3A_83] : memref<10016x64xf32, #tpu.memory_space<vmem_shared>> -> memref<256x64xf32, #tpu.memory_space<vmem_shared>>
        tpu.enqueue_dma source(%arg9 : memref<256x64xf32, #tpu.memory_space<vmem>>) target(%dma_start3A_84 : memref<256x64xf32, #tpu.memory_space<vmem_shared>>) target_semaphore(%run_scoped3A : memref<!tpu.dma_semaphore, #tpu.memory_space<semaphore_mem>>)
        %dma_wait3A = arith.constant 0 : i32
        %dma_wait3A_85 = tpu.memref_slice %arg13[%add3A_78, %dma_wait3A] : memref<10016x64xf32, #tpu.memory_space<vmem_shared>> -> memref<256x64xf32, #tpu.memory_space<vmem_shared>>
        %dma_wait3A_86 = arith.constant 0 : i32
        %dma_wait3A_87 = tpu.memref_slice %arg13[%add3A_78, %dma_wait3A_86] : memref<10016x64xf32, #tpu.memory_space<vmem_shared>> -> memref<256x64xf32, #tpu.memory_space<vmem_shared>>
        tpu.wait_dma2 semaphore(%run_scoped3A : memref<!tpu.dma_semaphore, #tpu.memory_space<semaphore_mem>>) src(%arg9 : memref<256x64xf32, #tpu.memory_space<vmem>>) dst(%dma_wait3A_87 : memref<256x64xf32, #tpu.memory_space<vmem_shared>>)
        tpu.yield
      }) : () -> ()
      %mul3A_79 = arith.constant 256 : i32
      %mul3A_80 = arith.muli %add3A_75, %mul3A_79 : i32
      %add3A_81 = arith.addi %mul3A_57, %mul3A_80 : i32
      "tpu.region"() ({
        %run_scoped3A = tpu.sem_alloc : memref<!tpu.dma_semaphore, #tpu.memory_space<semaphore_mem>>
        %dma_start3A = arith.constant 0 : i32
        %dma_start3A_82 = tpu.memref_slice %arg14[%add3A_81, %dma_start3A] : memref<10016x16xf32, #tpu.memory_space<vmem_shared>> -> memref<256x16xf32, #tpu.memory_space<vmem_shared>>
        %dma_start3A_83 = arith.constant 0 : i32
        %dma_start3A_84 = tpu.memref_slice %arg14[%add3A_81, %dma_start3A_83] : memref<10016x16xf32, #tpu.memory_space<vmem_shared>> -> memref<256x16xf32, #tpu.memory_space<vmem_shared>>
        tpu.enqueue_dma source(%arg11 : memref<256x16xf32, #tpu.memory_space<vmem>>) target(%dma_start3A_84 : memref<256x16xf32, #tpu.memory_space<vmem_shared>>) target_semaphore(%run_scoped3A : memref<!tpu.dma_semaphore, #tpu.memory_space<semaphore_mem>>)
        %dma_wait3A = arith.constant 0 : i32
        %dma_wait3A_85 = tpu.memref_slice %arg14[%add3A_81, %dma_wait3A] : memref<10016x16xf32, #tpu.memory_space<vmem_shared>> -> memref<256x16xf32, #tpu.memory_space<vmem_shared>>
        %dma_wait3A_86 = arith.constant 0 : i32
        %dma_wait3A_87 = tpu.memref_slice %arg14[%add3A_81, %dma_wait3A_86] : memref<10016x16xf32, #tpu.memory_space<vmem_shared>> -> memref<256x16xf32, #tpu.memory_space<vmem_shared>>
        tpu.wait_dma2 semaphore(%run_scoped3A : memref<!tpu.dma_semaphore, #tpu.memory_space<semaphore_mem>>) src(%arg11 : memref<256x16xf32, #tpu.memory_space<vmem>>) dst(%dma_wait3A_87 : memref<256x16xf32, #tpu.memory_space<vmem_shared>>)
        tpu.yield
      }) : () -> ()
    }
    %scan3A_62 = arith.constant 2 : i32
    %add3A_63 = arith.constant 512 : i32
    %add3A_64 = arith.addi %mul3A_57, %add3A_63 : i32
    "tpu.region"() ({
      %run_scoped3A = tpu.sem_alloc : memref<!tpu.dma_semaphore, #tpu.memory_space<semaphore_mem>>
      %dma_start3A = arith.constant 0 : i32
      %dma_start3A_71 = arith.constant 0 : i32
      %dma_start3A_72 = tpu.memref_slice %arg9[%dma_start3A, %dma_start3A_71] : memref<256x64xf32, #tpu.memory_space<vmem>> -> memref<114x64xf32, #tpu.memory_space<vmem>>
      %dma_start3A_73 = arith.constant 0 : i32
      %dma_start3A_74 = tpu.memref_slice %arg13[%add3A_64, %dma_start3A_73] : memref<10016x64xf32, #tpu.memory_space<vmem_shared>> -> memref<114x64xf32, #tpu.memory_space<vmem_shared>>
      %dma_start3A_75 = arith.constant 0 : i32
      %dma_start3A_76 = tpu.memref_slice %arg13[%add3A_64, %dma_start3A_75] : memref<10016x64xf32, #tpu.memory_space<vmem_shared>> -> memref<114x64xf32, #tpu.memory_space<vmem_shared>>
      %dma_start3A_77 = arith.constant 0 : i32
      %dma_start3A_78 = arith.constant 0 : i32
      %dma_start3A_79 = tpu.memref_slice %arg9[%dma_start3A_77, %dma_start3A_78] : memref<256x64xf32, #tpu.memory_space<vmem>> -> memref<114x64xf32, #tpu.memory_space<vmem>>
      tpu.enqueue_dma source(%dma_start3A_79 : memref<114x64xf32, #tpu.memory_space<vmem>>) target(%dma_start3A_76 : memref<114x64xf32, #tpu.memory_space<vmem_shared>>) target_semaphore(%run_scoped3A : memref<!tpu.dma_semaphore, #tpu.memory_space<semaphore_mem>>)
      %dma_wait3A = arith.constant 0 : i32
      %dma_wait3A_80 = arith.constant 0 : i32
      %dma_wait3A_81 = tpu.memref_slice %arg9[%dma_wait3A, %dma_wait3A_80] : memref<256x64xf32, #tpu.memory_space<vmem>> -> memref<114x64xf32, #tpu.memory_space<vmem>>
      %dma_wait3A_82 = arith.constant 0 : i32
      %dma_wait3A_83 = tpu.memref_slice %arg13[%add3A_64, %dma_wait3A_82] : memref<10016x64xf32, #tpu.memory_space<vmem_shared>> -> memref<114x64xf32, #tpu.memory_space<vmem_shared>>
      %dma_wait3A_84 = arith.constant 0 : i32
      %dma_wait3A_85 = tpu.memref_slice %arg13[%add3A_64, %dma_wait3A_84] : memref<10016x64xf32, #tpu.memory_space<vmem_shared>> -> memref<114x64xf32, #tpu.memory_space<vmem_shared>>
      %dma_wait3A_86 = arith.constant 0 : i32
      %dma_wait3A_87 = arith.constant 0 : i32
      %dma_wait3A_88 = tpu.memref_slice %arg9[%dma_wait3A_86, %dma_wait3A_87] : memref<256x64xf32, #tpu.memory_space<vmem>> -> memref<114x64xf32, #tpu.memory_space<vmem>>
      tpu.wait_dma2 semaphore(%run_scoped3A : memref<!tpu.dma_semaphore, #tpu.memory_space<semaphore_mem>>) src(%dma_wait3A_88 : memref<114x64xf32, #tpu.memory_space<vmem>>) dst(%dma_wait3A_85 : memref<114x64xf32, #tpu.memory_space<vmem_shared>>)
      tpu.yield
    }) : () -> ()
    "tpu.region"() ({
      %run_scoped3A = tpu.sem_alloc : memref<!tpu.dma_semaphore, #tpu.memory_space<semaphore_mem>>
      %dma_start3A = arith.constant 0 : i32
      %dma_start3A_71 = arith.constant 0 : i32
      %dma_start3A_72 = tpu.memref_slice %arg11[%dma_start3A, %dma_start3A_71] : memref<256x16xf32, #tpu.memory_space<vmem>> -> memref<114x16xf32, #tpu.memory_space<vmem>>
      %dma_start3A_73 = arith.constant 0 : i32
      %dma_start3A_74 = tpu.memref_slice %arg14[%add3A_64, %dma_start3A_73] : memref<10016x16xf32, #tpu.memory_space<vmem_shared>> -> memref<114x16xf32, #tpu.memory_space<vmem_shared>>
      %dma_start3A_75 = arith.constant 0 : i32
      %dma_start3A_76 = tpu.memref_slice %arg14[%add3A_64, %dma_start3A_75] : memref<10016x16xf32, #tpu.memory_space<vmem_shared>> -> memref<114x16xf32, #tpu.memory_space<vmem_shared>>
      %dma_start3A_77 = arith.constant 0 : i32
      %dma_start3A_78 = arith.constant 0 : i32
      %dma_start3A_79 = tpu.memref_slice %arg11[%dma_start3A_77, %dma_start3A_78] : memref<256x16xf32, #tpu.memory_space<vmem>> -> memref<114x16xf32, #tpu.memory_space<vmem>>
      tpu.enqueue_dma source(%dma_start3A_79 : memref<114x16xf32, #tpu.memory_space<vmem>>) target(%dma_start3A_76 : memref<114x16xf32, #tpu.memory_space<vmem_shared>>) target_semaphore(%run_scoped3A : memref<!tpu.dma_semaphore, #tpu.memory_space<semaphore_mem>>)
      %dma_wait3A = arith.constant 0 : i32
      %dma_wait3A_80 = arith.constant 0 : i32
      %dma_wait3A_81 = tpu.memref_slice %arg11[%dma_wait3A, %dma_wait3A_80] : memref<256x16xf32, #tpu.memory_space<vmem>> -> memref<114x16xf32, #tpu.memory_space<vmem>>
      %dma_wait3A_82 = arith.constant 0 : i32
      %dma_wait3A_83 = tpu.memref_slice %arg14[%add3A_64, %dma_wait3A_82] : memref<10016x16xf32, #tpu.memory_space<vmem_shared>> -> memref<114x16xf32, #tpu.memory_space<vmem_shared>>
      %dma_wait3A_84 = arith.constant 0 : i32
      %dma_wait3A_85 = tpu.memref_slice %arg14[%add3A_64, %dma_wait3A_84] : memref<10016x16xf32, #tpu.memory_space<vmem_shared>> -> memref<114x16xf32, #tpu.memory_space<vmem_shared>>
      %dma_wait3A_86 = arith.constant 0 : i32
      %dma_wait3A_87 = arith.constant 0 : i32
      %dma_wait3A_88 = tpu.memref_slice %arg11[%dma_wait3A_86, %dma_wait3A_87] : memref<256x16xf32, #tpu.memory_space<vmem>> -> memref<114x16xf32, #tpu.memory_space<vmem>>
      tpu.wait_dma2 semaphore(%run_scoped3A : memref<!tpu.dma_semaphore, #tpu.memory_space<semaphore_mem>>) src(%dma_wait3A_88 : memref<114x16xf32, #tpu.memory_space<vmem>>) dst(%dma_wait3A_85 : memref<114x16xf32, #tpu.memory_space<vmem_shared>>)
      tpu.yield
    }) : () -> ()
    %barrier3A = arith.constant 0 : index
    tpu.barrier barrier_id(%barrier3A)
    %scan3A_65 = arith.constant 0 : i32
    %scan3A_66 = arith.constant 41 : i32
    %scan3A_67 = arith.addi %scan3A_65, %scan3A_66 : i32
    %scan3A_68 = arith.constant 1 : i32
    scf.for %scan3A_71 = %scan3A_65 to %scan3A_67 step %scan3A_68  : i32 {
      %mul3A_72 = arith.constant 1 : i32
      %mul3A_73 = arith.muli %scan3A_71, %mul3A_72 : i32
      %add3A_74 = arith.constant 0 : i32
      %add3A_75 = arith.addi %add3A_74, %mul3A_73 : i32
      %mul3A_76 = arith.constant 41 : i32
      %mul3A_77 = arith.muli %add3A, %mul3A_76 : i32
      %add3A_78 = arith.addi %mul3A_77, %add3A_75 : i32
      "tpu.region"() ({
        %run_scoped3A_111 = tpu.sem_alloc : memref<!tpu.dma_semaphore, #tpu.memory_space<semaphore_mem>>
        %dma_start3A_112 = arith.constant 0 : i32
        %dma_start3A_113 = arith.constant 0 : i32
        %dma_start3A_114 = tpu.memref_slice %arg4[%add3A_78, %dma_start3A_112, %dma_start3A_113] : memref<1312x2x256xi32, #tpu.memory_space<hbm>> -> memref<1x2x256xi32, #tpu.memory_space<hbm>>
        %dma_start3A_115 = tpu.memref_squeeze %dma_start3A_114 : memref<1x2x256xi32, #tpu.memory_space<hbm>> -> memref<2x256xi32, #tpu.memory_space<hbm>>
        %dma_start3A_116 = arith.constant 0 : i32
        %dma_start3A_117 = arith.constant 0 : i32
        %dma_start3A_118 = tpu.memref_slice %arg4[%add3A_78, %dma_start3A_116, %dma_start3A_117] : memref<1312x2x256xi32, #tpu.memory_space<hbm>> -> memref<1x2x256xi32, #tpu.memory_space<hbm>>
        %dma_start3A_119 = tpu.memref_squeeze %dma_start3A_118 : memref<1x2x256xi32, #tpu.memory_space<hbm>> -> memref<2x256xi32, #tpu.memory_space<hbm>>
        tpu.enqueue_dma source(%dma_start3A_119 : memref<2x256xi32, #tpu.memory_space<hbm>>) target(%arg8 : memref<2x256xi32, #tpu.memory_space<vmem>>) target_semaphore(%run_scoped3A_111 : memref<!tpu.dma_semaphore, #tpu.memory_space<semaphore_mem>>)
        %dma_wait3A_120 = arith.constant 0 : i32
        %dma_wait3A_121 = arith.constant 0 : i32
        %dma_wait3A_122 = tpu.memref_slice %arg4[%add3A_78, %dma_wait3A_120, %dma_wait3A_121] : memref<1312x2x256xi32, #tpu.memory_space<hbm>> -> memref<1x2x256xi32, #tpu.memory_space<hbm>>
        %dma_wait3A_123 = tpu.memref_squeeze %dma_wait3A_122 : memref<1x2x256xi32, #tpu.memory_space<hbm>> -> memref<2x256xi32, #tpu.memory_space<hbm>>
        %dma_wait3A_124 = arith.constant 0 : i32
        %dma_wait3A_125 = arith.constant 0 : i32
        %dma_wait3A_126 = tpu.memref_slice %arg4[%add3A_78, %dma_wait3A_124, %dma_wait3A_125] : memref<1312x2x256xi32, #tpu.memory_space<hbm>> -> memref<1x2x256xi32, #tpu.memory_space<hbm>>
        %dma_wait3A_127 = tpu.memref_squeeze %dma_wait3A_126 : memref<1x2x256xi32, #tpu.memory_space<hbm>> -> memref<2x256xi32, #tpu.memory_space<hbm>>
        tpu.wait_dma2 semaphore(%run_scoped3A_111 : memref<!tpu.dma_semaphore, #tpu.memory_space<semaphore_mem>>) src(%dma_wait3A_127 : memref<2x256xi32, #tpu.memory_space<hbm>>) dst(%arg8 : memref<2x256xi32, #tpu.memory_space<vmem>>)
        tpu.yield
      }) : () -> ()
      %dma_start3A = arith.constant 0 : i32
      %dma_start3A_79 = arith.constant 0 : i32
      %dma_start3A_80 = tpu.memref_slice %arg8[%dma_start3A, %dma_start3A_79] : memref<2x256xi32, #tpu.memory_space<vmem>> -> memref<1x256xi32, #tpu.memory_space<vmem>>
      %dma_start3A_81 = tpu.memref_squeeze %dma_start3A_80 : memref<1x256xi32, #tpu.memory_space<vmem>> -> memref<256xi32, #tpu.memory_space<vmem>>
      %dma_start3A_82 = arith.constant 0 : i32
      %dma_start3A_83 = arith.constant 0 : i32
      %dma_start3A_84 = tpu.memref_slice %arg2[%dma_start3A_82, %dma_start3A_83] : memref<10016x64xf32, #tpu.memory_space<hbm>> -> memref<10016x64xf32, #tpu.memory_space<hbm>>
      tpu.enqueue_indirect_dma source(%dma_start3A_84 : memref<10016x64xf32, #tpu.memory_space<hbm>>) target(%arg9 : memref<256x64xf32, #tpu.memory_space<vmem>>) offsets(%dma_start3A_81 : memref<256xi32, #tpu.memory_space<vmem>>) semaphore(%arg15 : memref<!tpu.dma_semaphore, #tpu.memory_space<semaphore_mem>>)
      %dma_start3A_85 = arith.constant 1 : i32
      %dma_start3A_86 = arith.constant 0 : i32
      %dma_start3A_87 = tpu.memref_slice %arg8[%dma_start3A_85, %dma_start3A_86] : memref<2x256xi32, #tpu.memory_space<vmem>> -> memref<1x256xi32, #tpu.memory_space<vmem>>
      %dma_start3A_88 = tpu.memref_squeeze %dma_start3A_87 : memref<1x256xi32, #tpu.memory_space<vmem>> -> memref<256xi32, #tpu.memory_space<vmem>>
      %dma_start3A_89 = arith.constant 0 : i32
      %dma_start3A_90 = arith.constant 0 : i32
      %dma_start3A_91 = tpu.memref_slice %arg3[%dma_start3A_89, %dma_start3A_90] : memref<10016x64xf32, #tpu.memory_space<hbm>> -> memref<10016x64xf32, #tpu.memory_space<hbm>>
      tpu.enqueue_indirect_dma source(%dma_start3A_91 : memref<10016x64xf32, #tpu.memory_space<hbm>>) target(%arg10 : memref<256x64xf32, #tpu.memory_space<vmem>>) offsets(%dma_start3A_88 : memref<256xi32, #tpu.memory_space<vmem>>) semaphore(%arg16 : memref<!tpu.dma_semaphore, #tpu.memory_space<semaphore_mem>>)
      %dma_wait3A = arith.constant 0 : i32
      %dma_wait3A_92 = arith.constant 0 : i32
      %dma_wait3A_93 = tpu.memref_slice %arg8[%dma_wait3A, %dma_wait3A_92] : memref<2x256xi32, #tpu.memory_space<vmem>> -> memref<1x256xi32, #tpu.memory_space<vmem>>
      %dma_wait3A_94 = tpu.memref_squeeze %dma_wait3A_93 : memref<1x256xi32, #tpu.memory_space<vmem>> -> memref<256xi32, #tpu.memory_space<vmem>>
      %dma_wait3A_95 = arith.constant 0 : i32
      %dma_wait3A_96 = arith.constant 0 : i32
      %dma_wait3A_97 = tpu.memref_slice %arg2[%dma_wait3A_95, %dma_wait3A_96] : memref<10016x64xf32, #tpu.memory_space<hbm>> -> memref<10016x64xf32, #tpu.memory_space<hbm>>
      tpu.wait_indirect_dma semaphore(%arg15 : memref<!tpu.dma_semaphore, #tpu.memory_space<semaphore_mem>>) src(%dma_wait3A_97 : memref<10016x64xf32, #tpu.memory_space<hbm>>) dst(%arg9 : memref<256x64xf32, #tpu.memory_space<vmem>>)
      %dma_wait3A_98 = arith.constant 1 : i32
      %dma_wait3A_99 = arith.constant 0 : i32
      %dma_wait3A_100 = tpu.memref_slice %arg8[%dma_wait3A_98, %dma_wait3A_99] : memref<2x256xi32, #tpu.memory_space<vmem>> -> memref<1x256xi32, #tpu.memory_space<vmem>>
      %dma_wait3A_101 = tpu.memref_squeeze %dma_wait3A_100 : memref<1x256xi32, #tpu.memory_space<vmem>> -> memref<256xi32, #tpu.memory_space<vmem>>
      %dma_wait3A_102 = arith.constant 0 : i32
      %dma_wait3A_103 = arith.constant 0 : i32
      %dma_wait3A_104 = tpu.memref_slice %arg3[%dma_wait3A_102, %dma_wait3A_103] : memref<10016x64xf32, #tpu.memory_space<hbm>> -> memref<10016x64xf32, #tpu.memory_space<hbm>>
      tpu.wait_indirect_dma semaphore(%arg16 : memref<!tpu.dma_semaphore, #tpu.memory_space<semaphore_mem>>) src(%dma_wait3A_104 : memref<10016x64xf32, #tpu.memory_space<hbm>>) dst(%arg10 : memref<256x64xf32, #tpu.memory_space<vmem>>)
      %scan3A_105 = arith.constant 0 : i32
      %scan3A_106 = arith.constant 256 : i32
      %scan3A_107 = arith.addi %scan3A_105, %scan3A_106 : i32
      %scan3A_108 = arith.constant 2 : i32
      scf.for %scan3A_111 = %scan3A_105 to %scan3A_107 step %scan3A_108  : i32 {
        %mul3A_112 = arith.constant 1 : i32
        %mul3A_113 = arith.muli %scan3A_111, %mul3A_112 : i32
        %add3A_114 = arith.constant 0 : i32
        %add3A_115 = arith.addi %add3A_114, %mul3A_113 : i32
        %get3A_116 = arith.index_cast %add3A_115 : i32 to index
        %get3A_117 = arith.constant 0 : index
        %get3A_118 = tpu.vector_load %arg9[%get3A_116, %get3A_117] {strides = array<i32>} : memref<256x64xf32, #tpu.memory_space<vmem>>, vector<1x16xf32>,
        %get3A_119 = vector.shape_cast %get3A_118 : vector<1x16xf32> to vector<16xf32>
        %get3A_120 = arith.index_cast %add3A_115 : i32 to index
        %get3A_121 = arith.constant 16 : index
        %get3A_122 = tpu.vector_load %arg9[%get3A_120, %get3A_121] {strides = array<i32>} : memref<256x64xf32, #tpu.memory_space<vmem>>, vector<1x16xf32>,
        %get3A_123 = vector.shape_cast %get3A_122 : vector<1x16xf32> to vector<16xf32>
        %get3A_124 = arith.index_cast %add3A_115 : i32 to index
        %get3A_125 = arith.constant 32 : index
        %get3A_126 = tpu.vector_load %arg9[%get3A_124, %get3A_125] {strides = array<i32>} : memref<256x64xf32, #tpu.memory_space<vmem>>, vector<1x16xf32>,
        %get3A_127 = vector.shape_cast %get3A_126 : vector<1x16xf32> to vector<16xf32>
        %get3A_128 = arith.index_cast %add3A_115 : i32 to index
        %get3A_129 = arith.constant 48 : index
        %get3A_130 = tpu.vector_load %arg9[%get3A_128, %get3A_129] {strides = array<i32>} : memref<256x64xf32, #tpu.memory_space<vmem>>, vector<1x16xf32>,
        %get3A_131 = vector.shape_cast %get3A_130 : vector<1x16xf32> to vector<16xf32>
        %get3A_132 = arith.index_cast %add3A_115 : i32 to index
        %get3A_133 = arith.constant 0 : index
        %get3A_134 = tpu.vector_load %arg10[%get3A_132, %get3A_133] {strides = array<i32>} : memref<256x64xf32, #tpu.memory_space<vmem>>, vector<1x16xf32>,
        %get3A_135 = vector.shape_cast %get3A_134 : vector<1x16xf32> to vector<16xf32>
        %add3A_136 = arith.addf %get3A_119, %get3A_135 : vector<16xf32>
        %mul3A_137 = arith.constant 2.000000e-01 : f32
        %mul3A_138 = vector.broadcast %mul3A_137 : f32 to vector<16xf32>
        %mul3A_139 = arith.mulf %mul3A_138, %add3A_136 : vector<16xf32>
        %max3A = arith.maximumf %add3A_136, %mul3A_139 : vector<16xf32>
        %mul3A_140 = arith.mulf %max3A, %get3A_2 : vector<16xf32>
        %iota3A_141 = tpu.iota {dimensions = array<i32: 0>} : vector<16xi32>
        %xor3A = arith.constant 1 : i32
        %xor3A_142 = vector.broadcast %xor3A : i32 to vector<16xi32>
        %xor3A_143 = arith.xori %iota3A_141, %xor3A_142 : vector<16xi32>
        %reshape3A = vector.shape_cast %xor3A_143 : vector<16xi32> to vector<16x1xi32>
        %gather3A = vector.shape_cast %reshape3A : vector<16x1xi32> to vector<16xi32>
        %gather3A_144 = tpu.dynamic_gather %mul3A_140[%gather3A] in [0] : vector<16xf32>, vector<16xi32> -> vector<16xf32>
        %add3A_145 = arith.addf %mul3A_140, %gather3A_144 : vector<16xf32>
        %xor3A_146 = arith.constant 2 : i32
        %xor3A_147 = vector.broadcast %xor3A_146 : i32 to vector<16xi32>
        %xor3A_148 = arith.xori %iota3A_141, %xor3A_147 : vector<16xi32>
        %reshape3A_149 = vector.shape_cast %xor3A_148 : vector<16xi32> to vector<16x1xi32>
        %gather3A_150 = vector.shape_cast %reshape3A_149 : vector<16x1xi32> to vector<16xi32>
        %gather3A_151 = tpu.dynamic_gather %add3A_145[%gather3A_150] in [0] : vector<16xf32>, vector<16xi32> -> vector<16xf32>
        %add3A_152 = arith.addf %add3A_145, %gather3A_151 : vector<16xf32>
        %xor3A_153 = arith.constant 4 : i32
        %xor3A_154 = vector.broadcast %xor3A_153 : i32 to vector<16xi32>
        %xor3A_155 = arith.xori %iota3A_141, %xor3A_154 : vector<16xi32>
        %reshape3A_156 = vector.shape_cast %xor3A_155 : vector<16xi32> to vector<16x1xi32>
        %gather3A_157 = vector.shape_cast %reshape3A_156 : vector<16x1xi32> to vector<16xi32>
        %gather3A_158 = tpu.dynamic_gather %add3A_152[%gather3A_157] in [0] : vector<16xf32>, vector<16xi32> -> vector<16xf32>
        %add3A_159 = arith.addf %add3A_152, %gather3A_158 : vector<16xf32>
        %exp3A = math.exp %add3A_159 : vector<16xf32>
        %mul3A_160 = arith.mulf %exp3A, %get3A_119 : vector<16xf32>
        %swap3A = arith.index_cast %add3A_115 : i32 to index
        %swap3A_161 = arith.constant 0 : index
        %swap3A_162 = tpu.vector_load %arg10[%swap3A, %swap3A_161] {strides = array<i32>} : memref<256x64xf32, #tpu.memory_space<vmem>>, vector<1x16xf32>,
        %swap3A_163 = vector.shape_cast %swap3A_162 : vector<1x16xf32> to vector<16xf32>
        %swap3A_164 = vector.shape_cast %mul3A_160 : vector<16xf32> to vector<1x16xf32>
        tpu.vector_store %arg10[%swap3A, %swap3A_161], %swap3A_164 {strides = array<i32>} : memref<256x64xf32, #tpu.memory_space<vmem>>, vector<1x16xf32>,
        %reshape3A_165 = vector.shape_cast %mul3A_16 : vector<16xi32> to vector<16x1xi32>
        %gather3A_166 = vector.shape_cast %reshape3A_165 : vector<16x1xi32> to vector<16xi32>
        %gather3A_167 = tpu.dynamic_gather %exp3A[%gather3A_166] in [0] : vector<16xf32>, vector<16xi32> -> vector<16xf32>
        %jit3A = arith.constant 0.000000e+00 : f32
        %broadcast_in_dim3A_168 = vector.broadcast %jit3A : f32 to vector<16xf32>
        %select_n3A = arith.select %eq3A_23, %gather3A_167, %broadcast_in_dim3A_168 : vector<16xi1>, vector<16xf32>
        %get3A_169 = arith.index_cast %add3A_115 : i32 to index
        %get3A_170 = arith.constant 16 : index
        %get3A_171 = tpu.vector_load %arg10[%get3A_169, %get3A_170] {strides = array<i32>} : memref<256x64xf32, #tpu.memory_space<vmem>>, vector<1x16xf32>,
        %get3A_172 = vector.shape_cast %get3A_171 : vector<1x16xf32> to vector<16xf32>
        %add3A_173 = arith.addf %get3A_123, %get3A_172 : vector<16xf32>
        %mul3A_174 = arith.constant 2.000000e-01 : f32
        %mul3A_175 = vector.broadcast %mul3A_174 : f32 to vector<16xf32>
        %mul3A_176 = arith.mulf %mul3A_175, %add3A_173 : vector<16xf32>
        %max3A_177 = arith.maximumf %add3A_173, %mul3A_176 : vector<16xf32>
        %mul3A_178 = arith.mulf %max3A_177, %get3A_5 : vector<16xf32>
        %iota3A_179 = tpu.iota {dimensions = array<i32: 0>} : vector<16xi32>
        %xor3A_180 = arith.constant 1 : i32
        %xor3A_181 = vector.broadcast %xor3A_180 : i32 to vector<16xi32>
        %xor3A_182 = arith.xori %iota3A_179, %xor3A_181 : vector<16xi32>
        %reshape3A_183 = vector.shape_cast %xor3A_182 : vector<16xi32> to vector<16x1xi32>
        %gather3A_184 = vector.shape_cast %reshape3A_183 : vector<16x1xi32> to vector<16xi32>
        %gather3A_185 = tpu.dynamic_gather %mul3A_178[%gather3A_184] in [0] : vector<16xf32>, vector<16xi32> -> vector<16xf32>
        %add3A_186 = arith.addf %mul3A_178, %gather3A_185 : vector<16xf32>
        %xor3A_187 = arith.constant 2 : i32
        %xor3A_188 = vector.broadcast %xor3A_187 : i32 to vector<16xi32>
        %xor3A_189 = arith.xori %iota3A_179, %xor3A_188 : vector<16xi32>
        %reshape3A_190 = vector.shape_cast %xor3A_189 : vector<16xi32> to vector<16x1xi32>
        %gather3A_191 = vector.shape_cast %reshape3A_190 : vector<16x1xi32> to vector<16xi32>
        %gather3A_192 = tpu.dynamic_gather %add3A_186[%gather3A_191] in [0] : vector<16xf32>, vector<16xi32> -> vector<16xf32>
        %add3A_193 = arith.addf %add3A_186, %gather3A_192 : vector<16xf32>
        %xor3A_194 = arith.constant 4 : i32
        %xor3A_195 = vector.broadcast %xor3A_194 : i32 to vector<16xi32>
        %xor3A_196 = arith.xori %iota3A_179, %xor3A_195 : vector<16xi32>
        %reshape3A_197 = vector.shape_cast %xor3A_196 : vector<16xi32> to vector<16x1xi32>
        %gather3A_198 = vector.shape_cast %reshape3A_197 : vector<16x1xi32> to vector<16xi32>
        %gather3A_199 = tpu.dynamic_gather %add3A_193[%gather3A_198] in [0] : vector<16xf32>, vector<16xi32> -> vector<16xf32>
        %add3A_200 = arith.addf %add3A_193, %gather3A_199 : vector<16xf32>
        %exp3A_201 = math.exp %add3A_200 : vector<16xf32>
        %mul3A_202 = arith.mulf %exp3A_201, %get3A_123 : vector<16xf32>
        %swap3A_203 = arith.index_cast %add3A_115 : i32 to index
        %swap3A_204 = arith.constant 16 : index
        %swap3A_205 = tpu.vector_load %arg10[%swap3A_203, %swap3A_204] {strides = array<i32>} : memref<256x64xf32, #tpu.memory_space<vmem>>, vector<1x16xf32>,
        %swap3A_206 = vector.shape_cast %swap3A_205 : vector<1x16xf32> to vector<16xf32>
        %swap3A_207 = vector.shape_cast %mul3A_202 : vector<16xf32> to vector<1x16xf32>
        tpu.vector_store %arg10[%swap3A_203, %swap3A_204], %swap3A_207 {strides = array<i32>} : memref<256x64xf32, #tpu.memory_space<vmem>>, vector<1x16xf32>,
        %reshape3A_208 = vector.shape_cast %mul3A_16 : vector<16xi32> to vector<16x1xi32>
        %gather3A_209 = vector.shape_cast %reshape3A_208 : vector<16x1xi32> to vector<16xi32>
        %gather3A_210 = tpu.dynamic_gather %exp3A_201[%gather3A_209] in [0] : vector<16xf32>, vector<16xi32> -> vector<16xf32>
        %jit3A_211 = arith.constant 0.000000e+00 : f32
        %broadcast_in_dim3A_212 = vector.broadcast %jit3A_211 : f32 to vector<16xf32>
        %select_n3A_213 = arith.select %eq3A_32, %gather3A_210, %broadcast_in_dim3A_212 : vector<16xi1>, vector<16xf32>
        %add3A_214 = arith.addf %select_n3A, %select_n3A_213 : vector<16xf32>
        %get3A_215 = arith.index_cast %add3A_115 : i32 to index
        %get3A_216 = arith.constant 32 : index
        %get3A_217 = tpu.vector_load %arg10[%get3A_215, %get3A_216] {strides = array<i32>} : memref<256x64xf32, #tpu.memory_space<vmem>>, vector<1x16xf32>,
        %get3A_218 = vector.shape_cast %get3A_217 : vector<1x16xf32> to vector<16xf32>
        %add3A_219 = arith.addf %get3A_127, %get3A_218 : vector<16xf32>
        %mul3A_220 = arith.constant 2.000000e-01 : f32
        %mul3A_221 = vector.broadcast %mul3A_220 : f32 to vector<16xf32>
        %mul3A_222 = arith.mulf %mul3A_221, %add3A_219 : vector<16xf32>
        %max3A_223 = arith.maximumf %add3A_219, %mul3A_222 : vector<16xf32>
        %mul3A_224 = arith.mulf %max3A_223, %get3A_8 : vector<16xf32>
        %iota3A_225 = tpu.iota {dimensions = array<i32: 0>} : vector<16xi32>
        %xor3A_226 = arith.constant 1 : i32
        %xor3A_227 = vector.broadcast %xor3A_226 : i32 to vector<16xi32>
        %xor3A_228 = arith.xori %iota3A_225, %xor3A_227 : vector<16xi32>
        %reshape3A_229 = vector.shape_cast %xor3A_228 : vector<16xi32> to vector<16x1xi32>
        %gather3A_230 = vector.shape_cast %reshape3A_229 : vector<16x1xi32> to vector<16xi32>
        %gather3A_231 = tpu.dynamic_gather %mul3A_224[%gather3A_230] in [0] : vector<16xf32>, vector<16xi32> -> vector<16xf32>
        %add3A_232 = arith.addf %mul3A_224, %gather3A_231 : vector<16xf32>
        %xor3A_233 = arith.constant 2 : i32
        %xor3A_234 = vector.broadcast %xor3A_233 : i32 to vector<16xi32>
        %xor3A_235 = arith.xori %iota3A_225, %xor3A_234 : vector<16xi32>
        %reshape3A_236 = vector.shape_cast %xor3A_235 : vector<16xi32> to vector<16x1xi32>
        %gather3A_237 = vector.shape_cast %reshape3A_236 : vector<16x1xi32> to vector<16xi32>
        %gather3A_238 = tpu.dynamic_gather %add3A_232[%gather3A_237] in [0] : vector<16xf32>, vector<16xi32> -> vector<16xf32>
        %add3A_239 = arith.addf %add3A_232, %gather3A_238 : vector<16xf32>
        %xor3A_240 = arith.constant 4 : i32
        %xor3A_241 = vector.broadcast %xor3A_240 : i32 to vector<16xi32>
        %xor3A_242 = arith.xori %iota3A_225, %xor3A_241 : vector<16xi32>
        %reshape3A_243 = vector.shape_cast %xor3A_242 : vector<16xi32> to vector<16x1xi32>
        %gather3A_244 = vector.shape_cast %reshape3A_243 : vector<16x1xi32> to vector<16xi32>
        %gather3A_245 = tpu.dynamic_gather %add3A_239[%gather3A_244] in [0] : vector<16xf32>, vector<16xi32> -> vector<16xf32>
        %add3A_246 = arith.addf %add3A_239, %gather3A_245 : vector<16xf32>
        %exp3A_247 = math.exp %add3A_246 : vector<16xf32>
        %mul3A_248 = arith.mulf %exp3A_247, %get3A_127 : vector<16xf32>
        %swap3A_249 = arith.index_cast %add3A_115 : i32 to index
        %swap3A_250 = arith.constant 32 : index
        %swap3A_251 = tpu.vector_load %arg10[%swap3A_249, %swap3A_250] {strides = array<i32>} : memref<256x64xf32, #tpu.memory_space<vmem>>, vector<1x16xf32>,
        %swap3A_252 = vector.shape_cast %swap3A_251 : vector<1x16xf32> to vector<16xf32>
        %swap3A_253 = vector.shape_cast %mul3A_248 : vector<16xf32> to vector<1x16xf32>
        tpu.vector_store %arg10[%swap3A_249, %swap3A_250], %swap3A_253 {strides = array<i32>} : memref<256x64xf32, #tpu.memory_space<vmem>>, vector<1x16xf32>,
        %reshape3A_254 = vector.shape_cast %mul3A_16 : vector<16xi32> to vector<16x1xi32>
        %gather3A_255 = vector.shape_cast %reshape3A_254 : vector<16x1xi32> to vector<16xi32>
        %gather3A_256 = tpu.dynamic_gather %exp3A_247[%gather3A_255] in [0] : vector<16xf32>, vector<16xi32> -> vector<16xf32>
        %jit3A_257 = arith.constant 0.000000e+00 : f32
        %broadcast_in_dim3A_258 = vector.broadcast %jit3A_257 : f32 to vector<16xf32>
        %select_n3A_259 = arith.select %eq3A_41, %gather3A_256, %broadcast_in_dim3A_258 : vector<16xi1>, vector<16xf32>
        %add3A_260 = arith.addf %add3A_214, %select_n3A_259 : vector<16xf32>
        %get3A_261 = arith.index_cast %add3A_115 : i32 to index
        %get3A_262 = arith.constant 48 : index
        %get3A_263 = tpu.vector_load %arg10[%get3A_261, %get3A_262] {strides = array<i32>} : memref<256x64xf32, #tpu.memory_space<vmem>>, vector<1x16xf32>,
        %get3A_264 = vector.shape_cast %get3A_263 : vector<1x16xf32> to vector<16xf32>
        %add3A_265 = arith.addf %get3A_131, %get3A_264 : vector<16xf32>
        %mul3A_266 = arith.constant 2.000000e-01 : f32
        %mul3A_267 = vector.broadcast %mul3A_266 : f32 to vector<16xf32>
        %mul3A_268 = arith.mulf %mul3A_267, %add3A_265 : vector<16xf32>
        %max3A_269 = arith.maximumf %add3A_265, %mul3A_268 : vector<16xf32>
        %mul3A_270 = arith.mulf %max3A_269, %get3A_11 : vector<16xf32>
        %iota3A_271 = tpu.iota {dimensions = array<i32: 0>} : vector<16xi32>
        %xor3A_272 = arith.constant 1 : i32
        %xor3A_273 = vector.broadcast %xor3A_272 : i32 to vector<16xi32>
        %xor3A_274 = arith.xori %iota3A_271, %xor3A_273 : vector<16xi32>
        %reshape3A_275 = vector.shape_cast %xor3A_274 : vector<16xi32> to vector<16x1xi32>
        %gather3A_276 = vector.shape_cast %reshape3A_275 : vector<16x1xi32> to vector<16xi32>
        %gather3A_277 = tpu.dynamic_gather %mul3A_270[%gather3A_276] in [0] : vector<16xf32>, vector<16xi32> -> vector<16xf32>
        %add3A_278 = arith.addf %mul3A_270, %gather3A_277 : vector<16xf32>
        %xor3A_279 = arith.constant 2 : i32
        %xor3A_280 = vector.broadcast %xor3A_279 : i32 to vector<16xi32>
        %xor3A_281 = arith.xori %iota3A_271, %xor3A_280 : vector<16xi32>
        %reshape3A_282 = vector.shape_cast %xor3A_281 : vector<16xi32> to vector<16x1xi32>
        %gather3A_283 = vector.shape_cast %reshape3A_282 : vector<16x1xi32> to vector<16xi32>
        %gather3A_284 = tpu.dynamic_gather %add3A_278[%gather3A_283] in [0] : vector<16xf32>, vector<16xi32> -> vector<16xf32>
        %add3A_285 = arith.addf %add3A_278, %gather3A_284 : vector<16xf32>
        %xor3A_286 = arith.constant 4 : i32
        %xor3A_287 = vector.broadcast %xor3A_286 : i32 to vector<16xi32>
        %xor3A_288 = arith.xori %iota3A_271, %xor3A_287 : vector<16xi32>
        %reshape3A_289 = vector.shape_cast %xor3A_288 : vector<16xi32> to vector<16x1xi32>
        %gather3A_290 = vector.shape_cast %reshape3A_289 : vector<16x1xi32> to vector<16xi32>
        %gather3A_291 = tpu.dynamic_gather %add3A_285[%gather3A_290] in [0] : vector<16xf32>, vector<16xi32> -> vector<16xf32>
        %add3A_292 = arith.addf %add3A_285, %gather3A_291 : vector<16xf32>
        %exp3A_293 = math.exp %add3A_292 : vector<16xf32>
        %mul3A_294 = arith.mulf %exp3A_293, %get3A_131 : vector<16xf32>
        %swap3A_295 = arith.index_cast %add3A_115 : i32 to index
        %swap3A_296 = arith.constant 48 : index
        %swap3A_297 = tpu.vector_load %arg10[%swap3A_295, %swap3A_296] {strides = array<i32>} : memref<256x64xf32, #tpu.memory_space<vmem>>, vector<1x16xf32>,
        %swap3A_298 = vector.shape_cast %swap3A_297 : vector<1x16xf32> to vector<16xf32>
        %swap3A_299 = vector.shape_cast %mul3A_294 : vector<16xf32> to vector<1x16xf32>
        tpu.vector_store %arg10[%swap3A_295, %swap3A_296], %swap3A_299 {strides = array<i32>} : memref<256x64xf32, #tpu.memory_space<vmem>>, vector<1x16xf32>,
        %reshape3A_300 = vector.shape_cast %mul3A_16 : vector<16xi32> to vector<16x1xi32>
        %gather3A_301 = vector.shape_cast %reshape3A_300 : vector<16x1xi32> to vector<16xi32>
        %gather3A_302 = tpu.dynamic_gather %exp3A_293[%gather3A_301] in [0] : vector<16xf32>, vector<16xi32> -> vector<16xf32>
        %jit3A_303 = arith.constant 0.000000e+00 : f32
        %broadcast_in_dim3A_304 = vector.broadcast %jit3A_303 : f32 to vector<16xf32>
        %select_n3A_305 = arith.select %eq3A_50, %gather3A_302, %broadcast_in_dim3A_304 : vector<16xi1>, vector<16xf32>
        %add3A_306 = arith.addf %add3A_260, %select_n3A_305 : vector<16xf32>
        %swap3A_307 = arith.index_cast %add3A_115 : i32 to index
        %swap3A_308 = arith.constant 0 : index
        %swap3A_309 = tpu.vector_load %arg11[%swap3A_307, %swap3A_308] {strides = array<i32>} : memref<256x16xf32, #tpu.memory_space<vmem>>, vector<1x16xf32>,
        %swap3A_310 = vector.shape_cast %swap3A_309 : vector<1x16xf32> to vector<16xf32>
        %swap3A_311 = vector.shape_cast %add3A_306 : vector<16xf32> to vector<1x16xf32>
        tpu.vector_store %arg11[%swap3A_307, %swap3A_308], %swap3A_311 {strides = array<i32>} : memref<256x16xf32, #tpu.memory_space<vmem>>, vector<1x16xf32>,
        %scan3A_312 = arith.constant 1 : i32
        %scan3A_313 = arith.addi %scan3A_111, %scan3A_312 : i32
        %mul3A_314 = arith.constant 1 : i32
        %mul3A_315 = arith.muli %scan3A_313, %mul3A_314 : i32
        %add3A_316 = arith.constant 0 : i32
        %add3A_317 = arith.addi %add3A_316, %mul3A_315 : i32
        %get3A_318 = arith.index_cast %add3A_317 : i32 to index
        %get3A_319 = arith.constant 0 : index
        %get3A_320 = tpu.vector_load %arg9[%get3A_318, %get3A_319] {strides = array<i32>} : memref<256x64xf32, #tpu.memory_space<vmem>>, vector<1x16xf32>,
        %get3A_321 = vector.shape_cast %get3A_320 : vector<1x16xf32> to vector<16xf32>
        %get3A_322 = arith.index_cast %add3A_317 : i32 to index
        %get3A_323 = arith.constant 16 : index
        %get3A_324 = tpu.vector_load %arg9[%get3A_322, %get3A_323] {strides = array<i32>} : memref<256x64xf32, #tpu.memory_space<vmem>>, vector<1x16xf32>,
        %get3A_325 = vector.shape_cast %get3A_324 : vector<1x16xf32> to vector<16xf32>
        %get3A_326 = arith.index_cast %add3A_317 : i32 to index
        %get3A_327 = arith.constant 32 : index
        %get3A_328 = tpu.vector_load %arg9[%get3A_326, %get3A_327] {strides = array<i32>} : memref<256x64xf32, #tpu.memory_space<vmem>>, vector<1x16xf32>,
        %get3A_329 = vector.shape_cast %get3A_328 : vector<1x16xf32> to vector<16xf32>
        %get3A_330 = arith.index_cast %add3A_317 : i32 to index
        %get3A_331 = arith.constant 48 : index
        %get3A_332 = tpu.vector_load %arg9[%get3A_330, %get3A_331] {strides = array<i32>} : memref<256x64xf32, #tpu.memory_space<vmem>>, vector<1x16xf32>,
        %get3A_333 = vector.shape_cast %get3A_332 : vector<1x16xf32> to vector<16xf32>
        %get3A_334 = arith.index_cast %add3A_317 : i32 to index
        %get3A_335 = arith.constant 0 : index
        %get3A_336 = tpu.vector_load %arg10[%get3A_334, %get3A_335] {strides = array<i32>} : memref<256x64xf32, #tpu.memory_space<vmem>>, vector<1x16xf32>,
        %get3A_337 = vector.shape_cast %get3A_336 : vector<1x16xf32> to vector<16xf32>
        %add3A_338 = arith.addf %get3A_321, %get3A_337 : vector<16xf32>
        %mul3A_339 = arith.constant 2.000000e-01 : f32
        %mul3A_340 = vector.broadcast %mul3A_339 : f32 to vector<16xf32>
        %mul3A_341 = arith.mulf %mul3A_340, %add3A_338 : vector<16xf32>
        %max3A_342 = arith.maximumf %add3A_338, %mul3A_341 : vector<16xf32>
        %mul3A_343 = arith.mulf %max3A_342, %get3A_2 : vector<16xf32>
        %iota3A_344 = tpu.iota {dimensions = array<i32: 0>} : vector<16xi32>
        %xor3A_345 = arith.constant 1 : i32
        %xor3A_346 = vector.broadcast %xor3A_345 : i32 to vector<16xi32>
        %xor3A_347 = arith.xori %iota3A_344, %xor3A_346 : vector<16xi32>
        %reshape3A_348 = vector.shape_cast %xor3A_347 : vector<16xi32> to vector<16x1xi32>
        %gather3A_349 = vector.shape_cast %reshape3A_348 : vector<16x1xi32> to vector<16xi32>
        %gather3A_350 = tpu.dynamic_gather %mul3A_343[%gather3A_349] in [0] : vector<16xf32>, vector<16xi32> -> vector<16xf32>
        %add3A_351 = arith.addf %mul3A_343, %gather3A_350 : vector<16xf32>
        %xor3A_352 = arith.constant 2 : i32
        %xor3A_353 = vector.broadcast %xor3A_352 : i32 to vector<16xi32>
        %xor3A_354 = arith.xori %iota3A_344, %xor3A_353 : vector<16xi32>
        %reshape3A_355 = vector.shape_cast %xor3A_354 : vector<16xi32> to vector<16x1xi32>
        %gather3A_356 = vector.shape_cast %reshape3A_355 : vector<16x1xi32> to vector<16xi32>
        %gather3A_357 = tpu.dynamic_gather %add3A_351[%gather3A_356] in [0] : vector<16xf32>, vector<16xi32> -> vector<16xf32>
        %add3A_358 = arith.addf %add3A_351, %gather3A_357 : vector<16xf32>
        %xor3A_359 = arith.constant 4 : i32
        %xor3A_360 = vector.broadcast %xor3A_359 : i32 to vector<16xi32>
        %xor3A_361 = arith.xori %iota3A_344, %xor3A_360 : vector<16xi32>
        %reshape3A_362 = vector.shape_cast %xor3A_361 : vector<16xi32> to vector<16x1xi32>
        %gather3A_363 = vector.shape_cast %reshape3A_362 : vector<16x1xi32> to vector<16xi32>
        %gather3A_364 = tpu.dynamic_gather %add3A_358[%gather3A_363] in [0] : vector<16xf32>, vector<16xi32> -> vector<16xf32>
        %add3A_365 = arith.addf %add3A_358, %gather3A_364 : vector<16xf32>
        %exp3A_366 = math.exp %add3A_365 : vector<16xf32>
        %mul3A_367 = arith.mulf %exp3A_366, %get3A_321 : vector<16xf32>
        %swap3A_368 = arith.index_cast %add3A_317 : i32 to index
        %swap3A_369 = arith.constant 0 : index
        %swap3A_370 = tpu.vector_load %arg10[%swap3A_368, %swap3A_369] {strides = array<i32>} : memref<256x64xf32, #tpu.memory_space<vmem>>, vector<1x16xf32>,
        %swap3A_371 = vector.shape_cast %swap3A_370 : vector<1x16xf32> to vector<16xf32>
        %swap3A_372 = vector.shape_cast %mul3A_367 : vector<16xf32> to vector<1x16xf32>
        tpu.vector_store %arg10[%swap3A_368, %swap3A_369], %swap3A_372 {strides = array<i32>} : memref<256x64xf32, #tpu.memory_space<vmem>>, vector<1x16xf32>,
        %reshape3A_373 = vector.shape_cast %mul3A_16 : vector<16xi32> to vector<16x1xi32>
        %gather3A_374 = vector.shape_cast %reshape3A_373 : vector<16x1xi32> to vector<16xi32>
        %gather3A_375 = tpu.dynamic_gather %exp3A_366[%gather3A_374] in [0] : vector<16xf32>, vector<16xi32> -> vector<16xf32>
        %jit3A_376 = arith.constant 0.000000e+00 : f32
        %broadcast_in_dim3A_377 = vector.broadcast %jit3A_376 : f32 to vector<16xf32>
        %select_n3A_378 = arith.select %eq3A_23, %gather3A_375, %broadcast_in_dim3A_377 : vector<16xi1>, vector<16xf32>
        %get3A_379 = arith.index_cast %add3A_317 : i32 to index
        %get3A_380 = arith.constant 16 : index
        %get3A_381 = tpu.vector_load %arg10[%get3A_379, %get3A_380] {strides = array<i32>} : memref<256x64xf32, #tpu.memory_space<vmem>>, vector<1x16xf32>,
        %get3A_382 = vector.shape_cast %get3A_381 : vector<1x16xf32> to vector<16xf32>
        %add3A_383 = arith.addf %get3A_325, %get3A_382 : vector<16xf32>
        %mul3A_384 = arith.constant 2.000000e-01 : f32
        %mul3A_385 = vector.broadcast %mul3A_384 : f32 to vector<16xf32>
        %mul3A_386 = arith.mulf %mul3A_385, %add3A_383 : vector<16xf32>
        %max3A_387 = arith.maximumf %add3A_383, %mul3A_386 : vector<16xf32>
        %mul3A_388 = arith.mulf %max3A_387, %get3A_5 : vector<16xf32>
        %iota3A_389 = tpu.iota {dimensions = array<i32: 0>} : vector<16xi32>
        %xor3A_390 = arith.constant 1 : i32
        %xor3A_391 = vector.broadcast %xor3A_390 : i32 to vector<16xi32>
        %xor3A_392 = arith.xori %iota3A_389, %xor3A_391 : vector<16xi32>
        %reshape3A_393 = vector.shape_cast %xor3A_392 : vector<16xi32> to vector<16x1xi32>
        %gather3A_394 = vector.shape_cast %reshape3A_393 : vector<16x1xi32> to vector<16xi32>
        %gather3A_395 = tpu.dynamic_gather %mul3A_388[%gather3A_394] in [0] : vector<16xf32>, vector<16xi32> -> vector<16xf32>
        %add3A_396 = arith.addf %mul3A_388, %gather3A_395 : vector<16xf32>
        %xor3A_397 = arith.constant 2 : i32
        %xor3A_398 = vector.broadcast %xor3A_397 : i32 to vector<16xi32>
        %xor3A_399 = arith.xori %iota3A_389, %xor3A_398 : vector<16xi32>
        %reshape3A_400 = vector.shape_cast %xor3A_399 : vector<16xi32> to vector<16x1xi32>
        %gather3A_401 = vector.shape_cast %reshape3A_400 : vector<16x1xi32> to vector<16xi32>
        %gather3A_402 = tpu.dynamic_gather %add3A_396[%gather3A_401] in [0] : vector<16xf32>, vector<16xi32> -> vector<16xf32>
        %add3A_403 = arith.addf %add3A_396, %gather3A_402 : vector<16xf32>
        %xor3A_404 = arith.constant 4 : i32
        %xor3A_405 = vector.broadcast %xor3A_404 : i32 to vector<16xi32>
        %xor3A_406 = arith.xori %iota3A_389, %xor3A_405 : vector<16xi32>
        %reshape3A_407 = vector.shape_cast %xor3A_406 : vector<16xi32> to vector<16x1xi32>
        %gather3A_408 = vector.shape_cast %reshape3A_407 : vector<16x1xi32> to vector<16xi32>
        %gather3A_409 = tpu.dynamic_gather %add3A_403[%gather3A_408] in [0] : vector<16xf32>, vector<16xi32> -> vector<16xf32>
        %add3A_410 = arith.addf %add3A_403, %gather3A_409 : vector<16xf32>
        %exp3A_411 = math.exp %add3A_410 : vector<16xf32>
        %mul3A_412 = arith.mulf %exp3A_411, %get3A_325 : vector<16xf32>
        %swap3A_413 = arith.index_cast %add3A_317 : i32 to index
        %swap3A_414 = arith.constant 16 : index
        %swap3A_415 = tpu.vector_load %arg10[%swap3A_413, %swap3A_414] {strides = array<i32>} : memref<256x64xf32, #tpu.memory_space<vmem>>, vector<1x16xf32>,
        %swap3A_416 = vector.shape_cast %swap3A_415 : vector<1x16xf32> to vector<16xf32>
        %swap3A_417 = vector.shape_cast %mul3A_412 : vector<16xf32> to vector<1x16xf32>
        tpu.vector_store %arg10[%swap3A_413, %swap3A_414], %swap3A_417 {strides = array<i32>} : memref<256x64xf32, #tpu.memory_space<vmem>>, vector<1x16xf32>,
        %reshape3A_418 = vector.shape_cast %mul3A_16 : vector<16xi32> to vector<16x1xi32>
        %gather3A_419 = vector.shape_cast %reshape3A_418 : vector<16x1xi32> to vector<16xi32>
        %gather3A_420 = tpu.dynamic_gather %exp3A_411[%gather3A_419] in [0] : vector<16xf32>, vector<16xi32> -> vector<16xf32>
        %jit3A_421 = arith.constant 0.000000e+00 : f32
        %broadcast_in_dim3A_422 = vector.broadcast %jit3A_421 : f32 to vector<16xf32>
        %select_n3A_423 = arith.select %eq3A_32, %gather3A_420, %broadcast_in_dim3A_422 : vector<16xi1>, vector<16xf32>
        %add3A_424 = arith.addf %select_n3A_378, %select_n3A_423 : vector<16xf32>
        %get3A_425 = arith.index_cast %add3A_317 : i32 to index
        %get3A_426 = arith.constant 32 : index
        %get3A_427 = tpu.vector_load %arg10[%get3A_425, %get3A_426] {strides = array<i32>} : memref<256x64xf32, #tpu.memory_space<vmem>>, vector<1x16xf32>,
        %get3A_428 = vector.shape_cast %get3A_427 : vector<1x16xf32> to vector<16xf32>
        %add3A_429 = arith.addf %get3A_329, %get3A_428 : vector<16xf32>
        %mul3A_430 = arith.constant 2.000000e-01 : f32
        %mul3A_431 = vector.broadcast %mul3A_430 : f32 to vector<16xf32>
        %mul3A_432 = arith.mulf %mul3A_431, %add3A_429 : vector<16xf32>
        %max3A_433 = arith.maximumf %add3A_429, %mul3A_432 : vector<16xf32>
        %mul3A_434 = arith.mulf %max3A_433, %get3A_8 : vector<16xf32>
        %iota3A_435 = tpu.iota {dimensions = array<i32: 0>} : vector<16xi32>
        %xor3A_436 = arith.constant 1 : i32
        %xor3A_437 = vector.broadcast %xor3A_436 : i32 to vector<16xi32>
        %xor3A_438 = arith.xori %iota3A_435, %xor3A_437 : vector<16xi32>
        %reshape3A_439 = vector.shape_cast %xor3A_438 : vector<16xi32> to vector<16x1xi32>
        %gather3A_440 = vector.shape_cast %reshape3A_439 : vector<16x1xi32> to vector<16xi32>
        %gather3A_441 = tpu.dynamic_gather %mul3A_434[%gather3A_440] in [0] : vector<16xf32>, vector<16xi32> -> vector<16xf32>
        %add3A_442 = arith.addf %mul3A_434, %gather3A_441 : vector<16xf32>
        %xor3A_443 = arith.constant 2 : i32
        %xor3A_444 = vector.broadcast %xor3A_443 : i32 to vector<16xi32>
        %xor3A_445 = arith.xori %iota3A_435, %xor3A_444 : vector<16xi32>
        %reshape3A_446 = vector.shape_cast %xor3A_445 : vector<16xi32> to vector<16x1xi32>
        %gather3A_447 = vector.shape_cast %reshape3A_446 : vector<16x1xi32> to vector<16xi32>
        %gather3A_448 = tpu.dynamic_gather %add3A_442[%gather3A_447] in [0] : vector<16xf32>, vector<16xi32> -> vector<16xf32>
        %add3A_449 = arith.addf %add3A_442, %gather3A_448 : vector<16xf32>
        %xor3A_450 = arith.constant 4 : i32
        %xor3A_451 = vector.broadcast %xor3A_450 : i32 to vector<16xi32>
        %xor3A_452 = arith.xori %iota3A_435, %xor3A_451 : vector<16xi32>
        %reshape3A_453 = vector.shape_cast %xor3A_452 : vector<16xi32> to vector<16x1xi32>
        %gather3A_454 = vector.shape_cast %reshape3A_453 : vector<16x1xi32> to vector<16xi32>
        %gather3A_455 = tpu.dynamic_gather %add3A_449[%gather3A_454] in [0] : vector<16xf32>, vector<16xi32> -> vector<16xf32>
        %add3A_456 = arith.addf %add3A_449, %gather3A_455 : vector<16xf32>
        %exp3A_457 = math.exp %add3A_456 : vector<16xf32>
        %mul3A_458 = arith.mulf %exp3A_457, %get3A_329 : vector<16xf32>
        %swap3A_459 = arith.index_cast %add3A_317 : i32 to index
        %swap3A_460 = arith.constant 32 : index
        %swap3A_461 = tpu.vector_load %arg10[%swap3A_459, %swap3A_460] {strides = array<i32>} : memref<256x64xf32, #tpu.memory_space<vmem>>, vector<1x16xf32>,
        %swap3A_462 = vector.shape_cast %swap3A_461 : vector<1x16xf32> to vector<16xf32>
        %swap3A_463 = vector.shape_cast %mul3A_458 : vector<16xf32> to vector<1x16xf32>
        tpu.vector_store %arg10[%swap3A_459, %swap3A_460], %swap3A_463 {strides = array<i32>} : memref<256x64xf32, #tpu.memory_space<vmem>>, vector<1x16xf32>,
        %reshape3A_464 = vector.shape_cast %mul3A_16 : vector<16xi32> to vector<16x1xi32>
        %gather3A_465 = vector.shape_cast %reshape3A_464 : vector<16x1xi32> to vector<16xi32>
        %gather3A_466 = tpu.dynamic_gather %exp3A_457[%gather3A_465] in [0] : vector<16xf32>, vector<16xi32> -> vector<16xf32>
        %jit3A_467 = arith.constant 0.000000e+00 : f32
        %broadcast_in_dim3A_468 = vector.broadcast %jit3A_467 : f32 to vector<16xf32>
        %select_n3A_469 = arith.select %eq3A_41, %gather3A_466, %broadcast_in_dim3A_468 : vector<16xi1>, vector<16xf32>
        %add3A_470 = arith.addf %add3A_424, %select_n3A_469 : vector<16xf32>
        %get3A_471 = arith.index_cast %add3A_317 : i32 to index
        %get3A_472 = arith.constant 48 : index
        %get3A_473 = tpu.vector_load %arg10[%get3A_471, %get3A_472] {strides = array<i32>} : memref<256x64xf32, #tpu.memory_space<vmem>>, vector<1x16xf32>,
        %get3A_474 = vector.shape_cast %get3A_473 : vector<1x16xf32> to vector<16xf32>
        %add3A_475 = arith.addf %get3A_333, %get3A_474 : vector<16xf32>
        %mul3A_476 = arith.constant 2.000000e-01 : f32
        %mul3A_477 = vector.broadcast %mul3A_476 : f32 to vector<16xf32>
        %mul3A_478 = arith.mulf %mul3A_477, %add3A_475 : vector<16xf32>
        %max3A_479 = arith.maximumf %add3A_475, %mul3A_478 : vector<16xf32>
        %mul3A_480 = arith.mulf %max3A_479, %get3A_11 : vector<16xf32>
        %iota3A_481 = tpu.iota {dimensions = array<i32: 0>} : vector<16xi32>
        %xor3A_482 = arith.constant 1 : i32
        %xor3A_483 = vector.broadcast %xor3A_482 : i32 to vector<16xi32>
        %xor3A_484 = arith.xori %iota3A_481, %xor3A_483 : vector<16xi32>
        %reshape3A_485 = vector.shape_cast %xor3A_484 : vector<16xi32> to vector<16x1xi32>
        %gather3A_486 = vector.shape_cast %reshape3A_485 : vector<16x1xi32> to vector<16xi32>
        %gather3A_487 = tpu.dynamic_gather %mul3A_480[%gather3A_486] in [0] : vector<16xf32>, vector<16xi32> -> vector<16xf32>
        %add3A_488 = arith.addf %mul3A_480, %gather3A_487 : vector<16xf32>
        %xor3A_489 = arith.constant 2 : i32
        %xor3A_490 = vector.broadcast %xor3A_489 : i32 to vector<16xi32>
        %xor3A_491 = arith.xori %iota3A_481, %xor3A_490 : vector<16xi32>
        %reshape3A_492 = vector.shape_cast %xor3A_491 : vector<16xi32> to vector<16x1xi32>
        %gather3A_493 = vector.shape_cast %reshape3A_492 : vector<16x1xi32> to vector<16xi32>
        %gather3A_494 = tpu.dynamic_gather %add3A_488[%gather3A_493] in [0] : vector<16xf32>, vector<16xi32> -> vector<16xf32>
        %add3A_495 = arith.addf %add3A_488, %gather3A_494 : vector<16xf32>
        %xor3A_496 = arith.constant 4 : i32
        %xor3A_497 = vector.broadcast %xor3A_496 : i32 to vector<16xi32>
        %xor3A_498 = arith.xori %iota3A_481, %xor3A_497 : vector<16xi32>
        %reshape3A_499 = vector.shape_cast %xor3A_498 : vector<16xi32> to vector<16x1xi32>
        %gather3A_500 = vector.shape_cast %reshape3A_499 : vector<16x1xi32> to vector<16xi32>
        %gather3A_501 = tpu.dynamic_gather %add3A_495[%gather3A_500] in [0] : vector<16xf32>, vector<16xi32> -> vector<16xf32>
        %add3A_502 = arith.addf %add3A_495, %gather3A_501 : vector<16xf32>
        %exp3A_503 = math.exp %add3A_502 : vector<16xf32>
        %mul3A_504 = arith.mulf %exp3A_503, %get3A_333 : vector<16xf32>
        %swap3A_505 = arith.index_cast %add3A_317 : i32 to index
        %swap3A_506 = arith.constant 48 : index
        %swap3A_507 = tpu.vector_load %arg10[%swap3A_505, %swap3A_506] {strides = array<i32>} : memref<256x64xf32, #tpu.memory_space<vmem>>, vector<1x16xf32>,
        %swap3A_508 = vector.shape_cast %swap3A_507 : vector<1x16xf32> to vector<16xf32>
        %swap3A_509 = vector.shape_cast %mul3A_504 : vector<16xf32> to vector<1x16xf32>
        tpu.vector_store %arg10[%swap3A_505, %swap3A_506], %swap3A_509 {strides = array<i32>} : memref<256x64xf32, #tpu.memory_space<vmem>>, vector<1x16xf32>,
        %reshape3A_510 = vector.shape_cast %mul3A_16 : vector<16xi32> to vector<16x1xi32>
        %gather3A_511 = vector.shape_cast %reshape3A_510 : vector<16x1xi32> to vector<16xi32>
        %gather3A_512 = tpu.dynamic_gather %exp3A_503[%gather3A_511] in [0] : vector<16xf32>, vector<16xi32> -> vector<16xf32>
        %jit3A_513 = arith.constant 0.000000e+00 : f32
        %broadcast_in_dim3A_514 = vector.broadcast %jit3A_513 : f32 to vector<16xf32>
        %select_n3A_515 = arith.select %eq3A_50, %gather3A_512, %broadcast_in_dim3A_514 : vector<16xi1>, vector<16xf32>
        %add3A_516 = arith.addf %add3A_470, %select_n3A_515 : vector<16xf32>
        %swap3A_517 = arith.index_cast %add3A_317 : i32 to index
        %swap3A_518 = arith.constant 0 : index
        %swap3A_519 = tpu.vector_load %arg11[%swap3A_517, %swap3A_518] {strides = array<i32>} : memref<256x16xf32, #tpu.memory_space<vmem>>, vector<1x16xf32>,
        %swap3A_520 = vector.shape_cast %swap3A_519 : vector<1x16xf32> to vector<16xf32>
        %swap3A_521 = vector.shape_cast %add3A_516 : vector<16xf32> to vector<1x16xf32>
        tpu.vector_store %arg11[%swap3A_517, %swap3A_518], %swap3A_521 {strides = array<i32>} : memref<256x16xf32, #tpu.memory_space<vmem>>, vector<1x16xf32>,
      }
      %scan3A_109 = arith.constant 256 : i32
      %run_scoped3A = arith.constant 1 : i32
      "tpu.region"() ({
        %run_scoped3A_111 = tpu.sem_alloc : memref<!tpu.dma_semaphore, #tpu.memory_space<semaphore_mem>>
        %dma_start3A_112 = arith.constant 0 : i32
        %dma_start3A_113 = tpu.memref_slice %arg8[%run_scoped3A, %dma_start3A_112] : memref<2x256xi32, #tpu.memory_space<vmem>> -> memref<1x256xi32, #tpu.memory_space<vmem>>
        %dma_start3A_114 = tpu.memref_squeeze %dma_start3A_113 : memref<1x256xi32, #tpu.memory_space<vmem>> -> memref<256xi32, #tpu.memory_space<vmem>>
        %dma_start3A_115 = arith.constant 0 : i32
        %dma_start3A_116 = arith.constant 0 : i32
        %dma_start3A_117 = tpu.memref_slice %arg13[%dma_start3A_115, %dma_start3A_116] : memref<10016x64xf32, #tpu.memory_space<vmem_shared>> -> memref<10016x64xf32, #tpu.memory_space<vmem_shared>>
        tpu.enqueue_indirect_dma source(%arg10 : memref<256x64xf32, #tpu.memory_space<vmem>>) target(%dma_start3A_117 : memref<10016x64xf32, #tpu.memory_space<vmem_shared>>) offsets(%dma_start3A_114 : memref<256xi32, #tpu.memory_space<vmem>>) semaphore(%run_scoped3A_111 : memref<!tpu.dma_semaphore, #tpu.memory_space<semaphore_mem>>) {add = true}
        %dma_wait3A_118 = arith.constant 0 : i32
        %dma_wait3A_119 = tpu.memref_slice %arg8[%run_scoped3A, %dma_wait3A_118] : memref<2x256xi32, #tpu.memory_space<vmem>> -> memref<1x256xi32, #tpu.memory_space<vmem>>
        %dma_wait3A_120 = tpu.memref_squeeze %dma_wait3A_119 : memref<1x256xi32, #tpu.memory_space<vmem>> -> memref<256xi32, #tpu.memory_space<vmem>>
        %dma_wait3A_121 = arith.constant 0 : i32
        %dma_wait3A_122 = arith.constant 0 : i32
        %dma_wait3A_123 = tpu.memref_slice %arg13[%dma_wait3A_121, %dma_wait3A_122] : memref<10016x64xf32, #tpu.memory_space<vmem_shared>> -> memref<10016x64xf32, #tpu.memory_space<vmem_shared>>
        tpu.wait_indirect_dma semaphore(%run_scoped3A_111 : memref<!tpu.dma_semaphore, #tpu.memory_space<semaphore_mem>>) src(%arg10 : memref<256x64xf32, #tpu.memory_space<vmem>>) dst(%dma_wait3A_123 : memref<10016x64xf32, #tpu.memory_space<vmem_shared>>)
        tpu.yield
      }) : () -> ()
      %run_scoped3A_110 = arith.constant 1 : i32
      "tpu.region"() ({
        %run_scoped3A_111 = tpu.sem_alloc : memref<!tpu.dma_semaphore, #tpu.memory_space<semaphore_mem>>
        %dma_start3A_112 = arith.constant 0 : i32
        %dma_start3A_113 = tpu.memref_slice %arg8[%run_scoped3A_110, %dma_start3A_112] : memref<2x256xi32, #tpu.memory_space<vmem>> -> memref<1x256xi32, #tpu.memory_space<vmem>>
        %dma_start3A_114 = tpu.memref_squeeze %dma_start3A_113 : memref<1x256xi32, #tpu.memory_space<vmem>> -> memref<256xi32, #tpu.memory_space<vmem>>
        %dma_start3A_115 = arith.constant 0 : i32
        %dma_start3A_116 = arith.constant 0 : i32
        %dma_start3A_117 = tpu.memref_slice %arg14[%dma_start3A_115, %dma_start3A_116] : memref<10016x16xf32, #tpu.memory_space<vmem_shared>> -> memref<10016x16xf32, #tpu.memory_space<vmem_shared>>
        tpu.enqueue_indirect_dma source(%arg11 : memref<256x16xf32, #tpu.memory_space<vmem>>) target(%dma_start3A_117 : memref<10016x16xf32, #tpu.memory_space<vmem_shared>>) offsets(%dma_start3A_114 : memref<256xi32, #tpu.memory_space<vmem>>) semaphore(%run_scoped3A_111 : memref<!tpu.dma_semaphore, #tpu.memory_space<semaphore_mem>>) {add = true}
        %dma_wait3A_118 = arith.constant 0 : i32
        %dma_wait3A_119 = tpu.memref_slice %arg8[%run_scoped3A_110, %dma_wait3A_118] : memref<2x256xi32, #tpu.memory_space<vmem>> -> memref<1x256xi32, #tpu.memory_space<vmem>>
        %dma_wait3A_120 = tpu.memref_squeeze %dma_wait3A_119 : memref<1x256xi32, #tpu.memory_space<vmem>> -> memref<256xi32, #tpu.memory_space<vmem>>
        %dma_wait3A_121 = arith.constant 0 : i32
        %dma_wait3A_122 = arith.constant 0 : i32
        %dma_wait3A_123 = tpu.memref_slice %arg14[%dma_wait3A_121, %dma_wait3A_122] : memref<10016x16xf32, #tpu.memory_space<vmem_shared>> -> memref<10016x16xf32, #tpu.memory_space<vmem_shared>>
        tpu.wait_indirect_dma semaphore(%run_scoped3A_111 : memref<!tpu.dma_semaphore, #tpu.memory_space<semaphore_mem>>) src(%arg11 : memref<256x16xf32, #tpu.memory_space<vmem>>) dst(%dma_wait3A_123 : memref<10016x16xf32, #tpu.memory_space<vmem_shared>>)
        tpu.yield
      }) : () -> ()
    }
    %scan3A_69 = arith.constant 41 : i32
    %barrier3A_70 = arith.constant 0 : index
    tpu.barrier barrier_id(%barrier3A_70)
    "tpu.region"() ({
      %run_scoped3A = tpu.sem_alloc : memref<!tpu.dma_semaphore, #tpu.memory_space<semaphore_mem>>
      %dma_start3A = arith.constant 0 : i32
      %dma_start3A_71 = tpu.memref_slice %arg6[%arg0, %mul3A_57, %dma_start3A] : memref<2x10016x64xf32, #tpu.memory_space<hbm>> -> memref<1x626x64xf32, #tpu.memory_space<hbm>>
      %dma_start3A_72 = tpu.memref_squeeze %dma_start3A_71 : memref<1x626x64xf32, #tpu.memory_space<hbm>> -> memref<626x64xf32, #tpu.memory_space<hbm>>
      %dma_start3A_73 = arith.constant 0 : i32
      %dma_start3A_74 = tpu.memref_slice %arg13[%mul3A_57, %dma_start3A_73] : memref<10016x64xf32, #tpu.memory_space<vmem_shared>> -> memref<626x64xf32, #tpu.memory_space<vmem_shared>>
      tpu.enqueue_dma source(%dma_start3A_74 : memref<626x64xf32, #tpu.memory_space<vmem_shared>>) target(%dma_start3A_72 : memref<626x64xf32, #tpu.memory_space<hbm>>) target_semaphore(%run_scoped3A : memref<!tpu.dma_semaphore, #tpu.memory_space<semaphore_mem>>)
      %dma_wait3A = arith.constant 0 : i32
      %dma_wait3A_75 = tpu.memref_slice %arg6[%arg0, %mul3A_57, %dma_wait3A] : memref<2x10016x64xf32, #tpu.memory_space<hbm>> -> memref<1x626x64xf32, #tpu.memory_space<hbm>>
      %dma_wait3A_76 = tpu.memref_squeeze %dma_wait3A_75 : memref<1x626x64xf32, #tpu.memory_space<hbm>> -> memref<626x64xf32, #tpu.memory_space<hbm>>
      %dma_wait3A_77 = arith.constant 0 : i32
      %dma_wait3A_78 = tpu.memref_slice %arg13[%mul3A_57, %dma_wait3A_77] : memref<10016x64xf32, #tpu.memory_space<vmem_shared>> -> memref<626x64xf32, #tpu.memory_space<vmem_shared>>
      tpu.wait_dma2 semaphore(%run_scoped3A : memref<!tpu.dma_semaphore, #tpu.memory_space<semaphore_mem>>) src(%dma_wait3A_78 : memref<626x64xf32, #tpu.memory_space<vmem_shared>>) dst(%dma_wait3A_76 : memref<626x64xf32, #tpu.memory_space<hbm>>)
      tpu.yield
    }) : () -> ()
    "tpu.region"() ({
      %run_scoped3A = tpu.sem_alloc : memref<!tpu.dma_semaphore, #tpu.memory_space<semaphore_mem>>
      %dma_start3A = arith.constant 0 : i32
      %dma_start3A_71 = tpu.memref_slice %arg7[%arg0, %mul3A_57, %dma_start3A] : memref<2x10016x16xf32, #tpu.memory_space<hbm>> -> memref<1x626x16xf32, #tpu.memory_space<hbm>>
      %dma_start3A_72 = tpu.memref_squeeze %dma_start3A_71 : memref<1x626x16xf32, #tpu.memory_space<hbm>> -> memref<626x16xf32, #tpu.memory_space<hbm>>
      %dma_start3A_73 = arith.constant 0 : i32
      %dma_start3A_74 = tpu.memref_slice %arg14[%mul3A_57, %dma_start3A_73] : memref<10016x16xf32, #tpu.memory_space<vmem_shared>> -> memref<626x16xf32, #tpu.memory_space<vmem_shared>>
      tpu.enqueue_dma source(%dma_start3A_74 : memref<626x16xf32, #tpu.memory_space<vmem_shared>>) target(%dma_start3A_72 : memref<626x16xf32, #tpu.memory_space<hbm>>) target_semaphore(%run_scoped3A : memref<!tpu.dma_semaphore, #tpu.memory_space<semaphore_mem>>)
      %dma_wait3A = arith.constant 0 : i32
      %dma_wait3A_75 = tpu.memref_slice %arg7[%arg0, %mul3A_57, %dma_wait3A] : memref<2x10016x16xf32, #tpu.memory_space<hbm>> -> memref<1x626x16xf32, #tpu.memory_space<hbm>>
      %dma_wait3A_76 = tpu.memref_squeeze %dma_wait3A_75 : memref<1x626x16xf32, #tpu.memory_space<hbm>> -> memref<626x16xf32, #tpu.memory_space<hbm>>
      %dma_wait3A_77 = arith.constant 0 : i32
      %dma_wait3A_78 = tpu.memref_slice %arg14[%mul3A_57, %dma_wait3A_77] : memref<10016x16xf32, #tpu.memory_space<vmem_shared>> -> memref<626x16xf32, #tpu.memory_space<vmem_shared>>
      tpu.wait_dma2 semaphore(%run_scoped3A : memref<!tpu.dma_semaphore, #tpu.memory_space<semaphore_mem>>) src(%dma_wait3A_78 : memref<626x16xf32, #tpu.memory_space<vmem_shared>>) dst(%dma_wait3A_76 : memref<626x16xf32, #tpu.memory_space<hbm>>)
      tpu.yield
    }) : () -> ()
    return
  }
}

#map = affine_map<(d0, d1) -> (0, 0)>
#map1 = affine_map<(d0, d1) -> (0, 0, 0)>
#map2 = affine_map<(d0, d1) -> (0)>
module attributes {stable_mosaic.version = 14 : i64} {
  func.func @body(%arg0: i32, %arg1: i32, %arg2: memref<10016x128xf32, #tpu.memory_space<hbm>>, %arg3: memref<10016x128xf32, #tpu.memory_space<hbm>>, %arg4: memref<2624x2x128xi32, #tpu.memory_space<hbm>>, %arg5: memref<128xf32, #tpu.memory_space<hbm>>, %arg6: memref<2x10016x128xf32, #tpu.memory_space<hbm>>, %arg7: memref<2x10016x16xf32, #tpu.memory_space<hbm>>, %arg8: memref<2x128xi32, #tpu.memory_space<vmem>>, %arg9: memref<128x128xf32, #tpu.memory_space<vmem>>, %arg10: memref<128x128xf32, #tpu.memory_space<vmem>>, %arg11: memref<128x16xf32, #tpu.memory_space<vmem>>, %arg12: memref<128xf32, #tpu.memory_space<vmem>>, %arg13: memref<10016x128xf32, #tpu.memory_space<vmem_shared>>, %arg14: memref<10016x16xf32, #tpu.memory_space<vmem_shared>>, %arg15: memref<!tpu.dma_semaphore, #tpu.memory_space<semaphore_mem>>, %arg16: memref<!tpu.dma_semaphore, #tpu.memory_space<semaphore_mem>>) attributes {dimension_semantics = [#tpu.dimension_semantics<core_parallel>, #tpu.dimension_semantics<subcore_parallel>], iteration_bounds = array<i64: 2, 16>, scalar_prefetch = 0 : i64, scratch_operands = 9 : i64, tpu.core_type = #tpu.core_type<sc_vector_subcore>, window_params = [{transform_indices = #map}, {transform_indices = #map}, {transform_indices = #map1}, {transform_indices = #map2}, {transform_indices = #map1}, {transform_indices = #map1}]} {
    %mul3A = arith.constant 2 : i32
    %mul3A_0 = arith.muli %arg1, %mul3A : i32
    %add3A = arith.addi %mul3A_0, %arg0 : i32
    "tpu.region"() ({
      %run_scoped3A = tpu.sem_alloc : memref<!tpu.dma_semaphore, #tpu.memory_space<semaphore_mem>>
      tpu.enqueue_dma source(%arg5 : memref<128xf32, #tpu.memory_space<hbm>>) target(%arg12 : memref<128xf32, #tpu.memory_space<vmem>>) target_semaphore(%run_scoped3A : memref<!tpu.dma_semaphore, #tpu.memory_space<semaphore_mem>>)
      tpu.wait_dma2 semaphore(%run_scoped3A : memref<!tpu.dma_semaphore, #tpu.memory_space<semaphore_mem>>) src(%arg5 : memref<128xf32, #tpu.memory_space<hbm>>) dst(%arg12 : memref<128xf32, #tpu.memory_space<vmem>>)
      tpu.yield
    }) : () -> ()
    %get3A = arith.constant 0 : index
    %get3A_1 = tpu.vector_load %arg12[%get3A] {strides = array<i32>} : memref<128xf32, #tpu.memory_space<vmem>>, vector<16xf32>,
    %get3A_2 = vector.shape_cast %get3A_1 : vector<16xf32> to vector<16xf32>
    %get3A_3 = arith.constant 16 : index
    %get3A_4 = tpu.vector_load %arg12[%get3A_3] {strides = array<i32>} : memref<128xf32, #tpu.memory_space<vmem>>, vector<16xf32>,
    %get3A_5 = vector.shape_cast %get3A_4 : vector<16xf32> to vector<16xf32>
    %get3A_6 = arith.constant 32 : index
    %get3A_7 = tpu.vector_load %arg12[%get3A_6] {strides = array<i32>} : memref<128xf32, #tpu.memory_space<vmem>>, vector<16xf32>,
    %get3A_8 = vector.shape_cast %get3A_7 : vector<16xf32> to vector<16xf32>
    %get3A_9 = arith.constant 48 : index
    %get3A_10 = tpu.vector_load %arg12[%get3A_9] {strides = array<i32>} : memref<128xf32, #tpu.memory_space<vmem>>, vector<16xf32>,
    %get3A_11 = vector.shape_cast %get3A_10 : vector<16xf32> to vector<16xf32>
    %get3A_12 = arith.constant 64 : index
    %get3A_13 = tpu.vector_load %arg12[%get3A_12] {strides = array<i32>} : memref<128xf32, #tpu.memory_space<vmem>>, vector<16xf32>,
    %get3A_14 = vector.shape_cast %get3A_13 : vector<16xf32> to vector<16xf32>
    %get3A_15 = arith.constant 80 : index
    %get3A_16 = tpu.vector_load %arg12[%get3A_15] {strides = array<i32>} : memref<128xf32, #tpu.memory_space<vmem>>, vector<16xf32>,
    %get3A_17 = vector.shape_cast %get3A_16 : vector<16xf32> to vector<16xf32>
    %get3A_18 = arith.constant 96 : index
    %get3A_19 = tpu.vector_load %arg12[%get3A_18] {strides = array<i32>} : memref<128xf32, #tpu.memory_space<vmem>>, vector<16xf32>,
    %get3A_20 = vector.shape_cast %get3A_19 : vector<16xf32> to vector<16xf32>
    %get3A_21 = arith.constant 112 : index
    %get3A_22 = tpu.vector_load %arg12[%get3A_21] {strides = array<i32>} : memref<128xf32, #tpu.memory_space<vmem>>, vector<16xf32>,
    %get3A_23 = vector.shape_cast %get3A_22 : vector<16xf32> to vector<16xf32>
    %iota3A = tpu.iota {dimensions = array<i32: 0>} : vector<16xi32>
    %and3A = arith.constant 1 : i32
    %and3A_24 = vector.broadcast %and3A : i32 to vector<16xi32>
    %and3A_25 = arith.andi %iota3A, %and3A_24 : vector<16xi32>
    %mul3A_26 = arith.constant 8 : i32
    %mul3A_27 = vector.broadcast %mul3A_26 : i32 to vector<16xi32>
    %mul3A_28 = arith.muli %and3A_25, %mul3A_27 : vector<16xi32>
    %and3A_29 = arith.constant 7 : i32
    %and3A_30 = vector.broadcast %and3A_29 : i32 to vector<16xi32>
    %and3A_31 = arith.andi %iota3A, %and3A_30 : vector<16xi32>
    %shift_right_arithmetic3A = arith.constant 1 : i32
    %shift_right_arithmetic3A_32 = vector.broadcast %shift_right_arithmetic3A : i32 to vector<16xi32>
    %shift_right_arithmetic3A_33 = arith.shrsi %and3A_31, %shift_right_arithmetic3A_32 : vector<16xi32>
    %eq3A = arith.constant 0 : i32
    %eq3A_34 = vector.broadcast %eq3A : i32 to vector<16xi32>
    %eq3A_35 = arith.cmpi eq, %shift_right_arithmetic3A_33, %eq3A_34 : vector<16xi32>
    %and3A_36 = arith.constant 7 : i32
    %and3A_37 = vector.broadcast %and3A_36 : i32 to vector<16xi32>
    %and3A_38 = arith.andi %iota3A, %and3A_37 : vector<16xi32>
    %shift_right_arithmetic3A_39 = arith.constant 1 : i32
    %shift_right_arithmetic3A_40 = vector.broadcast %shift_right_arithmetic3A_39 : i32 to vector<16xi32>
    %shift_right_arithmetic3A_41 = arith.shrsi %and3A_38, %shift_right_arithmetic3A_40 : vector<16xi32>
    %eq3A_42 = arith.constant 1 : i32
    %eq3A_43 = vector.broadcast %eq3A_42 : i32 to vector<16xi32>
    %eq3A_44 = arith.cmpi eq, %shift_right_arithmetic3A_41, %eq3A_43 : vector<16xi32>
    %and3A_45 = arith.constant 7 : i32
    %and3A_46 = vector.broadcast %and3A_45 : i32 to vector<16xi32>
    %and3A_47 = arith.andi %iota3A, %and3A_46 : vector<16xi32>
    %shift_right_arithmetic3A_48 = arith.constant 1 : i32
    %shift_right_arithmetic3A_49 = vector.broadcast %shift_right_arithmetic3A_48 : i32 to vector<16xi32>
    %shift_right_arithmetic3A_50 = arith.shrsi %and3A_47, %shift_right_arithmetic3A_49 : vector<16xi32>
    %eq3A_51 = arith.constant 2 : i32
    %eq3A_52 = vector.broadcast %eq3A_51 : i32 to vector<16xi32>
    %eq3A_53 = arith.cmpi eq, %shift_right_arithmetic3A_50, %eq3A_52 : vector<16xi32>
    %and3A_54 = arith.constant 7 : i32
    %and3A_55 = vector.broadcast %and3A_54 : i32 to vector<16xi32>
    %and3A_56 = arith.andi %iota3A, %and3A_55 : vector<16xi32>
    %shift_right_arithmetic3A_57 = arith.constant 1 : i32
    %shift_right_arithmetic3A_58 = vector.broadcast %shift_right_arithmetic3A_57 : i32 to vector<16xi32>
    %shift_right_arithmetic3A_59 = arith.shrsi %and3A_56, %shift_right_arithmetic3A_58 : vector<16xi32>
    %eq3A_60 = arith.constant 3 : i32
    %eq3A_61 = vector.broadcast %eq3A_60 : i32 to vector<16xi32>
    %eq3A_62 = arith.cmpi eq, %shift_right_arithmetic3A_59, %eq3A_61 : vector<16xi32>
    %broadcast_in_dim3A = arith.constant 0.000000e+00 : f32
    %broadcast_in_dim3A_63 = vector.broadcast %broadcast_in_dim3A : f32 to vector<16xf32>
    %scan3A = arith.constant 0 : i32
    %scan3A_64 = arith.constant 128 : i32
    %scan3A_65 = arith.addi %scan3A, %scan3A_64 : i32
    %scan3A_66 = arith.constant 1 : i32
    scf.for %scan3A_83 = %scan3A to %scan3A_65 step %scan3A_66  : i32 {
      %mul3A_84 = arith.constant 1 : i32
      %mul3A_85 = arith.muli %scan3A_83, %mul3A_84 : i32
      %add3A_86 = arith.constant 0 : i32
      %add3A_87 = arith.addi %add3A_86, %mul3A_85 : i32
      %swap3A = arith.index_cast %add3A_87 : i32 to index
      %swap3A_88 = arith.constant 0 : index
      %swap3A_89 = tpu.vector_load %arg9[%swap3A, %swap3A_88] {strides = array<i32>} : memref<128x128xf32, #tpu.memory_space<vmem>>, vector<1x16xf32>,
      %swap3A_90 = vector.shape_cast %swap3A_89 : vector<1x16xf32> to vector<16xf32>
      %swap3A_91 = vector.shape_cast %broadcast_in_dim3A_63 : vector<16xf32> to vector<1x16xf32>
      tpu.vector_store %arg9[%swap3A, %swap3A_88], %swap3A_91 {strides = array<i32>} : memref<128x128xf32, #tpu.memory_space<vmem>>, vector<1x16xf32>,
      %swap3A_92 = arith.index_cast %add3A_87 : i32 to index
      %swap3A_93 = arith.constant 16 : index
      %swap3A_94 = tpu.vector_load %arg9[%swap3A_92, %swap3A_93] {strides = array<i32>} : memref<128x128xf32, #tpu.memory_space<vmem>>, vector<1x16xf32>,
      %swap3A_95 = vector.shape_cast %swap3A_94 : vector<1x16xf32> to vector<16xf32>
      %swap3A_96 = vector.shape_cast %broadcast_in_dim3A_63 : vector<16xf32> to vector<1x16xf32>
      tpu.vector_store %arg9[%swap3A_92, %swap3A_93], %swap3A_96 {strides = array<i32>} : memref<128x128xf32, #tpu.memory_space<vmem>>, vector<1x16xf32>,
      %swap3A_97 = arith.index_cast %add3A_87 : i32 to index
      %swap3A_98 = arith.constant 32 : index
      %swap3A_99 = tpu.vector_load %arg9[%swap3A_97, %swap3A_98] {strides = array<i32>} : memref<128x128xf32, #tpu.memory_space<vmem>>, vector<1x16xf32>,
      %swap3A_100 = vector.shape_cast %swap3A_99 : vector<1x16xf32> to vector<16xf32>
      %swap3A_101 = vector.shape_cast %broadcast_in_dim3A_63 : vector<16xf32> to vector<1x16xf32>
      tpu.vector_store %arg9[%swap3A_97, %swap3A_98], %swap3A_101 {strides = array<i32>} : memref<128x128xf32, #tpu.memory_space<vmem>>, vector<1x16xf32>,
      %swap3A_102 = arith.index_cast %add3A_87 : i32 to index
      %swap3A_103 = arith.constant 48 : index
      %swap3A_104 = tpu.vector_load %arg9[%swap3A_102, %swap3A_103] {strides = array<i32>} : memref<128x128xf32, #tpu.memory_space<vmem>>, vector<1x16xf32>,
      %swap3A_105 = vector.shape_cast %swap3A_104 : vector<1x16xf32> to vector<16xf32>
      %swap3A_106 = vector.shape_cast %broadcast_in_dim3A_63 : vector<16xf32> to vector<1x16xf32>
      tpu.vector_store %arg9[%swap3A_102, %swap3A_103], %swap3A_106 {strides = array<i32>} : memref<128x128xf32, #tpu.memory_space<vmem>>, vector<1x16xf32>,
      %swap3A_107 = arith.index_cast %add3A_87 : i32 to index
      %swap3A_108 = arith.constant 64 : index
      %swap3A_109 = tpu.vector_load %arg9[%swap3A_107, %swap3A_108] {strides = array<i32>} : memref<128x128xf32, #tpu.memory_space<vmem>>, vector<1x16xf32>,
      %swap3A_110 = vector.shape_cast %swap3A_109 : vector<1x16xf32> to vector<16xf32>
      %swap3A_111 = vector.shape_cast %broadcast_in_dim3A_63 : vector<16xf32> to vector<1x16xf32>
      tpu.vector_store %arg9[%swap3A_107, %swap3A_108], %swap3A_111 {strides = array<i32>} : memref<128x128xf32, #tpu.memory_space<vmem>>, vector<1x16xf32>,
      %swap3A_112 = arith.index_cast %add3A_87 : i32 to index
      %swap3A_113 = arith.constant 80 : index
      %swap3A_114 = tpu.vector_load %arg9[%swap3A_112, %swap3A_113] {strides = array<i32>} : memref<128x128xf32, #tpu.memory_space<vmem>>, vector<1x16xf32>,
      %swap3A_115 = vector.shape_cast %swap3A_114 : vector<1x16xf32> to vector<16xf32>
      %swap3A_116 = vector.shape_cast %broadcast_in_dim3A_63 : vector<16xf32> to vector<1x16xf32>
      tpu.vector_store %arg9[%swap3A_112, %swap3A_113], %swap3A_116 {strides = array<i32>} : memref<128x128xf32, #tpu.memory_space<vmem>>, vector<1x16xf32>,
      %swap3A_117 = arith.index_cast %add3A_87 : i32 to index
      %swap3A_118 = arith.constant 96 : index
      %swap3A_119 = tpu.vector_load %arg9[%swap3A_117, %swap3A_118] {strides = array<i32>} : memref<128x128xf32, #tpu.memory_space<vmem>>, vector<1x16xf32>,
      %swap3A_120 = vector.shape_cast %swap3A_119 : vector<1x16xf32> to vector<16xf32>
      %swap3A_121 = vector.shape_cast %broadcast_in_dim3A_63 : vector<16xf32> to vector<1x16xf32>
      tpu.vector_store %arg9[%swap3A_117, %swap3A_118], %swap3A_121 {strides = array<i32>} : memref<128x128xf32, #tpu.memory_space<vmem>>, vector<1x16xf32>,
      %swap3A_122 = arith.index_cast %add3A_87 : i32 to index
      %swap3A_123 = arith.constant 112 : index
      %swap3A_124 = tpu.vector_load %arg9[%swap3A_122, %swap3A_123] {strides = array<i32>} : memref<128x128xf32, #tpu.memory_space<vmem>>, vector<1x16xf32>,
      %swap3A_125 = vector.shape_cast %swap3A_124 : vector<1x16xf32> to vector<16xf32>
      %swap3A_126 = vector.shape_cast %broadcast_in_dim3A_63 : vector<16xf32> to vector<1x16xf32>
      tpu.vector_store %arg9[%swap3A_122, %swap3A_123], %swap3A_126 {strides = array<i32>} : memref<128x128xf32, #tpu.memory_space<vmem>>, vector<1x16xf32>,
      %swap3A_127 = arith.index_cast %add3A_87 : i32 to index
      %swap3A_128 = arith.constant 0 : index
      %swap3A_129 = tpu.vector_load %arg11[%swap3A_127, %swap3A_128] {strides = array<i32>} : memref<128x16xf32, #tpu.memory_space<vmem>>, vector<1x16xf32>,
      %swap3A_130 = vector.shape_cast %swap3A_129 : vector<1x16xf32> to vector<16xf32>
      %swap3A_131 = vector.shape_cast %broadcast_in_dim3A_63 : vector<16xf32> to vector<1x16xf32>
      tpu.vector_store %arg11[%swap3A_127, %swap3A_128], %swap3A_131 {strides = array<i32>} : memref<128x16xf32, #tpu.memory_space<vmem>>, vector<1x16xf32>,
    }
    %scan3A_67 = arith.constant 128 : i32
    %mul3A_68 = arith.constant 626 : i32
    %mul3A_69 = arith.muli %arg1, %mul3A_68 : i32
    %scan3A_70 = arith.constant 0 : i32
    %scan3A_71 = arith.constant 4 : i32
    %scan3A_72 = arith.addi %scan3A_70, %scan3A_71 : i32
    %scan3A_73 = arith.constant 1 : i32
    scf.for %scan3A_83 = %scan3A_70 to %scan3A_72 step %scan3A_73  : i32 {
      %mul3A_84 = arith.constant 1 : i32
      %mul3A_85 = arith.muli %scan3A_83, %mul3A_84 : i32
      %add3A_86 = arith.constant 0 : i32
      %add3A_87 = arith.addi %add3A_86, %mul3A_85 : i32
      %mul3A_88 = arith.constant 128 : i32
      %mul3A_89 = arith.muli %add3A_87, %mul3A_88 : i32
      %add3A_90 = arith.addi %mul3A_69, %mul3A_89 : i32
      "tpu.region"() ({
        %run_scoped3A = tpu.sem_alloc : memref<!tpu.dma_semaphore, #tpu.memory_space<semaphore_mem>>
        %dma_start3A = arith.constant 0 : i32
        %dma_start3A_94 = tpu.memref_slice %arg13[%add3A_90, %dma_start3A] : memref<10016x128xf32, #tpu.memory_space<vmem_shared>> -> memref<128x128xf32, #tpu.memory_space<vmem_shared>>
        %dma_start3A_95 = arith.constant 0 : i32
        %dma_start3A_96 = tpu.memref_slice %arg13[%add3A_90, %dma_start3A_95] : memref<10016x128xf32, #tpu.memory_space<vmem_shared>> -> memref<128x128xf32, #tpu.memory_space<vmem_shared>>
        tpu.enqueue_dma source(%arg9 : memref<128x128xf32, #tpu.memory_space<vmem>>) target(%dma_start3A_96 : memref<128x128xf32, #tpu.memory_space<vmem_shared>>) target_semaphore(%run_scoped3A : memref<!tpu.dma_semaphore, #tpu.memory_space<semaphore_mem>>)
        %dma_wait3A = arith.constant 0 : i32
        %dma_wait3A_97 = tpu.memref_slice %arg13[%add3A_90, %dma_wait3A] : memref<10016x128xf32, #tpu.memory_space<vmem_shared>> -> memref<128x128xf32, #tpu.memory_space<vmem_shared>>
        %dma_wait3A_98 = arith.constant 0 : i32
        %dma_wait3A_99 = tpu.memref_slice %arg13[%add3A_90, %dma_wait3A_98] : memref<10016x128xf32, #tpu.memory_space<vmem_shared>> -> memref<128x128xf32, #tpu.memory_space<vmem_shared>>
        tpu.wait_dma2 semaphore(%run_scoped3A : memref<!tpu.dma_semaphore, #tpu.memory_space<semaphore_mem>>) src(%arg9 : memref<128x128xf32, #tpu.memory_space<vmem>>) dst(%dma_wait3A_99 : memref<128x128xf32, #tpu.memory_space<vmem_shared>>)
        tpu.yield
      }) : () -> ()
      %mul3A_91 = arith.constant 128 : i32
      %mul3A_92 = arith.muli %add3A_87, %mul3A_91 : i32
      %add3A_93 = arith.addi %mul3A_69, %mul3A_92 : i32
      "tpu.region"() ({
        %run_scoped3A = tpu.sem_alloc : memref<!tpu.dma_semaphore, #tpu.memory_space<semaphore_mem>>
        %dma_start3A = arith.constant 0 : i32
        %dma_start3A_94 = tpu.memref_slice %arg14[%add3A_93, %dma_start3A] : memref<10016x16xf32, #tpu.memory_space<vmem_shared>> -> memref<128x16xf32, #tpu.memory_space<vmem_shared>>
        %dma_start3A_95 = arith.constant 0 : i32
        %dma_start3A_96 = tpu.memref_slice %arg14[%add3A_93, %dma_start3A_95] : memref<10016x16xf32, #tpu.memory_space<vmem_shared>> -> memref<128x16xf32, #tpu.memory_space<vmem_shared>>
        tpu.enqueue_dma source(%arg11 : memref<128x16xf32, #tpu.memory_space<vmem>>) target(%dma_start3A_96 : memref<128x16xf32, #tpu.memory_space<vmem_shared>>) target_semaphore(%run_scoped3A : memref<!tpu.dma_semaphore, #tpu.memory_space<semaphore_mem>>)
        %dma_wait3A = arith.constant 0 : i32
        %dma_wait3A_97 = tpu.memref_slice %arg14[%add3A_93, %dma_wait3A] : memref<10016x16xf32, #tpu.memory_space<vmem_shared>> -> memref<128x16xf32, #tpu.memory_space<vmem_shared>>
        %dma_wait3A_98 = arith.constant 0 : i32
        %dma_wait3A_99 = tpu.memref_slice %arg14[%add3A_93, %dma_wait3A_98] : memref<10016x16xf32, #tpu.memory_space<vmem_shared>> -> memref<128x16xf32, #tpu.memory_space<vmem_shared>>
        tpu.wait_dma2 semaphore(%run_scoped3A : memref<!tpu.dma_semaphore, #tpu.memory_space<semaphore_mem>>) src(%arg11 : memref<128x16xf32, #tpu.memory_space<vmem>>) dst(%dma_wait3A_99 : memref<128x16xf32, #tpu.memory_space<vmem_shared>>)
        tpu.yield
      }) : () -> ()
    }
    %scan3A_74 = arith.constant 4 : i32
    %add3A_75 = arith.constant 512 : i32
    %add3A_76 = arith.addi %mul3A_69, %add3A_75 : i32
    "tpu.region"() ({
      %run_scoped3A = tpu.sem_alloc : memref<!tpu.dma_semaphore, #tpu.memory_space<semaphore_mem>>
      %dma_start3A = arith.constant 0 : i32
      %dma_start3A_83 = arith.constant 0 : i32
      %dma_start3A_84 = tpu.memref_slice %arg9[%dma_start3A, %dma_start3A_83] : memref<128x128xf32, #tpu.memory_space<vmem>> -> memref<114x128xf32, #tpu.memory_space<vmem>>
      %dma_start3A_85 = arith.constant 0 : i32
      %dma_start3A_86 = tpu.memref_slice %arg13[%add3A_76, %dma_start3A_85] : memref<10016x128xf32, #tpu.memory_space<vmem_shared>> -> memref<114x128xf32, #tpu.memory_space<vmem_shared>>
      %dma_start3A_87 = arith.constant 0 : i32
      %dma_start3A_88 = tpu.memref_slice %arg13[%add3A_76, %dma_start3A_87] : memref<10016x128xf32, #tpu.memory_space<vmem_shared>> -> memref<114x128xf32, #tpu.memory_space<vmem_shared>>
      %dma_start3A_89 = arith.constant 0 : i32
      %dma_start3A_90 = arith.constant 0 : i32
      %dma_start3A_91 = tpu.memref_slice %arg9[%dma_start3A_89, %dma_start3A_90] : memref<128x128xf32, #tpu.memory_space<vmem>> -> memref<114x128xf32, #tpu.memory_space<vmem>>
      tpu.enqueue_dma source(%dma_start3A_91 : memref<114x128xf32, #tpu.memory_space<vmem>>) target(%dma_start3A_88 : memref<114x128xf32, #tpu.memory_space<vmem_shared>>) target_semaphore(%run_scoped3A : memref<!tpu.dma_semaphore, #tpu.memory_space<semaphore_mem>>)
      %dma_wait3A = arith.constant 0 : i32
      %dma_wait3A_92 = arith.constant 0 : i32
      %dma_wait3A_93 = tpu.memref_slice %arg9[%dma_wait3A, %dma_wait3A_92] : memref<128x128xf32, #tpu.memory_space<vmem>> -> memref<114x128xf32, #tpu.memory_space<vmem>>
      %dma_wait3A_94 = arith.constant 0 : i32
      %dma_wait3A_95 = tpu.memref_slice %arg13[%add3A_76, %dma_wait3A_94] : memref<10016x128xf32, #tpu.memory_space<vmem_shared>> -> memref<114x128xf32, #tpu.memory_space<vmem_shared>>
      %dma_wait3A_96 = arith.constant 0 : i32
      %dma_wait3A_97 = tpu.memref_slice %arg13[%add3A_76, %dma_wait3A_96] : memref<10016x128xf32, #tpu.memory_space<vmem_shared>> -> memref<114x128xf32, #tpu.memory_space<vmem_shared>>
      %dma_wait3A_98 = arith.constant 0 : i32
      %dma_wait3A_99 = arith.constant 0 : i32
      %dma_wait3A_100 = tpu.memref_slice %arg9[%dma_wait3A_98, %dma_wait3A_99] : memref<128x128xf32, #tpu.memory_space<vmem>> -> memref<114x128xf32, #tpu.memory_space<vmem>>
      tpu.wait_dma2 semaphore(%run_scoped3A : memref<!tpu.dma_semaphore, #tpu.memory_space<semaphore_mem>>) src(%dma_wait3A_100 : memref<114x128xf32, #tpu.memory_space<vmem>>) dst(%dma_wait3A_97 : memref<114x128xf32, #tpu.memory_space<vmem_shared>>)
      tpu.yield
    }) : () -> ()
    "tpu.region"() ({
      %run_scoped3A = tpu.sem_alloc : memref<!tpu.dma_semaphore, #tpu.memory_space<semaphore_mem>>
      %dma_start3A = arith.constant 0 : i32
      %dma_start3A_83 = arith.constant 0 : i32
      %dma_start3A_84 = tpu.memref_slice %arg11[%dma_start3A, %dma_start3A_83] : memref<128x16xf32, #tpu.memory_space<vmem>> -> memref<114x16xf32, #tpu.memory_space<vmem>>
      %dma_start3A_85 = arith.constant 0 : i32
      %dma_start3A_86 = tpu.memref_slice %arg14[%add3A_76, %dma_start3A_85] : memref<10016x16xf32, #tpu.memory_space<vmem_shared>> -> memref<114x16xf32, #tpu.memory_space<vmem_shared>>
      %dma_start3A_87 = arith.constant 0 : i32
      %dma_start3A_88 = tpu.memref_slice %arg14[%add3A_76, %dma_start3A_87] : memref<10016x16xf32, #tpu.memory_space<vmem_shared>> -> memref<114x16xf32, #tpu.memory_space<vmem_shared>>
      %dma_start3A_89 = arith.constant 0 : i32
      %dma_start3A_90 = arith.constant 0 : i32
      %dma_start3A_91 = tpu.memref_slice %arg11[%dma_start3A_89, %dma_start3A_90] : memref<128x16xf32, #tpu.memory_space<vmem>> -> memref<114x16xf32, #tpu.memory_space<vmem>>
      tpu.enqueue_dma source(%dma_start3A_91 : memref<114x16xf32, #tpu.memory_space<vmem>>) target(%dma_start3A_88 : memref<114x16xf32, #tpu.memory_space<vmem_shared>>) target_semaphore(%run_scoped3A : memref<!tpu.dma_semaphore, #tpu.memory_space<semaphore_mem>>)
      %dma_wait3A = arith.constant 0 : i32
      %dma_wait3A_92 = arith.constant 0 : i32
      %dma_wait3A_93 = tpu.memref_slice %arg11[%dma_wait3A, %dma_wait3A_92] : memref<128x16xf32, #tpu.memory_space<vmem>> -> memref<114x16xf32, #tpu.memory_space<vmem>>
      %dma_wait3A_94 = arith.constant 0 : i32
      %dma_wait3A_95 = tpu.memref_slice %arg14[%add3A_76, %dma_wait3A_94] : memref<10016x16xf32, #tpu.memory_space<vmem_shared>> -> memref<114x16xf32, #tpu.memory_space<vmem_shared>>
      %dma_wait3A_96 = arith.constant 0 : i32
      %dma_wait3A_97 = tpu.memref_slice %arg14[%add3A_76, %dma_wait3A_96] : memref<10016x16xf32, #tpu.memory_space<vmem_shared>> -> memref<114x16xf32, #tpu.memory_space<vmem_shared>>
      %dma_wait3A_98 = arith.constant 0 : i32
      %dma_wait3A_99 = arith.constant 0 : i32
      %dma_wait3A_100 = tpu.memref_slice %arg11[%dma_wait3A_98, %dma_wait3A_99] : memref<128x16xf32, #tpu.memory_space<vmem>> -> memref<114x16xf32, #tpu.memory_space<vmem>>
      tpu.wait_dma2 semaphore(%run_scoped3A : memref<!tpu.dma_semaphore, #tpu.memory_space<semaphore_mem>>) src(%dma_wait3A_100 : memref<114x16xf32, #tpu.memory_space<vmem>>) dst(%dma_wait3A_97 : memref<114x16xf32, #tpu.memory_space<vmem_shared>>)
      tpu.yield
    }) : () -> ()
    %barrier3A = arith.constant 0 : index
    tpu.barrier barrier_id(%barrier3A)
    %scan3A_77 = arith.constant 0 : i32
    %scan3A_78 = arith.constant 82 : i32
    %scan3A_79 = arith.addi %scan3A_77, %scan3A_78 : i32
    %scan3A_80 = arith.constant 1 : i32
    scf.for %scan3A_83 = %scan3A_77 to %scan3A_79 step %scan3A_80  : i32 {
      %mul3A_84 = arith.constant 1 : i32
      %mul3A_85 = arith.muli %scan3A_83, %mul3A_84 : i32
      %add3A_86 = arith.constant 0 : i32
      %add3A_87 = arith.addi %add3A_86, %mul3A_85 : i32
      %mul3A_88 = arith.constant 82 : i32
      %mul3A_89 = arith.muli %add3A, %mul3A_88 : i32
      %add3A_90 = arith.addi %mul3A_89, %add3A_87 : i32
      "tpu.region"() ({
        %run_scoped3A_123 = tpu.sem_alloc : memref<!tpu.dma_semaphore, #tpu.memory_space<semaphore_mem>>
        %dma_start3A_124 = arith.constant 0 : i32
        %dma_start3A_125 = arith.constant 0 : i32
        %dma_start3A_126 = tpu.memref_slice %arg4[%add3A_90, %dma_start3A_124, %dma_start3A_125] : memref<2624x2x128xi32, #tpu.memory_space<hbm>> -> memref<1x2x128xi32, #tpu.memory_space<hbm>>
        %dma_start3A_127 = tpu.memref_squeeze %dma_start3A_126 : memref<1x2x128xi32, #tpu.memory_space<hbm>> -> memref<2x128xi32, #tpu.memory_space<hbm>>
        %dma_start3A_128 = arith.constant 0 : i32
        %dma_start3A_129 = arith.constant 0 : i32
        %dma_start3A_130 = tpu.memref_slice %arg4[%add3A_90, %dma_start3A_128, %dma_start3A_129] : memref<2624x2x128xi32, #tpu.memory_space<hbm>> -> memref<1x2x128xi32, #tpu.memory_space<hbm>>
        %dma_start3A_131 = tpu.memref_squeeze %dma_start3A_130 : memref<1x2x128xi32, #tpu.memory_space<hbm>> -> memref<2x128xi32, #tpu.memory_space<hbm>>
        tpu.enqueue_dma source(%dma_start3A_131 : memref<2x128xi32, #tpu.memory_space<hbm>>) target(%arg8 : memref<2x128xi32, #tpu.memory_space<vmem>>) target_semaphore(%run_scoped3A_123 : memref<!tpu.dma_semaphore, #tpu.memory_space<semaphore_mem>>)
        %dma_wait3A_132 = arith.constant 0 : i32
        %dma_wait3A_133 = arith.constant 0 : i32
        %dma_wait3A_134 = tpu.memref_slice %arg4[%add3A_90, %dma_wait3A_132, %dma_wait3A_133] : memref<2624x2x128xi32, #tpu.memory_space<hbm>> -> memref<1x2x128xi32, #tpu.memory_space<hbm>>
        %dma_wait3A_135 = tpu.memref_squeeze %dma_wait3A_134 : memref<1x2x128xi32, #tpu.memory_space<hbm>> -> memref<2x128xi32, #tpu.memory_space<hbm>>
        %dma_wait3A_136 = arith.constant 0 : i32
        %dma_wait3A_137 = arith.constant 0 : i32
        %dma_wait3A_138 = tpu.memref_slice %arg4[%add3A_90, %dma_wait3A_136, %dma_wait3A_137] : memref<2624x2x128xi32, #tpu.memory_space<hbm>> -> memref<1x2x128xi32, #tpu.memory_space<hbm>>
        %dma_wait3A_139 = tpu.memref_squeeze %dma_wait3A_138 : memref<1x2x128xi32, #tpu.memory_space<hbm>> -> memref<2x128xi32, #tpu.memory_space<hbm>>
        tpu.wait_dma2 semaphore(%run_scoped3A_123 : memref<!tpu.dma_semaphore, #tpu.memory_space<semaphore_mem>>) src(%dma_wait3A_139 : memref<2x128xi32, #tpu.memory_space<hbm>>) dst(%arg8 : memref<2x128xi32, #tpu.memory_space<vmem>>)
        tpu.yield
      }) : () -> ()
      %dma_start3A = arith.constant 0 : i32
      %dma_start3A_91 = arith.constant 0 : i32
      %dma_start3A_92 = tpu.memref_slice %arg8[%dma_start3A, %dma_start3A_91] : memref<2x128xi32, #tpu.memory_space<vmem>> -> memref<1x128xi32, #tpu.memory_space<vmem>>
      %dma_start3A_93 = tpu.memref_squeeze %dma_start3A_92 : memref<1x128xi32, #tpu.memory_space<vmem>> -> memref<128xi32, #tpu.memory_space<vmem>>
      %dma_start3A_94 = arith.constant 0 : i32
      %dma_start3A_95 = arith.constant 0 : i32
      %dma_start3A_96 = tpu.memref_slice %arg2[%dma_start3A_94, %dma_start3A_95] : memref<10016x128xf32, #tpu.memory_space<hbm>> -> memref<10016x128xf32, #tpu.memory_space<hbm>>
      tpu.enqueue_indirect_dma source(%dma_start3A_96 : memref<10016x128xf32, #tpu.memory_space<hbm>>) target(%arg9 : memref<128x128xf32, #tpu.memory_space<vmem>>) offsets(%dma_start3A_93 : memref<128xi32, #tpu.memory_space<vmem>>) semaphore(%arg15 : memref<!tpu.dma_semaphore, #tpu.memory_space<semaphore_mem>>)
      %dma_start3A_97 = arith.constant 1 : i32
      %dma_start3A_98 = arith.constant 0 : i32
      %dma_start3A_99 = tpu.memref_slice %arg8[%dma_start3A_97, %dma_start3A_98] : memref<2x128xi32, #tpu.memory_space<vmem>> -> memref<1x128xi32, #tpu.memory_space<vmem>>
      %dma_start3A_100 = tpu.memref_squeeze %dma_start3A_99 : memref<1x128xi32, #tpu.memory_space<vmem>> -> memref<128xi32, #tpu.memory_space<vmem>>
      %dma_start3A_101 = arith.constant 0 : i32
      %dma_start3A_102 = arith.constant 0 : i32
      %dma_start3A_103 = tpu.memref_slice %arg3[%dma_start3A_101, %dma_start3A_102] : memref<10016x128xf32, #tpu.memory_space<hbm>> -> memref<10016x128xf32, #tpu.memory_space<hbm>>
      tpu.enqueue_indirect_dma source(%dma_start3A_103 : memref<10016x128xf32, #tpu.memory_space<hbm>>) target(%arg10 : memref<128x128xf32, #tpu.memory_space<vmem>>) offsets(%dma_start3A_100 : memref<128xi32, #tpu.memory_space<vmem>>) semaphore(%arg16 : memref<!tpu.dma_semaphore, #tpu.memory_space<semaphore_mem>>)
      %dma_wait3A = arith.constant 0 : i32
      %dma_wait3A_104 = arith.constant 0 : i32
      %dma_wait3A_105 = tpu.memref_slice %arg8[%dma_wait3A, %dma_wait3A_104] : memref<2x128xi32, #tpu.memory_space<vmem>> -> memref<1x128xi32, #tpu.memory_space<vmem>>
      %dma_wait3A_106 = tpu.memref_squeeze %dma_wait3A_105 : memref<1x128xi32, #tpu.memory_space<vmem>> -> memref<128xi32, #tpu.memory_space<vmem>>
      %dma_wait3A_107 = arith.constant 0 : i32
      %dma_wait3A_108 = arith.constant 0 : i32
      %dma_wait3A_109 = tpu.memref_slice %arg2[%dma_wait3A_107, %dma_wait3A_108] : memref<10016x128xf32, #tpu.memory_space<hbm>> -> memref<10016x128xf32, #tpu.memory_space<hbm>>
      tpu.wait_indirect_dma semaphore(%arg15 : memref<!tpu.dma_semaphore, #tpu.memory_space<semaphore_mem>>) src(%dma_wait3A_109 : memref<10016x128xf32, #tpu.memory_space<hbm>>) dst(%arg9 : memref<128x128xf32, #tpu.memory_space<vmem>>)
      %dma_wait3A_110 = arith.constant 1 : i32
      %dma_wait3A_111 = arith.constant 0 : i32
      %dma_wait3A_112 = tpu.memref_slice %arg8[%dma_wait3A_110, %dma_wait3A_111] : memref<2x128xi32, #tpu.memory_space<vmem>> -> memref<1x128xi32, #tpu.memory_space<vmem>>
      %dma_wait3A_113 = tpu.memref_squeeze %dma_wait3A_112 : memref<1x128xi32, #tpu.memory_space<vmem>> -> memref<128xi32, #tpu.memory_space<vmem>>
      %dma_wait3A_114 = arith.constant 0 : i32
      %dma_wait3A_115 = arith.constant 0 : i32
      %dma_wait3A_116 = tpu.memref_slice %arg3[%dma_wait3A_114, %dma_wait3A_115] : memref<10016x128xf32, #tpu.memory_space<hbm>> -> memref<10016x128xf32, #tpu.memory_space<hbm>>
      tpu.wait_indirect_dma semaphore(%arg16 : memref<!tpu.dma_semaphore, #tpu.memory_space<semaphore_mem>>) src(%dma_wait3A_116 : memref<10016x128xf32, #tpu.memory_space<hbm>>) dst(%arg10 : memref<128x128xf32, #tpu.memory_space<vmem>>)
      %scan3A_117 = arith.constant 0 : i32
      %scan3A_118 = arith.constant 128 : i32
      %scan3A_119 = arith.addi %scan3A_117, %scan3A_118 : i32
      %scan3A_120 = arith.constant 2 : i32
      scf.for %scan3A_123 = %scan3A_117 to %scan3A_119 step %scan3A_120  : i32 {
        %mul3A_124 = arith.constant 1 : i32
        %mul3A_125 = arith.muli %scan3A_123, %mul3A_124 : i32
        %add3A_126 = arith.constant 0 : i32
        %add3A_127 = arith.addi %add3A_126, %mul3A_125 : i32
        %get3A_128 = arith.index_cast %add3A_127 : i32 to index
        %get3A_129 = arith.constant 0 : index
        %get3A_130 = tpu.vector_load %arg9[%get3A_128, %get3A_129] {strides = array<i32>} : memref<128x128xf32, #tpu.memory_space<vmem>>, vector<1x16xf32>,
        %get3A_131 = vector.shape_cast %get3A_130 : vector<1x16xf32> to vector<16xf32>
        %get3A_132 = arith.index_cast %add3A_127 : i32 to index
        %get3A_133 = arith.constant 16 : index
        %get3A_134 = tpu.vector_load %arg9[%get3A_132, %get3A_133] {strides = array<i32>} : memref<128x128xf32, #tpu.memory_space<vmem>>, vector<1x16xf32>,
        %get3A_135 = vector.shape_cast %get3A_134 : vector<1x16xf32> to vector<16xf32>
        %get3A_136 = arith.index_cast %add3A_127 : i32 to index
        %get3A_137 = arith.constant 32 : index
        %get3A_138 = tpu.vector_load %arg9[%get3A_136, %get3A_137] {strides = array<i32>} : memref<128x128xf32, #tpu.memory_space<vmem>>, vector<1x16xf32>,
        %get3A_139 = vector.shape_cast %get3A_138 : vector<1x16xf32> to vector<16xf32>
        %get3A_140 = arith.index_cast %add3A_127 : i32 to index
        %get3A_141 = arith.constant 48 : index
        %get3A_142 = tpu.vector_load %arg9[%get3A_140, %get3A_141] {strides = array<i32>} : memref<128x128xf32, #tpu.memory_space<vmem>>, vector<1x16xf32>,
        %get3A_143 = vector.shape_cast %get3A_142 : vector<1x16xf32> to vector<16xf32>
        %get3A_144 = arith.index_cast %add3A_127 : i32 to index
        %get3A_145 = arith.constant 64 : index
        %get3A_146 = tpu.vector_load %arg9[%get3A_144, %get3A_145] {strides = array<i32>} : memref<128x128xf32, #tpu.memory_space<vmem>>, vector<1x16xf32>,
        %get3A_147 = vector.shape_cast %get3A_146 : vector<1x16xf32> to vector<16xf32>
        %get3A_148 = arith.index_cast %add3A_127 : i32 to index
        %get3A_149 = arith.constant 80 : index
        %get3A_150 = tpu.vector_load %arg9[%get3A_148, %get3A_149] {strides = array<i32>} : memref<128x128xf32, #tpu.memory_space<vmem>>, vector<1x16xf32>,
        %get3A_151 = vector.shape_cast %get3A_150 : vector<1x16xf32> to vector<16xf32>
        %get3A_152 = arith.index_cast %add3A_127 : i32 to index
        %get3A_153 = arith.constant 96 : index
        %get3A_154 = tpu.vector_load %arg9[%get3A_152, %get3A_153] {strides = array<i32>} : memref<128x128xf32, #tpu.memory_space<vmem>>, vector<1x16xf32>,
        %get3A_155 = vector.shape_cast %get3A_154 : vector<1x16xf32> to vector<16xf32>
        %get3A_156 = arith.index_cast %add3A_127 : i32 to index
        %get3A_157 = arith.constant 112 : index
        %get3A_158 = tpu.vector_load %arg9[%get3A_156, %get3A_157] {strides = array<i32>} : memref<128x128xf32, #tpu.memory_space<vmem>>, vector<1x16xf32>,
        %get3A_159 = vector.shape_cast %get3A_158 : vector<1x16xf32> to vector<16xf32>
        %get3A_160 = arith.index_cast %add3A_127 : i32 to index
        %get3A_161 = arith.constant 0 : index
        %get3A_162 = tpu.vector_load %arg10[%get3A_160, %get3A_161] {strides = array<i32>} : memref<128x128xf32, #tpu.memory_space<vmem>>, vector<1x16xf32>,
        %get3A_163 = vector.shape_cast %get3A_162 : vector<1x16xf32> to vector<16xf32>
        %add3A_164 = arith.addf %get3A_131, %get3A_163 : vector<16xf32>
        %mul3A_165 = arith.constant 2.000000e-01 : f32
        %mul3A_166 = vector.broadcast %mul3A_165 : f32 to vector<16xf32>
        %mul3A_167 = arith.mulf %mul3A_166, %add3A_164 : vector<16xf32>
        %max3A = arith.maximumf %add3A_164, %mul3A_167 : vector<16xf32>
        %mul3A_168 = arith.mulf %max3A, %get3A_2 : vector<16xf32>
        %get3A_169 = arith.index_cast %add3A_127 : i32 to index
        %get3A_170 = arith.constant 16 : index
        %get3A_171 = tpu.vector_load %arg10[%get3A_169, %get3A_170] {strides = array<i32>} : memref<128x128xf32, #tpu.memory_space<vmem>>, vector<1x16xf32>,
        %get3A_172 = vector.shape_cast %get3A_171 : vector<1x16xf32> to vector<16xf32>
        %add3A_173 = arith.addf %get3A_135, %get3A_172 : vector<16xf32>
        %mul3A_174 = arith.constant 2.000000e-01 : f32
        %mul3A_175 = vector.broadcast %mul3A_174 : f32 to vector<16xf32>
        %mul3A_176 = arith.mulf %mul3A_175, %add3A_173 : vector<16xf32>
        %max3A_177 = arith.maximumf %add3A_173, %mul3A_176 : vector<16xf32>
        %mul3A_178 = arith.mulf %max3A_177, %get3A_5 : vector<16xf32>
        %add3A_179 = arith.addf %mul3A_168, %mul3A_178 : vector<16xf32>
        %get3A_180 = arith.index_cast %add3A_127 : i32 to index
        %get3A_181 = arith.constant 32 : index
        %get3A_182 = tpu.vector_load %arg10[%get3A_180, %get3A_181] {strides = array<i32>} : memref<128x128xf32, #tpu.memory_space<vmem>>, vector<1x16xf32>,
        %get3A_183 = vector.shape_cast %get3A_182 : vector<1x16xf32> to vector<16xf32>
        %add3A_184 = arith.addf %get3A_139, %get3A_183 : vector<16xf32>
        %mul3A_185 = arith.constant 2.000000e-01 : f32
        %mul3A_186 = vector.broadcast %mul3A_185 : f32 to vector<16xf32>
        %mul3A_187 = arith.mulf %mul3A_186, %add3A_184 : vector<16xf32>
        %max3A_188 = arith.maximumf %add3A_184, %mul3A_187 : vector<16xf32>
        %mul3A_189 = arith.mulf %max3A_188, %get3A_8 : vector<16xf32>
        %add3A_190 = arith.addf %add3A_179, %mul3A_189 : vector<16xf32>
        %get3A_191 = arith.index_cast %add3A_127 : i32 to index
        %get3A_192 = arith.constant 48 : index
        %get3A_193 = tpu.vector_load %arg10[%get3A_191, %get3A_192] {strides = array<i32>} : memref<128x128xf32, #tpu.memory_space<vmem>>, vector<1x16xf32>,
        %get3A_194 = vector.shape_cast %get3A_193 : vector<1x16xf32> to vector<16xf32>
        %add3A_195 = arith.addf %get3A_143, %get3A_194 : vector<16xf32>
        %mul3A_196 = arith.constant 2.000000e-01 : f32
        %mul3A_197 = vector.broadcast %mul3A_196 : f32 to vector<16xf32>
        %mul3A_198 = arith.mulf %mul3A_197, %add3A_195 : vector<16xf32>
        %max3A_199 = arith.maximumf %add3A_195, %mul3A_198 : vector<16xf32>
        %mul3A_200 = arith.mulf %max3A_199, %get3A_11 : vector<16xf32>
        %add3A_201 = arith.addf %add3A_190, %mul3A_200 : vector<16xf32>
        %get3A_202 = arith.index_cast %add3A_127 : i32 to index
        %get3A_203 = arith.constant 64 : index
        %get3A_204 = tpu.vector_load %arg10[%get3A_202, %get3A_203] {strides = array<i32>} : memref<128x128xf32, #tpu.memory_space<vmem>>, vector<1x16xf32>,
        %get3A_205 = vector.shape_cast %get3A_204 : vector<1x16xf32> to vector<16xf32>
        %add3A_206 = arith.addf %get3A_147, %get3A_205 : vector<16xf32>
        %mul3A_207 = arith.constant 2.000000e-01 : f32
        %mul3A_208 = vector.broadcast %mul3A_207 : f32 to vector<16xf32>
        %mul3A_209 = arith.mulf %mul3A_208, %add3A_206 : vector<16xf32>
        %max3A_210 = arith.maximumf %add3A_206, %mul3A_209 : vector<16xf32>
        %mul3A_211 = arith.mulf %max3A_210, %get3A_14 : vector<16xf32>
        %add3A_212 = arith.addf %add3A_201, %mul3A_211 : vector<16xf32>
        %get3A_213 = arith.index_cast %add3A_127 : i32 to index
        %get3A_214 = arith.constant 80 : index
        %get3A_215 = tpu.vector_load %arg10[%get3A_213, %get3A_214] {strides = array<i32>} : memref<128x128xf32, #tpu.memory_space<vmem>>, vector<1x16xf32>,
        %get3A_216 = vector.shape_cast %get3A_215 : vector<1x16xf32> to vector<16xf32>
        %add3A_217 = arith.addf %get3A_151, %get3A_216 : vector<16xf32>
        %mul3A_218 = arith.constant 2.000000e-01 : f32
        %mul3A_219 = vector.broadcast %mul3A_218 : f32 to vector<16xf32>
        %mul3A_220 = arith.mulf %mul3A_219, %add3A_217 : vector<16xf32>
        %max3A_221 = arith.maximumf %add3A_217, %mul3A_220 : vector<16xf32>
        %mul3A_222 = arith.mulf %max3A_221, %get3A_17 : vector<16xf32>
        %add3A_223 = arith.addf %add3A_212, %mul3A_222 : vector<16xf32>
        %get3A_224 = arith.index_cast %add3A_127 : i32 to index
        %get3A_225 = arith.constant 96 : index
        %get3A_226 = tpu.vector_load %arg10[%get3A_224, %get3A_225] {strides = array<i32>} : memref<128x128xf32, #tpu.memory_space<vmem>>, vector<1x16xf32>,
        %get3A_227 = vector.shape_cast %get3A_226 : vector<1x16xf32> to vector<16xf32>
        %add3A_228 = arith.addf %get3A_155, %get3A_227 : vector<16xf32>
        %mul3A_229 = arith.constant 2.000000e-01 : f32
        %mul3A_230 = vector.broadcast %mul3A_229 : f32 to vector<16xf32>
        %mul3A_231 = arith.mulf %mul3A_230, %add3A_228 : vector<16xf32>
        %max3A_232 = arith.maximumf %add3A_228, %mul3A_231 : vector<16xf32>
        %mul3A_233 = arith.mulf %max3A_232, %get3A_20 : vector<16xf32>
        %add3A_234 = arith.addf %add3A_223, %mul3A_233 : vector<16xf32>
        %get3A_235 = arith.index_cast %add3A_127 : i32 to index
        %get3A_236 = arith.constant 112 : index
        %get3A_237 = tpu.vector_load %arg10[%get3A_235, %get3A_236] {strides = array<i32>} : memref<128x128xf32, #tpu.memory_space<vmem>>, vector<1x16xf32>,
        %get3A_238 = vector.shape_cast %get3A_237 : vector<1x16xf32> to vector<16xf32>
        %add3A_239 = arith.addf %get3A_159, %get3A_238 : vector<16xf32>
        %mul3A_240 = arith.constant 2.000000e-01 : f32
        %mul3A_241 = vector.broadcast %mul3A_240 : f32 to vector<16xf32>
        %mul3A_242 = arith.mulf %mul3A_241, %add3A_239 : vector<16xf32>
        %max3A_243 = arith.maximumf %add3A_239, %mul3A_242 : vector<16xf32>
        %mul3A_244 = arith.mulf %max3A_243, %get3A_23 : vector<16xf32>
        %add3A_245 = arith.addf %add3A_234, %mul3A_244 : vector<16xf32>
        %iota3A_246 = tpu.iota {dimensions = array<i32: 0>} : vector<16xi32>
        %xor3A = arith.constant 1 : i32
        %xor3A_247 = vector.broadcast %xor3A : i32 to vector<16xi32>
        %xor3A_248 = arith.xori %iota3A_246, %xor3A_247 : vector<16xi32>
        %reshape3A = vector.shape_cast %xor3A_248 : vector<16xi32> to vector<16x1xi32>
        %gather3A = vector.shape_cast %reshape3A : vector<16x1xi32> to vector<16xi32>
        %gather3A_249 = tpu.dynamic_gather %add3A_245[%gather3A] in [0] : vector<16xf32>, vector<16xi32> -> vector<16xf32>
        %add3A_250 = arith.addf %add3A_245, %gather3A_249 : vector<16xf32>
        %xor3A_251 = arith.constant 2 : i32
        %xor3A_252 = vector.broadcast %xor3A_251 : i32 to vector<16xi32>
        %xor3A_253 = arith.xori %iota3A_246, %xor3A_252 : vector<16xi32>
        %reshape3A_254 = vector.shape_cast %xor3A_253 : vector<16xi32> to vector<16x1xi32>
        %gather3A_255 = vector.shape_cast %reshape3A_254 : vector<16x1xi32> to vector<16xi32>
        %gather3A_256 = tpu.dynamic_gather %add3A_250[%gather3A_255] in [0] : vector<16xf32>, vector<16xi32> -> vector<16xf32>
        %add3A_257 = arith.addf %add3A_250, %gather3A_256 : vector<16xf32>
        %xor3A_258 = arith.constant 4 : i32
        %xor3A_259 = vector.broadcast %xor3A_258 : i32 to vector<16xi32>
        %xor3A_260 = arith.xori %iota3A_246, %xor3A_259 : vector<16xi32>
        %reshape3A_261 = vector.shape_cast %xor3A_260 : vector<16xi32> to vector<16x1xi32>
        %gather3A_262 = vector.shape_cast %reshape3A_261 : vector<16x1xi32> to vector<16xi32>
        %gather3A_263 = tpu.dynamic_gather %add3A_257[%gather3A_262] in [0] : vector<16xf32>, vector<16xi32> -> vector<16xf32>
        %add3A_264 = arith.addf %add3A_257, %gather3A_263 : vector<16xf32>
        %xor3A_265 = arith.constant 8 : i32
        %xor3A_266 = vector.broadcast %xor3A_265 : i32 to vector<16xi32>
        %xor3A_267 = arith.xori %iota3A_246, %xor3A_266 : vector<16xi32>
        %reshape3A_268 = vector.shape_cast %xor3A_267 : vector<16xi32> to vector<16x1xi32>
        %gather3A_269 = vector.shape_cast %reshape3A_268 : vector<16x1xi32> to vector<16xi32>
        %gather3A_270 = tpu.dynamic_gather %add3A_264[%gather3A_269] in [0] : vector<16xf32>, vector<16xi32> -> vector<16xf32>
        %add3A_271 = arith.addf %add3A_264, %gather3A_270 : vector<16xf32>
        %exp3A = math.exp %add3A_271 : vector<16xf32>
        %swap3A = arith.index_cast %add3A_127 : i32 to index
        %swap3A_272 = arith.constant 0 : index
        %swap3A_273 = tpu.vector_load %arg11[%swap3A, %swap3A_272] {strides = array<i32>} : memref<128x16xf32, #tpu.memory_space<vmem>>, vector<1x16xf32>,
        %swap3A_274 = vector.shape_cast %swap3A_273 : vector<1x16xf32> to vector<16xf32>
        %swap3A_275 = vector.shape_cast %exp3A : vector<16xf32> to vector<1x16xf32>
        tpu.vector_store %arg11[%swap3A, %swap3A_272], %swap3A_275 {strides = array<i32>} : memref<128x16xf32, #tpu.memory_space<vmem>>, vector<1x16xf32>,
        %mul3A_276 = arith.mulf %exp3A, %get3A_131 : vector<16xf32>
        %swap3A_277 = arith.index_cast %add3A_127 : i32 to index
        %swap3A_278 = arith.constant 0 : index
        %swap3A_279 = tpu.vector_load %arg10[%swap3A_277, %swap3A_278] {strides = array<i32>} : memref<128x128xf32, #tpu.memory_space<vmem>>, vector<1x16xf32>,
        %swap3A_280 = vector.shape_cast %swap3A_279 : vector<1x16xf32> to vector<16xf32>
        %swap3A_281 = vector.shape_cast %mul3A_276 : vector<16xf32> to vector<1x16xf32>
        tpu.vector_store %arg10[%swap3A_277, %swap3A_278], %swap3A_281 {strides = array<i32>} : memref<128x128xf32, #tpu.memory_space<vmem>>, vector<1x16xf32>,
        %mul3A_282 = arith.mulf %exp3A, %get3A_135 : vector<16xf32>
        %swap3A_283 = arith.index_cast %add3A_127 : i32 to index
        %swap3A_284 = arith.constant 16 : index
        %swap3A_285 = tpu.vector_load %arg10[%swap3A_283, %swap3A_284] {strides = array<i32>} : memref<128x128xf32, #tpu.memory_space<vmem>>, vector<1x16xf32>,
        %swap3A_286 = vector.shape_cast %swap3A_285 : vector<1x16xf32> to vector<16xf32>
        %swap3A_287 = vector.shape_cast %mul3A_282 : vector<16xf32> to vector<1x16xf32>
        tpu.vector_store %arg10[%swap3A_283, %swap3A_284], %swap3A_287 {strides = array<i32>} : memref<128x128xf32, #tpu.memory_space<vmem>>, vector<1x16xf32>,
        %mul3A_288 = arith.mulf %exp3A, %get3A_139 : vector<16xf32>
        %swap3A_289 = arith.index_cast %add3A_127 : i32 to index
        %swap3A_290 = arith.constant 32 : index
        %swap3A_291 = tpu.vector_load %arg10[%swap3A_289, %swap3A_290] {strides = array<i32>} : memref<128x128xf32, #tpu.memory_space<vmem>>, vector<1x16xf32>,
        %swap3A_292 = vector.shape_cast %swap3A_291 : vector<1x16xf32> to vector<16xf32>
        %swap3A_293 = vector.shape_cast %mul3A_288 : vector<16xf32> to vector<1x16xf32>
        tpu.vector_store %arg10[%swap3A_289, %swap3A_290], %swap3A_293 {strides = array<i32>} : memref<128x128xf32, #tpu.memory_space<vmem>>, vector<1x16xf32>,
        %mul3A_294 = arith.mulf %exp3A, %get3A_143 : vector<16xf32>
        %swap3A_295 = arith.index_cast %add3A_127 : i32 to index
        %swap3A_296 = arith.constant 48 : index
        %swap3A_297 = tpu.vector_load %arg10[%swap3A_295, %swap3A_296] {strides = array<i32>} : memref<128x128xf32, #tpu.memory_space<vmem>>, vector<1x16xf32>,
        %swap3A_298 = vector.shape_cast %swap3A_297 : vector<1x16xf32> to vector<16xf32>
        %swap3A_299 = vector.shape_cast %mul3A_294 : vector<16xf32> to vector<1x16xf32>
        tpu.vector_store %arg10[%swap3A_295, %swap3A_296], %swap3A_299 {strides = array<i32>} : memref<128x128xf32, #tpu.memory_space<vmem>>, vector<1x16xf32>,
        %mul3A_300 = arith.mulf %exp3A, %get3A_147 : vector<16xf32>
        %swap3A_301 = arith.index_cast %add3A_127 : i32 to index
        %swap3A_302 = arith.constant 64 : index
        %swap3A_303 = tpu.vector_load %arg10[%swap3A_301, %swap3A_302] {strides = array<i32>} : memref<128x128xf32, #tpu.memory_space<vmem>>, vector<1x16xf32>,
        %swap3A_304 = vector.shape_cast %swap3A_303 : vector<1x16xf32> to vector<16xf32>
        %swap3A_305 = vector.shape_cast %mul3A_300 : vector<16xf32> to vector<1x16xf32>
        tpu.vector_store %arg10[%swap3A_301, %swap3A_302], %swap3A_305 {strides = array<i32>} : memref<128x128xf32, #tpu.memory_space<vmem>>, vector<1x16xf32>,
        %mul3A_306 = arith.mulf %exp3A, %get3A_151 : vector<16xf32>
        %swap3A_307 = arith.index_cast %add3A_127 : i32 to index
        %swap3A_308 = arith.constant 80 : index
        %swap3A_309 = tpu.vector_load %arg10[%swap3A_307, %swap3A_308] {strides = array<i32>} : memref<128x128xf32, #tpu.memory_space<vmem>>, vector<1x16xf32>,
        %swap3A_310 = vector.shape_cast %swap3A_309 : vector<1x16xf32> to vector<16xf32>
        %swap3A_311 = vector.shape_cast %mul3A_306 : vector<16xf32> to vector<1x16xf32>
        tpu.vector_store %arg10[%swap3A_307, %swap3A_308], %swap3A_311 {strides = array<i32>} : memref<128x128xf32, #tpu.memory_space<vmem>>, vector<1x16xf32>,
        %mul3A_312 = arith.mulf %exp3A, %get3A_155 : vector<16xf32>
        %swap3A_313 = arith.index_cast %add3A_127 : i32 to index
        %swap3A_314 = arith.constant 96 : index
        %swap3A_315 = tpu.vector_load %arg10[%swap3A_313, %swap3A_314] {strides = array<i32>} : memref<128x128xf32, #tpu.memory_space<vmem>>, vector<1x16xf32>,
        %swap3A_316 = vector.shape_cast %swap3A_315 : vector<1x16xf32> to vector<16xf32>
        %swap3A_317 = vector.shape_cast %mul3A_312 : vector<16xf32> to vector<1x16xf32>
        tpu.vector_store %arg10[%swap3A_313, %swap3A_314], %swap3A_317 {strides = array<i32>} : memref<128x128xf32, #tpu.memory_space<vmem>>, vector<1x16xf32>,
        %mul3A_318 = arith.mulf %exp3A, %get3A_159 : vector<16xf32>
        %swap3A_319 = arith.index_cast %add3A_127 : i32 to index
        %swap3A_320 = arith.constant 112 : index
        %swap3A_321 = tpu.vector_load %arg10[%swap3A_319, %swap3A_320] {strides = array<i32>} : memref<128x128xf32, #tpu.memory_space<vmem>>, vector<1x16xf32>,
        %swap3A_322 = vector.shape_cast %swap3A_321 : vector<1x16xf32> to vector<16xf32>
        %swap3A_323 = vector.shape_cast %mul3A_318 : vector<16xf32> to vector<1x16xf32>
        tpu.vector_store %arg10[%swap3A_319, %swap3A_320], %swap3A_323 {strides = array<i32>} : memref<128x128xf32, #tpu.memory_space<vmem>>, vector<1x16xf32>,
        %scan3A_324 = arith.constant 1 : i32
        %scan3A_325 = arith.addi %scan3A_123, %scan3A_324 : i32
        %mul3A_326 = arith.constant 1 : i32
        %mul3A_327 = arith.muli %scan3A_325, %mul3A_326 : i32
        %add3A_328 = arith.constant 0 : i32
        %add3A_329 = arith.addi %add3A_328, %mul3A_327 : i32
        %get3A_330 = arith.index_cast %add3A_329 : i32 to index
        %get3A_331 = arith.constant 0 : index
        %get3A_332 = tpu.vector_load %arg9[%get3A_330, %get3A_331] {strides = array<i32>} : memref<128x128xf32, #tpu.memory_space<vmem>>, vector<1x16xf32>,
        %get3A_333 = vector.shape_cast %get3A_332 : vector<1x16xf32> to vector<16xf32>
        %get3A_334 = arith.index_cast %add3A_329 : i32 to index
        %get3A_335 = arith.constant 16 : index
        %get3A_336 = tpu.vector_load %arg9[%get3A_334, %get3A_335] {strides = array<i32>} : memref<128x128xf32, #tpu.memory_space<vmem>>, vector<1x16xf32>,
        %get3A_337 = vector.shape_cast %get3A_336 : vector<1x16xf32> to vector<16xf32>
        %get3A_338 = arith.index_cast %add3A_329 : i32 to index
        %get3A_339 = arith.constant 32 : index
        %get3A_340 = tpu.vector_load %arg9[%get3A_338, %get3A_339] {strides = array<i32>} : memref<128x128xf32, #tpu.memory_space<vmem>>, vector<1x16xf32>,
        %get3A_341 = vector.shape_cast %get3A_340 : vector<1x16xf32> to vector<16xf32>
        %get3A_342 = arith.index_cast %add3A_329 : i32 to index
        %get3A_343 = arith.constant 48 : index
        %get3A_344 = tpu.vector_load %arg9[%get3A_342, %get3A_343] {strides = array<i32>} : memref<128x128xf32, #tpu.memory_space<vmem>>, vector<1x16xf32>,
        %get3A_345 = vector.shape_cast %get3A_344 : vector<1x16xf32> to vector<16xf32>
        %get3A_346 = arith.index_cast %add3A_329 : i32 to index
        %get3A_347 = arith.constant 64 : index
        %get3A_348 = tpu.vector_load %arg9[%get3A_346, %get3A_347] {strides = array<i32>} : memref<128x128xf32, #tpu.memory_space<vmem>>, vector<1x16xf32>,
        %get3A_349 = vector.shape_cast %get3A_348 : vector<1x16xf32> to vector<16xf32>
        %get3A_350 = arith.index_cast %add3A_329 : i32 to index
        %get3A_351 = arith.constant 80 : index
        %get3A_352 = tpu.vector_load %arg9[%get3A_350, %get3A_351] {strides = array<i32>} : memref<128x128xf32, #tpu.memory_space<vmem>>, vector<1x16xf32>,
        %get3A_353 = vector.shape_cast %get3A_352 : vector<1x16xf32> to vector<16xf32>
        %get3A_354 = arith.index_cast %add3A_329 : i32 to index
        %get3A_355 = arith.constant 96 : index
        %get3A_356 = tpu.vector_load %arg9[%get3A_354, %get3A_355] {strides = array<i32>} : memref<128x128xf32, #tpu.memory_space<vmem>>, vector<1x16xf32>,
        %get3A_357 = vector.shape_cast %get3A_356 : vector<1x16xf32> to vector<16xf32>
        %get3A_358 = arith.index_cast %add3A_329 : i32 to index
        %get3A_359 = arith.constant 112 : index
        %get3A_360 = tpu.vector_load %arg9[%get3A_358, %get3A_359] {strides = array<i32>} : memref<128x128xf32, #tpu.memory_space<vmem>>, vector<1x16xf32>,
        %get3A_361 = vector.shape_cast %get3A_360 : vector<1x16xf32> to vector<16xf32>
        %get3A_362 = arith.index_cast %add3A_329 : i32 to index
        %get3A_363 = arith.constant 0 : index
        %get3A_364 = tpu.vector_load %arg10[%get3A_362, %get3A_363] {strides = array<i32>} : memref<128x128xf32, #tpu.memory_space<vmem>>, vector<1x16xf32>,
        %get3A_365 = vector.shape_cast %get3A_364 : vector<1x16xf32> to vector<16xf32>
        %add3A_366 = arith.addf %get3A_333, %get3A_365 : vector<16xf32>
        %mul3A_367 = arith.constant 2.000000e-01 : f32
        %mul3A_368 = vector.broadcast %mul3A_367 : f32 to vector<16xf32>
        %mul3A_369 = arith.mulf %mul3A_368, %add3A_366 : vector<16xf32>
        %max3A_370 = arith.maximumf %add3A_366, %mul3A_369 : vector<16xf32>
        %mul3A_371 = arith.mulf %max3A_370, %get3A_2 : vector<16xf32>
        %get3A_372 = arith.index_cast %add3A_329 : i32 to index
        %get3A_373 = arith.constant 16 : index
        %get3A_374 = tpu.vector_load %arg10[%get3A_372, %get3A_373] {strides = array<i32>} : memref<128x128xf32, #tpu.memory_space<vmem>>, vector<1x16xf32>,
        %get3A_375 = vector.shape_cast %get3A_374 : vector<1x16xf32> to vector<16xf32>
        %add3A_376 = arith.addf %get3A_337, %get3A_375 : vector<16xf32>
        %mul3A_377 = arith.constant 2.000000e-01 : f32
        %mul3A_378 = vector.broadcast %mul3A_377 : f32 to vector<16xf32>
        %mul3A_379 = arith.mulf %mul3A_378, %add3A_376 : vector<16xf32>
        %max3A_380 = arith.maximumf %add3A_376, %mul3A_379 : vector<16xf32>
        %mul3A_381 = arith.mulf %max3A_380, %get3A_5 : vector<16xf32>
        %add3A_382 = arith.addf %mul3A_371, %mul3A_381 : vector<16xf32>
        %get3A_383 = arith.index_cast %add3A_329 : i32 to index
        %get3A_384 = arith.constant 32 : index
        %get3A_385 = tpu.vector_load %arg10[%get3A_383, %get3A_384] {strides = array<i32>} : memref<128x128xf32, #tpu.memory_space<vmem>>, vector<1x16xf32>,
        %get3A_386 = vector.shape_cast %get3A_385 : vector<1x16xf32> to vector<16xf32>
        %add3A_387 = arith.addf %get3A_341, %get3A_386 : vector<16xf32>
        %mul3A_388 = arith.constant 2.000000e-01 : f32
        %mul3A_389 = vector.broadcast %mul3A_388 : f32 to vector<16xf32>
        %mul3A_390 = arith.mulf %mul3A_389, %add3A_387 : vector<16xf32>
        %max3A_391 = arith.maximumf %add3A_387, %mul3A_390 : vector<16xf32>
        %mul3A_392 = arith.mulf %max3A_391, %get3A_8 : vector<16xf32>
        %add3A_393 = arith.addf %add3A_382, %mul3A_392 : vector<16xf32>
        %get3A_394 = arith.index_cast %add3A_329 : i32 to index
        %get3A_395 = arith.constant 48 : index
        %get3A_396 = tpu.vector_load %arg10[%get3A_394, %get3A_395] {strides = array<i32>} : memref<128x128xf32, #tpu.memory_space<vmem>>, vector<1x16xf32>,
        %get3A_397 = vector.shape_cast %get3A_396 : vector<1x16xf32> to vector<16xf32>
        %add3A_398 = arith.addf %get3A_345, %get3A_397 : vector<16xf32>
        %mul3A_399 = arith.constant 2.000000e-01 : f32
        %mul3A_400 = vector.broadcast %mul3A_399 : f32 to vector<16xf32>
        %mul3A_401 = arith.mulf %mul3A_400, %add3A_398 : vector<16xf32>
        %max3A_402 = arith.maximumf %add3A_398, %mul3A_401 : vector<16xf32>
        %mul3A_403 = arith.mulf %max3A_402, %get3A_11 : vector<16xf32>
        %add3A_404 = arith.addf %add3A_393, %mul3A_403 : vector<16xf32>
        %get3A_405 = arith.index_cast %add3A_329 : i32 to index
        %get3A_406 = arith.constant 64 : index
        %get3A_407 = tpu.vector_load %arg10[%get3A_405, %get3A_406] {strides = array<i32>} : memref<128x128xf32, #tpu.memory_space<vmem>>, vector<1x16xf32>,
        %get3A_408 = vector.shape_cast %get3A_407 : vector<1x16xf32> to vector<16xf32>
        %add3A_409 = arith.addf %get3A_349, %get3A_408 : vector<16xf32>
        %mul3A_410 = arith.constant 2.000000e-01 : f32
        %mul3A_411 = vector.broadcast %mul3A_410 : f32 to vector<16xf32>
        %mul3A_412 = arith.mulf %mul3A_411, %add3A_409 : vector<16xf32>
        %max3A_413 = arith.maximumf %add3A_409, %mul3A_412 : vector<16xf32>
        %mul3A_414 = arith.mulf %max3A_413, %get3A_14 : vector<16xf32>
        %add3A_415 = arith.addf %add3A_404, %mul3A_414 : vector<16xf32>
        %get3A_416 = arith.index_cast %add3A_329 : i32 to index
        %get3A_417 = arith.constant 80 : index
        %get3A_418 = tpu.vector_load %arg10[%get3A_416, %get3A_417] {strides = array<i32>} : memref<128x128xf32, #tpu.memory_space<vmem>>, vector<1x16xf32>,
        %get3A_419 = vector.shape_cast %get3A_418 : vector<1x16xf32> to vector<16xf32>
        %add3A_420 = arith.addf %get3A_353, %get3A_419 : vector<16xf32>
        %mul3A_421 = arith.constant 2.000000e-01 : f32
        %mul3A_422 = vector.broadcast %mul3A_421 : f32 to vector<16xf32>
        %mul3A_423 = arith.mulf %mul3A_422, %add3A_420 : vector<16xf32>
        %max3A_424 = arith.maximumf %add3A_420, %mul3A_423 : vector<16xf32>
        %mul3A_425 = arith.mulf %max3A_424, %get3A_17 : vector<16xf32>
        %add3A_426 = arith.addf %add3A_415, %mul3A_425 : vector<16xf32>
        %get3A_427 = arith.index_cast %add3A_329 : i32 to index
        %get3A_428 = arith.constant 96 : index
        %get3A_429 = tpu.vector_load %arg10[%get3A_427, %get3A_428] {strides = array<i32>} : memref<128x128xf32, #tpu.memory_space<vmem>>, vector<1x16xf32>,
        %get3A_430 = vector.shape_cast %get3A_429 : vector<1x16xf32> to vector<16xf32>
        %add3A_431 = arith.addf %get3A_357, %get3A_430 : vector<16xf32>
        %mul3A_432 = arith.constant 2.000000e-01 : f32
        %mul3A_433 = vector.broadcast %mul3A_432 : f32 to vector<16xf32>
        %mul3A_434 = arith.mulf %mul3A_433, %add3A_431 : vector<16xf32>
        %max3A_435 = arith.maximumf %add3A_431, %mul3A_434 : vector<16xf32>
        %mul3A_436 = arith.mulf %max3A_435, %get3A_20 : vector<16xf32>
        %add3A_437 = arith.addf %add3A_426, %mul3A_436 : vector<16xf32>
        %get3A_438 = arith.index_cast %add3A_329 : i32 to index
        %get3A_439 = arith.constant 112 : index
        %get3A_440 = tpu.vector_load %arg10[%get3A_438, %get3A_439] {strides = array<i32>} : memref<128x128xf32, #tpu.memory_space<vmem>>, vector<1x16xf32>,
        %get3A_441 = vector.shape_cast %get3A_440 : vector<1x16xf32> to vector<16xf32>
        %add3A_442 = arith.addf %get3A_361, %get3A_441 : vector<16xf32>
        %mul3A_443 = arith.constant 2.000000e-01 : f32
        %mul3A_444 = vector.broadcast %mul3A_443 : f32 to vector<16xf32>
        %mul3A_445 = arith.mulf %mul3A_444, %add3A_442 : vector<16xf32>
        %max3A_446 = arith.maximumf %add3A_442, %mul3A_445 : vector<16xf32>
        %mul3A_447 = arith.mulf %max3A_446, %get3A_23 : vector<16xf32>
        %add3A_448 = arith.addf %add3A_437, %mul3A_447 : vector<16xf32>
        %iota3A_449 = tpu.iota {dimensions = array<i32: 0>} : vector<16xi32>
        %xor3A_450 = arith.constant 1 : i32
        %xor3A_451 = vector.broadcast %xor3A_450 : i32 to vector<16xi32>
        %xor3A_452 = arith.xori %iota3A_449, %xor3A_451 : vector<16xi32>
        %reshape3A_453 = vector.shape_cast %xor3A_452 : vector<16xi32> to vector<16x1xi32>
        %gather3A_454 = vector.shape_cast %reshape3A_453 : vector<16x1xi32> to vector<16xi32>
        %gather3A_455 = tpu.dynamic_gather %add3A_448[%gather3A_454] in [0] : vector<16xf32>, vector<16xi32> -> vector<16xf32>
        %add3A_456 = arith.addf %add3A_448, %gather3A_455 : vector<16xf32>
        %xor3A_457 = arith.constant 2 : i32
        %xor3A_458 = vector.broadcast %xor3A_457 : i32 to vector<16xi32>
        %xor3A_459 = arith.xori %iota3A_449, %xor3A_458 : vector<16xi32>
        %reshape3A_460 = vector.shape_cast %xor3A_459 : vector<16xi32> to vector<16x1xi32>
        %gather3A_461 = vector.shape_cast %reshape3A_460 : vector<16x1xi32> to vector<16xi32>
        %gather3A_462 = tpu.dynamic_gather %add3A_456[%gather3A_461] in [0] : vector<16xf32>, vector<16xi32> -> vector<16xf32>
        %add3A_463 = arith.addf %add3A_456, %gather3A_462 : vector<16xf32>
        %xor3A_464 = arith.constant 4 : i32
        %xor3A_465 = vector.broadcast %xor3A_464 : i32 to vector<16xi32>
        %xor3A_466 = arith.xori %iota3A_449, %xor3A_465 : vector<16xi32>
        %reshape3A_467 = vector.shape_cast %xor3A_466 : vector<16xi32> to vector<16x1xi32>
        %gather3A_468 = vector.shape_cast %reshape3A_467 : vector<16x1xi32> to vector<16xi32>
        %gather3A_469 = tpu.dynamic_gather %add3A_463[%gather3A_468] in [0] : vector<16xf32>, vector<16xi32> -> vector<16xf32>
        %add3A_470 = arith.addf %add3A_463, %gather3A_469 : vector<16xf32>
        %xor3A_471 = arith.constant 8 : i32
        %xor3A_472 = vector.broadcast %xor3A_471 : i32 to vector<16xi32>
        %xor3A_473 = arith.xori %iota3A_449, %xor3A_472 : vector<16xi32>
        %reshape3A_474 = vector.shape_cast %xor3A_473 : vector<16xi32> to vector<16x1xi32>
        %gather3A_475 = vector.shape_cast %reshape3A_474 : vector<16x1xi32> to vector<16xi32>
        %gather3A_476 = tpu.dynamic_gather %add3A_470[%gather3A_475] in [0] : vector<16xf32>, vector<16xi32> -> vector<16xf32>
        %add3A_477 = arith.addf %add3A_470, %gather3A_476 : vector<16xf32>
        %exp3A_478 = math.exp %add3A_477 : vector<16xf32>
        %swap3A_479 = arith.index_cast %add3A_329 : i32 to index
        %swap3A_480 = arith.constant 0 : index
        %swap3A_481 = tpu.vector_load %arg11[%swap3A_479, %swap3A_480] {strides = array<i32>} : memref<128x16xf32, #tpu.memory_space<vmem>>, vector<1x16xf32>,
        %swap3A_482 = vector.shape_cast %swap3A_481 : vector<1x16xf32> to vector<16xf32>
        %swap3A_483 = vector.shape_cast %exp3A_478 : vector<16xf32> to vector<1x16xf32>
        tpu.vector_store %arg11[%swap3A_479, %swap3A_480], %swap3A_483 {strides = array<i32>} : memref<128x16xf32, #tpu.memory_space<vmem>>, vector<1x16xf32>,
        %mul3A_484 = arith.mulf %exp3A_478, %get3A_333 : vector<16xf32>
        %swap3A_485 = arith.index_cast %add3A_329 : i32 to index
        %swap3A_486 = arith.constant 0 : index
        %swap3A_487 = tpu.vector_load %arg10[%swap3A_485, %swap3A_486] {strides = array<i32>} : memref<128x128xf32, #tpu.memory_space<vmem>>, vector<1x16xf32>,
        %swap3A_488 = vector.shape_cast %swap3A_487 : vector<1x16xf32> to vector<16xf32>
        %swap3A_489 = vector.shape_cast %mul3A_484 : vector<16xf32> to vector<1x16xf32>
        tpu.vector_store %arg10[%swap3A_485, %swap3A_486], %swap3A_489 {strides = array<i32>} : memref<128x128xf32, #tpu.memory_space<vmem>>, vector<1x16xf32>,
        %mul3A_490 = arith.mulf %exp3A_478, %get3A_337 : vector<16xf32>
        %swap3A_491 = arith.index_cast %add3A_329 : i32 to index
        %swap3A_492 = arith.constant 16 : index
        %swap3A_493 = tpu.vector_load %arg10[%swap3A_491, %swap3A_492] {strides = array<i32>} : memref<128x128xf32, #tpu.memory_space<vmem>>, vector<1x16xf32>,
        %swap3A_494 = vector.shape_cast %swap3A_493 : vector<1x16xf32> to vector<16xf32>
        %swap3A_495 = vector.shape_cast %mul3A_490 : vector<16xf32> to vector<1x16xf32>
        tpu.vector_store %arg10[%swap3A_491, %swap3A_492], %swap3A_495 {strides = array<i32>} : memref<128x128xf32, #tpu.memory_space<vmem>>, vector<1x16xf32>,
        %mul3A_496 = arith.mulf %exp3A_478, %get3A_341 : vector<16xf32>
        %swap3A_497 = arith.index_cast %add3A_329 : i32 to index
        %swap3A_498 = arith.constant 32 : index
        %swap3A_499 = tpu.vector_load %arg10[%swap3A_497, %swap3A_498] {strides = array<i32>} : memref<128x128xf32, #tpu.memory_space<vmem>>, vector<1x16xf32>,
        %swap3A_500 = vector.shape_cast %swap3A_499 : vector<1x16xf32> to vector<16xf32>
        %swap3A_501 = vector.shape_cast %mul3A_496 : vector<16xf32> to vector<1x16xf32>
        tpu.vector_store %arg10[%swap3A_497, %swap3A_498], %swap3A_501 {strides = array<i32>} : memref<128x128xf32, #tpu.memory_space<vmem>>, vector<1x16xf32>,
        %mul3A_502 = arith.mulf %exp3A_478, %get3A_345 : vector<16xf32>
        %swap3A_503 = arith.index_cast %add3A_329 : i32 to index
        %swap3A_504 = arith.constant 48 : index
        %swap3A_505 = tpu.vector_load %arg10[%swap3A_503, %swap3A_504] {strides = array<i32>} : memref<128x128xf32, #tpu.memory_space<vmem>>, vector<1x16xf32>,
        %swap3A_506 = vector.shape_cast %swap3A_505 : vector<1x16xf32> to vector<16xf32>
        %swap3A_507 = vector.shape_cast %mul3A_502 : vector<16xf32> to vector<1x16xf32>
        tpu.vector_store %arg10[%swap3A_503, %swap3A_504], %swap3A_507 {strides = array<i32>} : memref<128x128xf32, #tpu.memory_space<vmem>>, vector<1x16xf32>,
        %mul3A_508 = arith.mulf %exp3A_478, %get3A_349 : vector<16xf32>
        %swap3A_509 = arith.index_cast %add3A_329 : i32 to index
        %swap3A_510 = arith.constant 64 : index
        %swap3A_511 = tpu.vector_load %arg10[%swap3A_509, %swap3A_510] {strides = array<i32>} : memref<128x128xf32, #tpu.memory_space<vmem>>, vector<1x16xf32>,
        %swap3A_512 = vector.shape_cast %swap3A_511 : vector<1x16xf32> to vector<16xf32>
        %swap3A_513 = vector.shape_cast %mul3A_508 : vector<16xf32> to vector<1x16xf32>
        tpu.vector_store %arg10[%swap3A_509, %swap3A_510], %swap3A_513 {strides = array<i32>} : memref<128x128xf32, #tpu.memory_space<vmem>>, vector<1x16xf32>,
        %mul3A_514 = arith.mulf %exp3A_478, %get3A_353 : vector<16xf32>
        %swap3A_515 = arith.index_cast %add3A_329 : i32 to index
        %swap3A_516 = arith.constant 80 : index
        %swap3A_517 = tpu.vector_load %arg10[%swap3A_515, %swap3A_516] {strides = array<i32>} : memref<128x128xf32, #tpu.memory_space<vmem>>, vector<1x16xf32>,
        %swap3A_518 = vector.shape_cast %swap3A_517 : vector<1x16xf32> to vector<16xf32>
        %swap3A_519 = vector.shape_cast %mul3A_514 : vector<16xf32> to vector<1x16xf32>
        tpu.vector_store %arg10[%swap3A_515, %swap3A_516], %swap3A_519 {strides = array<i32>} : memref<128x128xf32, #tpu.memory_space<vmem>>, vector<1x16xf32>,
        %mul3A_520 = arith.mulf %exp3A_478, %get3A_357 : vector<16xf32>
        %swap3A_521 = arith.index_cast %add3A_329 : i32 to index
        %swap3A_522 = arith.constant 96 : index
        %swap3A_523 = tpu.vector_load %arg10[%swap3A_521, %swap3A_522] {strides = array<i32>} : memref<128x128xf32, #tpu.memory_space<vmem>>, vector<1x16xf32>,
        %swap3A_524 = vector.shape_cast %swap3A_523 : vector<1x16xf32> to vector<16xf32>
        %swap3A_525 = vector.shape_cast %mul3A_520 : vector<16xf32> to vector<1x16xf32>
        tpu.vector_store %arg10[%swap3A_521, %swap3A_522], %swap3A_525 {strides = array<i32>} : memref<128x128xf32, #tpu.memory_space<vmem>>, vector<1x16xf32>,
        %mul3A_526 = arith.mulf %exp3A_478, %get3A_361 : vector<16xf32>
        %swap3A_527 = arith.index_cast %add3A_329 : i32 to index
        %swap3A_528 = arith.constant 112 : index
        %swap3A_529 = tpu.vector_load %arg10[%swap3A_527, %swap3A_528] {strides = array<i32>} : memref<128x128xf32, #tpu.memory_space<vmem>>, vector<1x16xf32>,
        %swap3A_530 = vector.shape_cast %swap3A_529 : vector<1x16xf32> to vector<16xf32>
        %swap3A_531 = vector.shape_cast %mul3A_526 : vector<16xf32> to vector<1x16xf32>
        tpu.vector_store %arg10[%swap3A_527, %swap3A_528], %swap3A_531 {strides = array<i32>} : memref<128x128xf32, #tpu.memory_space<vmem>>, vector<1x16xf32>,
      }
      %scan3A_121 = arith.constant 128 : i32
      %run_scoped3A = arith.constant 1 : i32
      "tpu.region"() ({
        %run_scoped3A_123 = tpu.sem_alloc : memref<!tpu.dma_semaphore, #tpu.memory_space<semaphore_mem>>
        %dma_start3A_124 = arith.constant 0 : i32
        %dma_start3A_125 = tpu.memref_slice %arg8[%run_scoped3A, %dma_start3A_124] : memref<2x128xi32, #tpu.memory_space<vmem>> -> memref<1x128xi32, #tpu.memory_space<vmem>>
        %dma_start3A_126 = tpu.memref_squeeze %dma_start3A_125 : memref<1x128xi32, #tpu.memory_space<vmem>> -> memref<128xi32, #tpu.memory_space<vmem>>
        %dma_start3A_127 = arith.constant 0 : i32
        %dma_start3A_128 = arith.constant 0 : i32
        %dma_start3A_129 = tpu.memref_slice %arg13[%dma_start3A_127, %dma_start3A_128] : memref<10016x128xf32, #tpu.memory_space<vmem_shared>> -> memref<10016x128xf32, #tpu.memory_space<vmem_shared>>
        tpu.enqueue_indirect_dma source(%arg10 : memref<128x128xf32, #tpu.memory_space<vmem>>) target(%dma_start3A_129 : memref<10016x128xf32, #tpu.memory_space<vmem_shared>>) offsets(%dma_start3A_126 : memref<128xi32, #tpu.memory_space<vmem>>) semaphore(%run_scoped3A_123 : memref<!tpu.dma_semaphore, #tpu.memory_space<semaphore_mem>>) {add = true}
        %dma_wait3A_130 = arith.constant 0 : i32
        %dma_wait3A_131 = tpu.memref_slice %arg8[%run_scoped3A, %dma_wait3A_130] : memref<2x128xi32, #tpu.memory_space<vmem>> -> memref<1x128xi32, #tpu.memory_space<vmem>>
        %dma_wait3A_132 = tpu.memref_squeeze %dma_wait3A_131 : memref<1x128xi32, #tpu.memory_space<vmem>> -> memref<128xi32, #tpu.memory_space<vmem>>
        %dma_wait3A_133 = arith.constant 0 : i32
        %dma_wait3A_134 = arith.constant 0 : i32
        %dma_wait3A_135 = tpu.memref_slice %arg13[%dma_wait3A_133, %dma_wait3A_134] : memref<10016x128xf32, #tpu.memory_space<vmem_shared>> -> memref<10016x128xf32, #tpu.memory_space<vmem_shared>>
        tpu.wait_indirect_dma semaphore(%run_scoped3A_123 : memref<!tpu.dma_semaphore, #tpu.memory_space<semaphore_mem>>) src(%arg10 : memref<128x128xf32, #tpu.memory_space<vmem>>) dst(%dma_wait3A_135 : memref<10016x128xf32, #tpu.memory_space<vmem_shared>>)
        tpu.yield
      }) : () -> ()
      %run_scoped3A_122 = arith.constant 1 : i32
      "tpu.region"() ({
        %run_scoped3A_123 = tpu.sem_alloc : memref<!tpu.dma_semaphore, #tpu.memory_space<semaphore_mem>>
        %dma_start3A_124 = arith.constant 0 : i32
        %dma_start3A_125 = tpu.memref_slice %arg8[%run_scoped3A_122, %dma_start3A_124] : memref<2x128xi32, #tpu.memory_space<vmem>> -> memref<1x128xi32, #tpu.memory_space<vmem>>
        %dma_start3A_126 = tpu.memref_squeeze %dma_start3A_125 : memref<1x128xi32, #tpu.memory_space<vmem>> -> memref<128xi32, #tpu.memory_space<vmem>>
        %dma_start3A_127 = arith.constant 0 : i32
        %dma_start3A_128 = arith.constant 0 : i32
        %dma_start3A_129 = tpu.memref_slice %arg14[%dma_start3A_127, %dma_start3A_128] : memref<10016x16xf32, #tpu.memory_space<vmem_shared>> -> memref<10016x16xf32, #tpu.memory_space<vmem_shared>>
        tpu.enqueue_indirect_dma source(%arg11 : memref<128x16xf32, #tpu.memory_space<vmem>>) target(%dma_start3A_129 : memref<10016x16xf32, #tpu.memory_space<vmem_shared>>) offsets(%dma_start3A_126 : memref<128xi32, #tpu.memory_space<vmem>>) semaphore(%run_scoped3A_123 : memref<!tpu.dma_semaphore, #tpu.memory_space<semaphore_mem>>) {add = true}
        %dma_wait3A_130 = arith.constant 0 : i32
        %dma_wait3A_131 = tpu.memref_slice %arg8[%run_scoped3A_122, %dma_wait3A_130] : memref<2x128xi32, #tpu.memory_space<vmem>> -> memref<1x128xi32, #tpu.memory_space<vmem>>
        %dma_wait3A_132 = tpu.memref_squeeze %dma_wait3A_131 : memref<1x128xi32, #tpu.memory_space<vmem>> -> memref<128xi32, #tpu.memory_space<vmem>>
        %dma_wait3A_133 = arith.constant 0 : i32
        %dma_wait3A_134 = arith.constant 0 : i32
        %dma_wait3A_135 = tpu.memref_slice %arg14[%dma_wait3A_133, %dma_wait3A_134] : memref<10016x16xf32, #tpu.memory_space<vmem_shared>> -> memref<10016x16xf32, #tpu.memory_space<vmem_shared>>
        tpu.wait_indirect_dma semaphore(%run_scoped3A_123 : memref<!tpu.dma_semaphore, #tpu.memory_space<semaphore_mem>>) src(%arg11 : memref<128x16xf32, #tpu.memory_space<vmem>>) dst(%dma_wait3A_135 : memref<10016x16xf32, #tpu.memory_space<vmem_shared>>)
        tpu.yield
      }) : () -> ()
    }
    %scan3A_81 = arith.constant 82 : i32
    %barrier3A_82 = arith.constant 0 : index
    tpu.barrier barrier_id(%barrier3A_82)
    "tpu.region"() ({
      %run_scoped3A = tpu.sem_alloc : memref<!tpu.dma_semaphore, #tpu.memory_space<semaphore_mem>>
      %dma_start3A = arith.constant 0 : i32
      %dma_start3A_83 = tpu.memref_slice %arg6[%arg0, %mul3A_69, %dma_start3A] : memref<2x10016x128xf32, #tpu.memory_space<hbm>> -> memref<1x626x128xf32, #tpu.memory_space<hbm>>
      %dma_start3A_84 = tpu.memref_squeeze %dma_start3A_83 : memref<1x626x128xf32, #tpu.memory_space<hbm>> -> memref<626x128xf32, #tpu.memory_space<hbm>>
      %dma_start3A_85 = arith.constant 0 : i32
      %dma_start3A_86 = tpu.memref_slice %arg13[%mul3A_69, %dma_start3A_85] : memref<10016x128xf32, #tpu.memory_space<vmem_shared>> -> memref<626x128xf32, #tpu.memory_space<vmem_shared>>
      tpu.enqueue_dma source(%dma_start3A_86 : memref<626x128xf32, #tpu.memory_space<vmem_shared>>) target(%dma_start3A_84 : memref<626x128xf32, #tpu.memory_space<hbm>>) target_semaphore(%run_scoped3A : memref<!tpu.dma_semaphore, #tpu.memory_space<semaphore_mem>>)
      %dma_wait3A = arith.constant 0 : i32
      %dma_wait3A_87 = tpu.memref_slice %arg6[%arg0, %mul3A_69, %dma_wait3A] : memref<2x10016x128xf32, #tpu.memory_space<hbm>> -> memref<1x626x128xf32, #tpu.memory_space<hbm>>
      %dma_wait3A_88 = tpu.memref_squeeze %dma_wait3A_87 : memref<1x626x128xf32, #tpu.memory_space<hbm>> -> memref<626x128xf32, #tpu.memory_space<hbm>>
      %dma_wait3A_89 = arith.constant 0 : i32
      %dma_wait3A_90 = tpu.memref_slice %arg13[%mul3A_69, %dma_wait3A_89] : memref<10016x128xf32, #tpu.memory_space<vmem_shared>> -> memref<626x128xf32, #tpu.memory_space<vmem_shared>>
      tpu.wait_dma2 semaphore(%run_scoped3A : memref<!tpu.dma_semaphore, #tpu.memory_space<semaphore_mem>>) src(%dma_wait3A_90 : memref<626x128xf32, #tpu.memory_space<vmem_shared>>) dst(%dma_wait3A_88 : memref<626x128xf32, #tpu.memory_space<hbm>>)
      tpu.yield
    }) : () -> ()
    "tpu.region"() ({
      %run_scoped3A = tpu.sem_alloc : memref<!tpu.dma_semaphore, #tpu.memory_space<semaphore_mem>>
      %dma_start3A = arith.constant 0 : i32
      %dma_start3A_83 = tpu.memref_slice %arg7[%arg0, %mul3A_69, %dma_start3A] : memref<2x10016x16xf32, #tpu.memory_space<hbm>> -> memref<1x626x16xf32, #tpu.memory_space<hbm>>
      %dma_start3A_84 = tpu.memref_squeeze %dma_start3A_83 : memref<1x626x16xf32, #tpu.memory_space<hbm>> -> memref<626x16xf32, #tpu.memory_space<hbm>>
      %dma_start3A_85 = arith.constant 0 : i32
      %dma_start3A_86 = tpu.memref_slice %arg14[%mul3A_69, %dma_start3A_85] : memref<10016x16xf32, #tpu.memory_space<vmem_shared>> -> memref<626x16xf32, #tpu.memory_space<vmem_shared>>
      tpu.enqueue_dma source(%dma_start3A_86 : memref<626x16xf32, #tpu.memory_space<vmem_shared>>) target(%dma_start3A_84 : memref<626x16xf32, #tpu.memory_space<hbm>>) target_semaphore(%run_scoped3A : memref<!tpu.dma_semaphore, #tpu.memory_space<semaphore_mem>>)
      %dma_wait3A = arith.constant 0 : i32
      %dma_wait3A_87 = tpu.memref_slice %arg7[%arg0, %mul3A_69, %dma_wait3A] : memref<2x10016x16xf32, #tpu.memory_space<hbm>> -> memref<1x626x16xf32, #tpu.memory_space<hbm>>
      %dma_wait3A_88 = tpu.memref_squeeze %dma_wait3A_87 : memref<1x626x16xf32, #tpu.memory_space<hbm>> -> memref<626x16xf32, #tpu.memory_space<hbm>>
      %dma_wait3A_89 = arith.constant 0 : i32
      %dma_wait3A_90 = tpu.memref_slice %arg14[%mul3A_69, %dma_wait3A_89] : memref<10016x16xf32, #tpu.memory_space<vmem_shared>> -> memref<626x16xf32, #tpu.memory_space<vmem_shared>>
      tpu.wait_dma2 semaphore(%run_scoped3A : memref<!tpu.dma_semaphore, #tpu.memory_space<semaphore_mem>>) src(%dma_wait3A_90 : memref<626x16xf32, #tpu.memory_space<vmem_shared>>) dst(%dma_wait3A_88 : memref<626x16xf32, #tpu.memory_space<hbm>>)
      tpu.yield
    }) : () -> ()
    return
  }
}

module attributes {stable_mosaic.version = 14 : i64} {
  func.func @_mm_body(%arg0: i32, %arg1: memref<2504x128xf32, #tpu.memory_space<vmem>>, %arg2: memref<128x128xf32, #tpu.memory_space<vmem>>, %arg3: memref<2504x128xf32, #tpu.memory_space<vmem>>) attributes {dimension_semantics = [#tpu.dimension_semantics<arbitrary>], iteration_bounds = array<i64: 4>, scalar_prefetch = 0 : i64, scratch_operands = 0 : i64, tpu.core_type = #tpu.core_type<tc>, window_params = [{transform_indices = @transform_0, window_bounds = array<i64: 2504, 128>}, {pipeline_mode = #tpu.pipeline_mode<synchronous>, transform_indices = @transform_1, window_bounds = array<i64: 128, 128>}, {transform_indices = @transform_2, window_bounds = array<i64: 2504, 128>}]} {
    %get3A = arith.constant 0 : index
    %get3A_0 = arith.constant 0 : index
    %get3A_1 = vector.load %arg1[%get3A, %get3A_0] : memref<2504x128xf32, #tpu.memory_space<vmem>>, vector<2504x128xf32>
    %get3A_2 = arith.constant 0 : index
    %get3A_3 = arith.constant 0 : index
    %get3A_4 = vector.load %arg2[%get3A_2, %get3A_3] : memref<128x128xf32, #tpu.memory_space<vmem>>, vector<128x128xf32>
    %dot_general3A = arith.constant dense<0.000000e+00> : vector<2504x128xf32>
    %dot_general3A_5 = tpu.matmul %get3A_1, %get3A_4, %dot_general3A {dimension_numbers = #tpu.dot_dimension_numbers<[1], [0], [0], [1], [0, 0, 1, 1], [], []>, transpose_lhs_hint = false} : vector<2504x128xf32>, vector<128x128xf32>, vector<2504x128xf32> -> vector<2504x128xf32>
    %swap3A = arith.constant 0 : index
    %swap3A_6 = arith.constant 0 : index
    %swap3A_7 = vector.load %arg3[%swap3A, %swap3A_6] : memref<2504x128xf32, #tpu.memory_space<vmem>>, vector<2504x128xf32>
    tpu.vector_store %arg3[%swap3A, %swap3A_6], %dot_general3A_5 {strides = array<i32>} : memref<2504x128xf32, #tpu.memory_space<vmem>>, vector<2504x128xf32>,
    return
  }
  func.func @transform_0(%arg0: i32) -> (i32, i32) {
    %c0_i32 = arith.constant 0 : i32
    %c0_i32_0 = arith.constant 0 : i32
    return %arg0, %c0_i32 : i32, i32
  }
  func.func @transform_1(%arg0: i32) -> (i32, i32) {
    %c0_i32 = arith.constant 0 : i32
    %c0_i32_0 = arith.constant 0 : i32
    %c0_i32_1 = arith.constant 0 : i32
    return %c0_i32, %c0_i32_0 : i32, i32
  }
  func.func @transform_2(%arg0: i32) -> (i32, i32) {
    %c0_i32 = arith.constant 0 : i32
    %c0_i32_0 = arith.constant 0 : i32
    return %arg0, %c0_i32 : i32, i32
  }
}

module attributes {stable_mosaic.version = 14 : i64} {
  func.func @_combine1_body(%arg0: i32, %arg1: memref<2x2504x64xf32, #tpu.memory_space<vmem>>, %arg2: memref<2x2504x16xf32, #tpu.memory_space<vmem>>, %arg3: memref<1x64xf32, #tpu.memory_space<vmem>>, %arg4: memref<64x256xf32, #tpu.memory_space<vmem>>, %arg5: memref<2504x256xf32, #tpu.memory_space<vmem>>) attributes {dimension_semantics = [#tpu.dimension_semantics<arbitrary>], iteration_bounds = array<i64: 4>, scalar_prefetch = 0 : i64, scratch_operands = 0 : i64, tpu.core_type = #tpu.core_type<tc>, window_params = [{transform_indices = @transform_0, window_bounds = array<i64: 2, 2504, 64>}, {transform_indices = @transform_1, window_bounds = array<i64: 2, 2504, 16>}, {pipeline_mode = #tpu.pipeline_mode<synchronous>, transform_indices = @transform_2, window_bounds = array<i64: 1, 64>}, {pipeline_mode = #tpu.pipeline_mode<synchronous>, transform_indices = @transform_3, window_bounds = array<i64: 64, 256>}, {transform_indices = @transform_4, window_bounds = array<i64: 2504, 256>}]} {
    %get3A = arith.constant 0 : index
    %get3A_0 = arith.constant 0 : index
    %get3A_1 = arith.constant 0 : index
    %get3A_2 = vector.load %arg1[%get3A, %get3A_0, %get3A_1] : memref<2x2504x64xf32, #tpu.memory_space<vmem>>, vector<1x2504x64xf32>
    %get3A_3 = vector.shape_cast %get3A_2 : vector<1x2504x64xf32> to vector<2504x64xf32>
    %get3A_4 = arith.constant 1 : index
    %get3A_5 = arith.constant 0 : index
    %get3A_6 = arith.constant 0 : index
    %get3A_7 = vector.load %arg1[%get3A_4, %get3A_5, %get3A_6] : memref<2x2504x64xf32, #tpu.memory_space<vmem>>, vector<1x2504x64xf32>
    %get3A_8 = vector.shape_cast %get3A_7 : vector<1x2504x64xf32> to vector<2504x64xf32>
    %add3A = arith.addf %get3A_3, %get3A_8 : vector<2504x64xf32>
    %get3A_9 = arith.constant 0 : index
    %get3A_10 = arith.constant 0 : index
    %get3A_11 = arith.constant 0 : index
    %get3A_12 = vector.load %arg2[%get3A_9, %get3A_10, %get3A_11] : memref<2x2504x16xf32, #tpu.memory_space<vmem>>, vector<1x2504x16xf32>
    %get3A_13 = vector.shape_cast %get3A_12 : vector<1x2504x16xf32> to vector<2504x16xf32>
    %slice3A = vector.extract_strided_slice %get3A_13 {offsets = [0, 0], sizes = [2504, 8], strides = [1, 1]} : vector<2504x16xf32> to vector<2504x8xf32>
    %get3A_14 = arith.constant 1 : index
    %get3A_15 = arith.constant 0 : index
    %get3A_16 = arith.constant 0 : index
    %get3A_17 = vector.load %arg2[%get3A_14, %get3A_15, %get3A_16] : memref<2x2504x16xf32, #tpu.memory_space<vmem>>, vector<1x2504x16xf32>
    %get3A_18 = vector.shape_cast %get3A_17 : vector<1x2504x16xf32> to vector<2504x16xf32>
    %slice3A_19 = vector.extract_strided_slice %get3A_18 {offsets = [0, 0], sizes = [2504, 8], strides = [1, 1]} : vector<2504x16xf32> to vector<2504x8xf32>
    %add3A_20 = arith.addf %slice3A, %slice3A_19 : vector<2504x8xf32>
    %add3A_21 = arith.constant 1.000000e-16 : f32
    %add3A_22 = vector.broadcast %add3A_21 : f32 to vector<2504x8xf32>
    %add3A_23 = arith.addf %add3A_20, %add3A_22 : vector<2504x8xf32>
    %slice3A_24 = vector.extract_strided_slice %add3A_23 {offsets = [0, 0], sizes = [2504, 1], strides = [1, 1]} : vector<2504x8xf32> to vector<2504x1xf32>
    %broadcast_in_dim3A = vector.shape_cast %slice3A_24 : vector<2504x1xf32> to vector<2504x1xf32>
    %broadcast_in_dim3A_25 = vector.broadcast %broadcast_in_dim3A : vector<2504x1xf32> to vector<2504x8xf32>
    %slice3A_26 = vector.extract_strided_slice %add3A_23 {offsets = [0, 1], sizes = [2504, 1], strides = [1, 1]} : vector<2504x8xf32> to vector<2504x1xf32>
    %broadcast_in_dim3A_27 = vector.shape_cast %slice3A_26 : vector<2504x1xf32> to vector<2504x1xf32>
    %broadcast_in_dim3A_28 = vector.broadcast %broadcast_in_dim3A_27 : vector<2504x1xf32> to vector<2504x8xf32>
    %slice3A_29 = vector.extract_strided_slice %add3A_23 {offsets = [0, 2], sizes = [2504, 1], strides = [1, 1]} : vector<2504x8xf32> to vector<2504x1xf32>
    %broadcast_in_dim3A_30 = vector.shape_cast %slice3A_29 : vector<2504x1xf32> to vector<2504x1xf32>
    %broadcast_in_dim3A_31 = vector.broadcast %broadcast_in_dim3A_30 : vector<2504x1xf32> to vector<2504x8xf32>
    %slice3A_32 = vector.extract_strided_slice %add3A_23 {offsets = [0, 3], sizes = [2504, 1], strides = [1, 1]} : vector<2504x8xf32> to vector<2504x1xf32>
    %broadcast_in_dim3A_33 = vector.shape_cast %slice3A_32 : vector<2504x1xf32> to vector<2504x1xf32>
    %broadcast_in_dim3A_34 = vector.broadcast %broadcast_in_dim3A_33 : vector<2504x1xf32> to vector<2504x8xf32>
    %slice3A_35 = vector.extract_strided_slice %add3A_23 {offsets = [0, 4], sizes = [2504, 1], strides = [1, 1]} : vector<2504x8xf32> to vector<2504x1xf32>
    %broadcast_in_dim3A_36 = vector.shape_cast %slice3A_35 : vector<2504x1xf32> to vector<2504x1xf32>
    %broadcast_in_dim3A_37 = vector.broadcast %broadcast_in_dim3A_36 : vector<2504x1xf32> to vector<2504x8xf32>
    %slice3A_38 = vector.extract_strided_slice %add3A_23 {offsets = [0, 5], sizes = [2504, 1], strides = [1, 1]} : vector<2504x8xf32> to vector<2504x1xf32>
    %broadcast_in_dim3A_39 = vector.shape_cast %slice3A_38 : vector<2504x1xf32> to vector<2504x1xf32>
    %broadcast_in_dim3A_40 = vector.broadcast %broadcast_in_dim3A_39 : vector<2504x1xf32> to vector<2504x8xf32>
    %slice3A_41 = vector.extract_strided_slice %add3A_23 {offsets = [0, 6], sizes = [2504, 1], strides = [1, 1]} : vector<2504x8xf32> to vector<2504x1xf32>
    %broadcast_in_dim3A_42 = vector.shape_cast %slice3A_41 : vector<2504x1xf32> to vector<2504x1xf32>
    %broadcast_in_dim3A_43 = vector.broadcast %broadcast_in_dim3A_42 : vector<2504x1xf32> to vector<2504x8xf32>
    %slice3A_44 = vector.extract_strided_slice %add3A_23 {offsets = [0, 7], sizes = [2504, 1], strides = [1, 1]} : vector<2504x8xf32> to vector<2504x1xf32>
    %broadcast_in_dim3A_45 = vector.shape_cast %slice3A_44 : vector<2504x1xf32> to vector<2504x1xf32>
    %broadcast_in_dim3A_46 = vector.broadcast %broadcast_in_dim3A_45 : vector<2504x1xf32> to vector<2504x8xf32>
    %concatenate3A = tpu.concatenate %broadcast_in_dim3A_25, %broadcast_in_dim3A_28, %broadcast_in_dim3A_31, %broadcast_in_dim3A_34, %broadcast_in_dim3A_37, %broadcast_in_dim3A_40, %broadcast_in_dim3A_43, %broadcast_in_dim3A_46 in 1 : vector<2504x8xf32>, vector<2504x8xf32>, vector<2504x8xf32>, vector<2504x8xf32>, vector<2504x8xf32>, vector<2504x8xf32>, vector<2504x8xf32>, vector<2504x8xf32> -> vector<2504x64xf32>
    %div3A = arith.divf %add3A, %concatenate3A : vector<2504x64xf32>
    %get3A_47 = arith.constant 0 : index
    %get3A_48 = arith.constant 0 : index
    %get3A_49 = vector.load %arg3[%get3A_47, %get3A_48] : memref<1x64xf32, #tpu.memory_space<vmem>>, vector<1x64xf32>
    %add3A_50 = vector.broadcast %get3A_49 : vector<1x64xf32> to vector<2504x64xf32>
    %add3A_51 = arith.addf %div3A, %add3A_50 : vector<2504x64xf32>
    %gt3A = arith.constant 0.000000e+00 : f32
    %gt3A_52 = vector.broadcast %gt3A : f32 to vector<2504x64xf32>
    %gt3A_53 = arith.cmpf ogt, %add3A_51, %gt3A_52 : vector<2504x64xf32>
    %exp3A = math.exp %add3A_51 : vector<2504x64xf32>
    %sub3A = arith.constant 1.000000e+00 : f32
    %sub3A_54 = vector.broadcast %sub3A : f32 to vector<2504x64xf32>
    %sub3A_55 = arith.subf %exp3A, %sub3A_54 : vector<2504x64xf32>
    %select_n3A = arith.select %gt3A_53, %add3A_51, %sub3A_55 : vector<2504x64xi1>, vector<2504x64xf32>
    %get3A_56 = arith.constant 0 : index
    %get3A_57 = arith.constant 0 : index
    %get3A_58 = vector.load %arg4[%get3A_56, %get3A_57] : memref<64x256xf32, #tpu.memory_space<vmem>>, vector<64x256xf32>
    %dot_general3A = arith.constant dense<0.000000e+00> : vector<2504x256xf32>
    %dot_general3A_59 = tpu.matmul %select_n3A, %get3A_58, %dot_general3A {dimension_numbers = #tpu.dot_dimension_numbers<[1], [0], [0], [1], [0, 0, 1, 1], [], []>, transpose_lhs_hint = false} : vector<2504x64xf32>, vector<64x256xf32>, vector<2504x256xf32> -> vector<2504x256xf32>
    %swap3A = arith.constant 0 : index
    %swap3A_60 = arith.constant 0 : index
    %swap3A_61 = vector.load %arg5[%swap3A, %swap3A_60] : memref<2504x256xf32, #tpu.memory_space<vmem>>, vector<2504x256xf32>
    tpu.vector_store %arg5[%swap3A, %swap3A_60], %dot_general3A_59 {strides = array<i32>} : memref<2504x256xf32, #tpu.memory_space<vmem>>, vector<2504x256xf32>,
    return
  }
  func.func @transform_0(%arg0: i32) -> (i32, i32, i32) {
    %c0_i32 = arith.constant 0 : i32
    %c0_i32_0 = arith.constant 0 : i32
    %c0_i32_1 = arith.constant 0 : i32
    return %c0_i32, %arg0, %c0_i32_0 : i32, i32, i32
  }
  func.func @transform_1(%arg0: i32) -> (i32, i32, i32) {
    %c0_i32 = arith.constant 0 : i32
    %c0_i32_0 = arith.constant 0 : i32
    %c0_i32_1 = arith.constant 0 : i32
    return %c0_i32, %arg0, %c0_i32_0 : i32, i32, i32
  }
  func.func @transform_2(%arg0: i32) -> (i32, i32) {
    %c0_i32 = arith.constant 0 : i32
    %c0_i32_0 = arith.constant 0 : i32
    %c0_i32_1 = arith.constant 0 : i32
    return %c0_i32, %c0_i32_0 : i32, i32
  }
  func.func @transform_3(%arg0: i32) -> (i32, i32) {
    %c0_i32 = arith.constant 0 : i32
    %c0_i32_0 = arith.constant 0 : i32
    %c0_i32_1 = arith.constant 0 : i32
    return %c0_i32, %c0_i32_0 : i32, i32
  }
  func.func @transform_4(%arg0: i32) -> (i32, i32) {
    %c0_i32 = arith.constant 0 : i32
    %c0_i32_0 = arith.constant 0 : i32
    return %arg0, %c0_i32 : i32, i32
  }
}

module attributes {stable_mosaic.version = 14 : i64} {
  func.func @_final_body(%arg0: i32, %arg1: memref<2x2504x128xf32, #tpu.memory_space<vmem>>, %arg2: memref<2x2504x16xf32, #tpu.memory_space<vmem>>, %arg3: memref<1x128xf32, #tpu.memory_space<vmem>>, %arg4: memref<2504x128xf32, #tpu.memory_space<vmem>>) attributes {dimension_semantics = [#tpu.dimension_semantics<arbitrary>], iteration_bounds = array<i64: 4>, scalar_prefetch = 0 : i64, scratch_operands = 0 : i64, tpu.core_type = #tpu.core_type<tc>, window_params = [{transform_indices = @transform_0, window_bounds = array<i64: 2, 2504, 128>}, {transform_indices = @transform_1, window_bounds = array<i64: 2, 2504, 16>}, {pipeline_mode = #tpu.pipeline_mode<synchronous>, transform_indices = @transform_2, window_bounds = array<i64: 1, 128>}, {transform_indices = @transform_3, window_bounds = array<i64: 2504, 128>}]} {
    %get3A = arith.constant 0 : index
    %get3A_0 = arith.constant 0 : index
    %get3A_1 = arith.constant 0 : index
    %get3A_2 = vector.load %arg1[%get3A, %get3A_0, %get3A_1] : memref<2x2504x128xf32, #tpu.memory_space<vmem>>, vector<1x2504x128xf32>
    %get3A_3 = vector.shape_cast %get3A_2 : vector<1x2504x128xf32> to vector<2504x128xf32>
    %get3A_4 = arith.constant 1 : index
    %get3A_5 = arith.constant 0 : index
    %get3A_6 = arith.constant 0 : index
    %get3A_7 = vector.load %arg1[%get3A_4, %get3A_5, %get3A_6] : memref<2x2504x128xf32, #tpu.memory_space<vmem>>, vector<1x2504x128xf32>
    %get3A_8 = vector.shape_cast %get3A_7 : vector<1x2504x128xf32> to vector<2504x128xf32>
    %add3A = arith.addf %get3A_3, %get3A_8 : vector<2504x128xf32>
    %get3A_9 = arith.constant 0 : index
    %get3A_10 = arith.constant 0 : index
    %get3A_11 = arith.constant 0 : index
    %get3A_12 = vector.load %arg2[%get3A_9, %get3A_10, %get3A_11] : memref<2x2504x16xf32, #tpu.memory_space<vmem>>, vector<1x2504x16xf32>
    %get3A_13 = vector.shape_cast %get3A_12 : vector<1x2504x16xf32> to vector<2504x16xf32>
    %slice3A = vector.extract_strided_slice %get3A_13 {offsets = [0, 0], sizes = [2504, 1], strides = [1, 1]} : vector<2504x16xf32> to vector<2504x1xf32>
    %get3A_14 = arith.constant 1 : index
    %get3A_15 = arith.constant 0 : index
    %get3A_16 = arith.constant 0 : index
    %get3A_17 = vector.load %arg2[%get3A_14, %get3A_15, %get3A_16] : memref<2x2504x16xf32, #tpu.memory_space<vmem>>, vector<1x2504x16xf32>
    %get3A_18 = vector.shape_cast %get3A_17 : vector<1x2504x16xf32> to vector<2504x16xf32>
    %slice3A_19 = vector.extract_strided_slice %get3A_18 {offsets = [0, 0], sizes = [2504, 1], strides = [1, 1]} : vector<2504x16xf32> to vector<2504x1xf32>
    %add3A_20 = arith.addf %slice3A, %slice3A_19 : vector<2504x1xf32>
    %add3A_21 = arith.constant 1.000000e-16 : f32
    %add3A_22 = vector.broadcast %add3A_21 : f32 to vector<2504x1xf32>
    %add3A_23 = arith.addf %add3A_20, %add3A_22 : vector<2504x1xf32>
    %div3A = vector.broadcast %add3A_23 : vector<2504x1xf32> to vector<2504x128xf32>
    %div3A_24 = arith.divf %add3A, %div3A : vector<2504x128xf32>
    %get3A_25 = arith.constant 0 : index
    %get3A_26 = arith.constant 0 : index
    %get3A_27 = vector.load %arg3[%get3A_25, %get3A_26] : memref<1x128xf32, #tpu.memory_space<vmem>>, vector<1x128xf32>
    %add3A_28 = vector.broadcast %get3A_27 : vector<1x128xf32> to vector<2504x128xf32>
    %add3A_29 = arith.addf %div3A_24, %add3A_28 : vector<2504x128xf32>
    %swap3A = arith.constant 0 : index
    %swap3A_30 = arith.constant 0 : index
    %swap3A_31 = vector.load %arg4[%swap3A, %swap3A_30] : memref<2504x128xf32, #tpu.memory_space<vmem>>, vector<2504x128xf32>
    tpu.vector_store %arg4[%swap3A, %swap3A_30], %add3A_29 {strides = array<i32>} : memref<2504x128xf32, #tpu.memory_space<vmem>>, vector<2504x128xf32>,
    return
  }
  func.func @transform_0(%arg0: i32) -> (i32, i32, i32) {
    %c0_i32 = arith.constant 0 : i32
    %c0_i32_0 = arith.constant 0 : i32
    %c0_i32_1 = arith.constant 0 : i32
    return %c0_i32, %arg0, %c0_i32_0 : i32, i32, i32
  }
  func.func @transform_1(%arg0: i32) -> (i32, i32, i32) {
    %c0_i32 = arith.constant 0 : i32
    %c0_i32_0 = arith.constant 0 : i32
    %c0_i32_1 = arith.constant 0 : i32
    return %c0_i32, %arg0, %c0_i32_0 : i32, i32, i32
  }
  func.func @transform_2(%arg0: i32) -> (i32, i32) {
    %c0_i32 = arith.constant 0 : i32
    %c0_i32_0 = arith.constant 0 : i32
    %c0_i32_1 = arith.constant 0 : i32
    return %c0_i32, %c0_i32_0 : i32, i32
  }
  func.func @transform_3(%arg0: i32) -> (i32, i32) {
    %c0_i32 = arith.constant 0 : i32
    %c0_i32_0 = arith.constant 0 : i32
    return %arg0, %c0_i32 : i32, i32
  }
}

</mosaic_0001>

<sc_bundles>
// kernel: kernel.10.cloned.1.call-start
scs
__scs_entry_jumppad:
0x0: {  	(pc) =	sbr.rel $0x88, $3  }
0x1: {  	(tag) =	ssettag $0x0;
	lr =	simm.s32 $0x1  }
0x2: {  	[smem:$0x3F97] =	sst lr;
	_ =	strace $0xD0000000  }
0x3: {  	_ = 	snop  }
0x4: {  	_ = 	snop  }
0x5: {  	_ = 	snop  }
0x6: {  	_ = 	snop  }
0x7: {  	_ = 	snop  }
__scs_overlays_trampoline_lowered:
0x8: {  	[smem:$0x3FA6] =	sst s0  }
0x9: {  	[smem:$0x3FA7] =	sst s1  }
0xa: {  	[smem:$0x3FA8] =	sst s2  }
0xb: {  	[smem:$0x3FA9] =	sst s3  }
0xc: {  	[smem:$0x3FAA] =	sst s4  }
0xd: {  	[smem:$0x3FAB] =	sst s5  }
0xe: {  	[smem:$0x3FAC] =	sst s6  }
0xf: {  	[smem:$0x3FAD] =	sst s7  }
0x10: {  	[smem:$0x3FAE] =	sst s8  }
0x11: {  	[smem:$0x3FAF] =	sst s9;
	s0 =	simm.s32 @!p0 $0x0  }
0x12: {  	s1 =	sld [smem:$0x3F95];
	s0 =	simm.s32 @p0 $0x1  }
0x13: {  	[smem:$0x3FB0] =	sst s0;
	s0 =	simm.s32 @!p1 $0x0  }
0x14: {  	s2 =	sld [smem:$0x3F94];
	s0 =	simm.s32 @p1 $0x1  }
0x15: {  	[smem:$0x3FB1] =	sst s0;
	s0 =	simm.s32 @!p2 $0x0  }
0x16: {  	s3 =	sld [smem:$0x3FDB];
	s0 =	simm.s32 @p2 $0x1  }
0x17: {  	s4 =	simm.s32 $0x1BF5;
	[smem:$0x3FB3] =	sst s0  }
0x18: {  	s0 =	sld [smem:$0x3F96];
	_ =	swait.ge [sflag:s4], $0x0  }
0x19: {  	s7 =	sld [smem:$0x3F97]  }
0x1a: {  	s8 =	sadd.s32 $0xFFFFE003, lr  }
0x1b: {  	s9 =	sadd.s32 $0xFFFFFEF7, lr;
	s5 =	simm.s32 $0xFFFFFFFF;
	p2 =	slt.u32 s8, $0xFFFFF086  }
0x1c: {  	p1 =	slt.u32 s9, $0xF7A;
	s5 =	simm.s32 @!p2 $0x0  }
0x1d: {  	s5 =	simm.s32 @p1 $0x1;
	p0 =	seq.s32 s7, s2  }
0x1e: {  	s7 =	smul.u32 @!p0 $0xF7A, s2;
	p2 =	seq.s32 @!p0 s5, $0x0  }
0x1f: {  	s9 =	smul.u32 $0xF7A, s1;
	s8 =	simm.s32 @!p0 $0x1BF5;
	p2 =	por !p2, p0  }
0x20: {  	[sflag:s8] =	ssyncset.s32 @!p0 $0xFFFFF086;
	s6 =	sadd.s32 @!p0 s3, s7;
	s7 =	simm.s32 @!p0 $0x108  }
0x21: {  	s3 =	sadd.s32 s3, s9;
	s6 =	sadd.s32 @!p0 $0x88, s6;
	s7 =	simm.s32 @p2 $0x1082  }
0x22: {  	[simem:s7], [sflag:s8] =	dma.local @!p0 [hbm:s6], $0xF7A  }
0x23: {  	s9 =	sor.u32 $0xD0000000, s2;
	s6 =	simm.s32 $0x108;
	_ =	swait.ge @!p0 [sflag:s8], $0x0  }
0x24: {  	s3 =	sadd.s32 $0x88, s3;
	s6 =	simm.s32 @!p1 $0x1082;
	[sflag:s4] =	ssyncset.s32 $0xFFFFF086  }
0x25: {  	[simem:s6], [sflag:s4] =	dma.local [hbm:s3], $0xF7A  }
0x26: {  	[smem:$0x3F97] =	sst s1;
	(tag) =	ssettag s2;
	_ =	strace s9  }
0x27: {  	s1 =	sld [smem:$0x3FA7]  }
0x28: {  	s2 =	sld [smem:$0x3FA8]  }
0x29: {  	s4 =	sld [smem:$0x3FAA]  }
0x2a: {  	p0 =	seq.s32 s5, $0x0;
	s5 =	sld [smem:$0x3FAB]  }
0x2b: {  	s6 =	sld [smem:$0x3FAC]  }
0x2c: {  	s7 =	sld [smem:$0x3FAD]  }
0x2d: {  	s3 =	simm.s32 $0x108;
	s8 =	sld [smem:$0x3FAE]  }
0x2e: {  	s3 =	simm.s32 @!p0 $0x1082;
	s9 =	sld [smem:$0x3FAF]  }
0x2f: {  	lr =	sadd.s32 s0, s3;
	s0 =	sld [smem:$0x3FA6]  }
0x30: {  	s3 =	sld [smem:$0x3FA9]  }
0x31: {  	[smem:$0x3FB2] =	sst s10  }
0x32: {  	s10 =	sld [smem:$0x3FB0];
	_ =	sdelay $0x3  }
0x33: {  	p0 =	seq.s32 s10, $0x1;
	s10 =	sld [smem:$0x3FB2];
	_ =	sdelay $0x3  }
0x34: {  	[smem:$0x3FB2] =	sst s10  }
0x35: {  	s10 =	sld [smem:$0x3FB1];
	_ =	sdelay $0x3  }
0x36: {  	p1 =	seq.s32 s10, $0x1;
	s10 =	sld [smem:$0x3FB2];
	_ =	sdelay $0x3  }
0x37: {  	[smem:$0x3FB2] =	sst s10  }
0x38: {  	s10 =	sld [smem:$0x3FB3]  }
0x39: {  	_ = 	snop;
	(pc) =	sbr.ind lr, $3  }
0x3a: {  	_ = 	snop  }
0x3b: {  	_ = 	snop  }
0x3c: {  	p2 =	seq.s32 s10, $0x1;
	s10 =	sld [smem:$0x3FB2]  }
0x3d: {  	_ =	shalt  }
0x3e: {  	_ =	shalt  }
0x3f: {  	_ =	shalt  }
0x40: {  	_ =	shalt  }
0x41: {  	_ =	shalt  }
0x42: {  	_ =	shalt  }
0x43: {  	_ =	shalt  }
0x44: {  	_ =	shalt  }
0x45: {  	_ =	shalt  }
0x46: {  	_ =	shalt  }
0x47: {  	_ =	shalt  }
0x48: {  	_ =	shalt  }
0x49: {  	_ =	shalt  }
0x4a: {  	_ =	shalt  }
0x4b: {  	_ =	shalt  }
0x4c: {  	_ =	shalt  }
0x4d: {  	_ =	shalt  }
0x4e: {  	_ =	shalt  }
0x4f: {  	_ =	shalt  }
0x50: {  	_ =	shalt  }
0x51: {  	_ =	shalt  }
0x52: {  	_ =	shalt  }
0x53: {  	_ =	shalt  }
0x54: {  	_ =	shalt  }
0x55: {  	_ =	shalt  }
0x56: {  	_ =	shalt  }
0x57: {  	_ =	shalt  }
0x58: {  	_ =	shalt  }
0x59: {  	_ =	shalt  }
0x5a: {  	_ =	shalt  }
0x5b: {  	_ =	shalt  }
0x5c: {  	_ =	shalt  }
0x5d: {  	_ =	shalt  }
0x5e: {  	_ =	shalt  }
0x5f: {  	_ =	shalt  }
0x60: {  	_ =	shalt  }
0x61: {  	_ =	shalt  }
0x62: {  	_ =	shalt  }
0x63: {  	_ =	shalt  }
0x64: {  	_ =	shalt  }
0x65: {  	_ =	shalt  }
0x66: {  	_ =	shalt  }
0x67: {  	_ =	shalt  }
0x68: {  	_ =	shalt  }
0x69: {  	_ =	shalt  }
0x6a: {  	_ =	shalt  }
0x6b: {  	_ =	shalt  }
0x6c: {  	_ =	shalt  }
0x6d: {  	_ =	shalt  }
0x6e: {  	_ =	shalt  }
0x6f: {  	_ =	shalt  }
0x70: {  	_ =	shalt  }
0x71: {  	_ =	shalt  }
0x72: {  	_ =	shalt  }
0x73: {  	_ =	shalt  }
0x74: {  	_ =	shalt  }
0x75: {  	_ =	shalt  }
0x76: {  	_ =	shalt  }
0x77: {  	_ =	shalt  }
0x78: {  	_ =	shalt  }
0x79: {  	_ =	shalt  }
0x7a: {  	_ =	shalt  }
0x7b: {  	_ =	shalt  }
0x7c: {  	_ =	shalt  }
0x7d: {  	_ =	shalt  }
0x7e: {  	_ =	shalt  }
0x7f: {  	_ =	shalt  }
0x80: {  	_ =	shalt  }
0x81: {  	_ =	shalt  }
0x82: {  	_ =	shalt  }
0x83: {  	_ =	shalt  }
0x84: {  	_ =	shalt  }
0x85: {  	_ =	shalt  }
0x86: {  	_ =	shalt  }
0x87: {  	_ =	shalt  }
.Lfunc_end0:
.L_simem_size_0:
called_computation.1_lowered:
.L_overlay_start_0:
0x88: {  	s2 =	sld [smem:$0x3FD9]  }
0x89: {  	s3 =	sld [smem:$0x3FFE];
	_ =	sdelay $0x1  }
0x8a: {  	s1 =	srdreg.scid  }
0x8b: {  	s0 =	sand.u32 $0x1, s1  }
0x8c: {  	s17 =	sshll.u32 s0, $0xA;
	s2 =	sadd.s32 s3, s2  }
0x8d: {  	s2 =	sadd.s32 s2, s17  }
0x8e: {  	[smem:$0x3FBE] =	sst s2  }
0x8f: {  	_ = 	snop  }
0x90: {  	s2 =	sld [smem:$0x3FC1]  }
0x91: {  	s18 =	sld [smem:$0x3FD0];
	(tm) =	ssettm $0x1  }
0x92: {  	s4 =	sld [smem:$0x3FFB];
	_ =	sdelay $0x3  }
0x93: {  	_ =	strace s4  }
0x94: {  	s4 =	sld [smem:$0x3FFC];
	_ =	sdelay $0x3  }
0x95: {  	_ =	strace s4  }
0x96: {  	s4 =	sld [smem:$0x3FFD];
	_ =	sdelay $0x3  }
0x97: {  	_ =	strace s4  }
0x98: {  	_ =	strace $0x8FFFFFFF  }
0x99: {  	s19 =	sld [smem:$0x3FDB];
	_ =	sdelay $0x1  }
0x9a: {  	s5 =	simm.s32 $_scs_section_size  }
0x9b: {  	s6 =	simm.s32 $_size__tile_overlayer_lowered;
	s7 =	simm.s32 $_tile_overlayer_lowered  }
0x9c: {  	s22 =	simm.s32 $0x1BFF;
	s21 =	sshll.u32 s7, $0x1;
	s4 =	sadd.s32 s5, s19  }
0x9d: {  	s8 =	simm.s32 $0x0;
	s20 =	sshll.u32 s6, $0x1;
	s6 =	sadd.s32 s21, s4  }
0x9e: {  	[timem:s8], [sflag:s22] =	dma.local [hbm:s6], s20  }
0x9f: {  	_ =	swait.ge [sflag:s22], s20  }
0xa0: {  	s5 =	ssub.s32 $0x0, s20;
	[sflag:s22] =	ssyncset.done $0x0  }
0xa1: {  	[sflag:s22] =	ssyncadd.s32 s5;
	_ =	sdelay $0x1  }
0xa2: {  	s23 =	simm.s32 $0x1B8B  }
0xa3: {  	_ =	swait.ge [sflag:s23], $0x1  }
0xa4: {  	[sflag:s23] =	ssyncset.done $0x0  }
0xa5: {  	s25 =	simm.s32 $0x1B8E;
	s24 =	sld [smem:$0x3FFE];
	[sflag:s23] =	ssyncadd.s32 $0xFFFFFFFF  }
0xa6: {  	s26 =	simm.s32 $execute0_lowered;
	[smem:$0x3FD2] =	sst s25  }
0xa7: {  	s6 =	sshll.u32 s26, $0x1;
	_ =	strace $0x80000049;
	[dreg:$0x1] =	wrdreg $0xFFFFFFFF  }
0xa8: {  	s28 =	simm.s32 $_size_execute0_lowered;
	s4 =	sadd.s32 s4, s6;
	[dreg:$0x0] =	wrdreg $0x0  }
0xa9: {  	s6 =	sshll.u32 s28, $0x1;
	[dreg:$0x2] =	wrdreg s4  }
0xaa: {  	[dreg:$0x3] =	wrdreg s6  }
0xab: {  	[dreg:$0x4] =	wrdreg $0xC0  }
0xac: {  	_ =	task [dreg:s8], $0x5FFFF  }
0xad: {  	[dreg:$0x1] =	wrdreg $0xFFFFFFFF  }
0xae: {  	[dreg:$0x0] =	wrdreg $0x60  }
0xaf: {  	[dreg:$0x2] =	wrdreg s24  }
0xb0: {  	[dreg:$0x3] =	wrdreg s2  }
0xb1: {  	[dreg:$0x4] =	wrdreg s18  }
0xb2: {  	[dreg:$0x5] =	wrdreg $0x89800  }
0xb3: {  	[dreg:$0x6] =	wrdreg $0x1C2800  }
0xb4: {  	[dreg:$0x7] =	wrdreg $0x9  }
0xb5: {  	_ =	task.clear_ibuf [dreg:s8], $0x8FFFF;
	_ =	strace $0x90000049  }
0xb6: {  	s29 =	simm.s32 $0x9;
	_ =	strace $0x8000004B  }
0xb7: {  	_ =	swait.ge [sflag:s29], $0x1  }
0xb8: {  	[sflag:s29] =	ssyncadd.s32 $0xFFFFFFFF  }
0xb9: {  	_ =	strace $0x9000004B  }
0xba: {  	_ =	sfence  }
0xbb: {  	s30 =	sld [smem:$0x0];
	_ =	sdelay $0x2  }
0xbc: {  	s31 =	sshll.u32 s1, $0xD;
	s1 =	sshrl.u32 s1, $0x2  }
0xbd: {  	s3 =	sand.u32 $0x4000, s31;
	s1 =	sadd.s32 s1, s30  }
0xbe: {  	s0 =	sor.u32 s3, s0;
	s1 =	sshll.u32 s1, $0x11  }
0xbf: {  	s0 =	sor.u32 s1, s0  }
0xc0: {  	s0 =	sadd.s32 $0x8F2B, s0  }
0xc1: {  	[sflag:s0] =	ssyncadd.remote.s32 $0x1  }
0xc2: {  	_ =	sfence.sel $0xFFFF  }
0xc3: {  	[dreg:$0x0] =	wrdreg $0xFFFFFFFF;
	(pc) =	sbr.abs _section_cstart, $3  }
0xc4: {  	[dreg:$0x1] =	wrdreg $0xFFFFFFFF  }
0xc5: {  	_ =	task.clear_ibuf [dreg:s8], $0x2FFFF;
	_ =	strace $0x9FFFFFFF  }
0xc6: {  	(tm) =	ssettm $0x7FFFFFFF  }
0xc7: {  	_ =	shalt  }
tec
execute0_lowered:
.L_overlay_start_1:
0x0: {  	(tag) =	ssettag $0x1  }
0x1: {  	s0 =	rddreg [dreg:$0x0]  }
0x2: {  	s1 =	rddreg [dreg:$0x2]  }
0x3: {  	s2 =	rddreg [dreg:$0x3]  }
0x4: {  	s3 =	rddreg [dreg:$0x4]  }
0x5: {  	s4 =	srdreg.scid;
	s5 =	simm.s32 $0x0;
	s16 =	stileid.u32  }
0x6: {  	s28 =	simm.s32 $0x100;
	s29 =	simm.s32 $0x8100;
	s10 =	smul.u32 $0x13900, s16  }
0x7: {  	s30 =	simm.s32 $0x80;
	s31 =	simm.s32 $0x4100;
	s13 =	smul.u32 $0x272, s16  }
0x8: {  	s4 =	sand.u32 $0x1, s4;
	[smem:$0x7FF] =	sst s5;
	s15 =	smul.u32 $0x2720, s16  }
0x9: {  	s6 =	sadd.s32 $0x29200, s0;
	s7 =	sadd.s32 $0x2000, s0;
	s25 =	smul.u32 $0x4E400, s16  }
0xa: {  	s8 =	sadd.s32 $0x5A600, s0;
	s22 =	sshll.u32 s16, $0x1;
	s26 =	smul.u32 $0x9C80, s16  }
0xb: {  	s9 =	smul.u32 $0x139000, s4;
	_ =	strace $0x8000004A;
	s11 =	ssub.s32 $0x2, s4  }
0xc: {  	s12 =	sshrl.u32 s11, $0x1;
	s23 =	sadd.s32 $0x200, s13;
	s16 =	sshrl.u32 s25, $0x2  }
0xd: {  	s17 =	sshrl.u32 s26, $0x2;
	s18 =	sadd.s32 $0x80, s13;
	s9 =	sadd.s32 s10, s9  }
0xe: {  	s21 =	ssub.s32 s11, s12;
	s11 =	sor.u32 s4, s22;
	s4 =	smul.u32 $0x27200, s4  }
0xf: {  	s14 =	sshll.u32 s23, $0x7;
	s12 =	sshll.u32 s23, $0x4;
	s10 =	sadd.s32 s10, s2  }
0x10: {  	s19 =	sshll.u32 s18, $0x7;
	s20 =	sshll.u32 s18, $0x4;
	s23 =	sadd.s32 $0x180, s13  }
0x11: {  	v0 =	vimm.s32 $0xEFCDAB89;
	v1 =	vimm.s32 $0x67452301;
	s9 =	sshrl.u32 s9, $0x3;
	s14 =	sadd.s32 s14, s2;
	s12 =	sadd.s32 s12, s3  }
0x12: {  	v2 =	vimm.s32 $0xDCFE98BA;
	v3 =	vimm.s32 $0x54761032;
	s11 =	smul.u32 $0x52, s11;
	s18 =	sadd.s32 s20, s3;
	s25 =	sshll.u32 s23, $0x7  }
0x13: {  	v4 =	vimm.s32 $0xBA98FEDC;
	v5 =	vimm.s32 $0x32107654;
	v6 =	vimm.s32 $0xFEDCBA98;
	s26 =	sshll.u32 s23, $0x4;
	s23 =	simm.s32 $0x0;
	[dreg:$0x6] =	wrdreg s14  }
0x14: {  	v7 =	vimm.s32 $0x76543210;
	v0 =	vunpack.c.l.s4.s8 v0;
	v1 =	vunpack.c.l.s4.s8 v1;
	s0 =	sadd.s32 s9, s0;
	[dreg:$0x7] =	wrdreg s12;
	s24 =	sadd.s32 s15, s4  }
0x15: {  	v2 =	vunpack.c.l.s4.s8 v2;
	v3 =	vunpack.c.l.s4.s8 v3;
	v4 =	vunpack.c.l.s4.s8 v4;
	s14 =	sadd.s32 s15, s3;
	s15 =	smax.u32 s21, $0x1;
	s21 =	sadd.s32 $0x100, s13  }
0x16: {  	v5 =	vunpack.c.l.s4.s8 v5;
	v6 =	vunpack.c.l.s4.s8 v6;
	v7 =	vunpack.c.l.s4.s8 v7;
	s0 =	sadd.s32 $0x6EE00, s0;
	[dreg:$0xa] =	wrdreg s15;
	s22 =	sshll.u32 s21, $0x7  }
0x17: {  	v0 =	vunpack.c.0.s8.s32 v0;
	v1 =	vunpack.c.0.s8.s32 v1;
	v2 =	vunpack.c.0.s8.s32 v2;
	[dreg:$0x8] =	wrdreg s0;
	s0 =	sshrl.u32 s24, $0x3;
	s24 =	sshll.u32 s21, $0x4  }
0x18: {  	v3 =	vunpack.c.0.s8.s32 v3;
	v4 =	vunpack.c.0.s8.s32 v4;
	v5 =	vunpack.c.0.s8.s32 v5;
	s21 =	sadd.s32 s25, s2;
	s25 =	sshrl.u32 s14, $0x3;
	s0 =	sadd.s32 s1, s0  }
0x19: {  	v6 =	vunpack.c.0.s8.s32 v6;
	v1 =	vcombine.low v1, v0;
	s1 =	sadd.s32 s16, s2;
	s16 =	sadd.s32 s17, s3;
	s17 =	sadd.s32 s19, s2  }
0x1a: {  	v2 =	vcombine.low v3, v2;
	v3 =	vcombine.low v5, v4;
	v4 =	vunpack.c.0.s8.s32 v7;
	s19 =	sadd.s32 s22, s2;
	s20 =	sadd.s32 s24, s3;
	s22 =	sadd.s32 s26, s3  }
0x1b: {  	v0 =	vimm.f32 $0.0e+00;
	v5 =	vand.u32 $0xF, v6;
	v1 =	vand.u32 $0xF, v1;
	s24 =	sshrl.u32 s10, $0x3;
	s26 =	simm.s32 $0x3;
	[dreg:$0x9] =	wrdreg s0  }
0x1c: {  	v2 =	vand.u32 $0xF, v2;
	v3 =	vand.u32 $0xF, v3;
	v4 =	vcombine.low v5, v4;
	[dreg:$0xb] =	wrdreg s1;
	s0 =	simm.s32 $0x1;
	s1 =	simm.s32 $0x2  }
.LBB2_1:
0x1d: {  	s4 =	rddreg [dreg:$0x1];
	s9 =	simm.s32 $0x8900  }
0x1e: {  	[tilespmem:s9], [sflag:$0x3] =	stream.linear.gather [hbm4b:s4+s5], $0x80, $0x38;
	[tilespmem:$0x1E9A0] =	vst v63  }
0x1f: {  	_ =	swait.ge [sflag:s26], $0x80  }
0x20: {  	[sflag:s26] =	ssyncset.done $0x0  }
0x21: {  	[sflag:s26] =	ssyncadd.s32 $0xFFFFFF80  }
0x22: {  	v5 =	vld [tilespmem:$0x8900]  }
0x23: {  	v6 =	vld [tilespmem:$0x8910]  }
0x24: {  	v7 =	vld [tilespmem:$0x8920]  }
0x25: {  	v8 =	vld [tilespmem:$0x8930]  }
0x26: {  	v9 =	vld [tilespmem:$0x8940]  }
0x27: {  	v10 =	vld [tilespmem:$0x8950]  }
0x28: {  	s4 =	simm.s32 $0x140;
	v11 =	vld [tilespmem:$0x8960]  }
0x29: {  	v12 =	vld [tilespmem:$0x8970];
	[tilespmem:s4+$0xFFFFFFD0] =	vst v0  }
0x2a: {  	[tilespmem:s4+$0xFFFFFFE0] =	vst v0  }
0x2b: {  	[tilespmem:s4+$0xFFFFFFF0] =	vst v0  }
0x2c: {  	[tilespmem:s4+$0x0] =	vst v0  }
0x2d: {  	[tilespmem:s4+$0x10] =	vst v0  }
0x2e: {  	[tilespmem:s4+$0x20] =	vst v0  }
0x2f: {  	[tilespmem:s4+$0x30] =	vst v0  }
0x30: {  	s10 =	simm.s32 $0x0;
	s9 =	simm.s32 $0x40;
	[tilespmem:s4+$0xFFFFFFC0] =	vst v0  }
.LBB2_2:
0x31: {  	p0 =	sne.s32 s9, $0x1FC0;
	[tilespmem:s10+$0x8100] =	vst v0;
	s4 =	sadd.s32 $0x80, s4  }
0x32: {  	[tilespmem:s4+$0xFFFFFFD0] =	vst v0  }
0x33: {  	[tilespmem:s4+$0xFFFFFFE0] =	vst v0  }
0x34: {  	[tilespmem:s4+$0xFFFFFFF0] =	vst v0  }
.Ltmp0:
0x35: {  	[tilespmem:s4+$0x0] =	vst v0;
	(pc) =	sbr.rel @p0 .LBB2_2-.Ltmp0, $4  }
0x36: {  	[tilespmem:s4+$0x10] =	vst v0  }
0x37: {  	[tilespmem:s4+$0x20] =	vst v0  }
0x38: {  	[tilespmem:s4+$0x30] =	vst v0  }
0x39: {  	s10 =	sshra.s32 s9, $0x2;
	s9 =	sadd.s32 $0x40, s9;
	[tilespmem:s4+$0xFFFFFFC0] =	vst v0  }
0x3a: {  	[tilespmem:s10+$0x8100] =	vst v0;
	s4 =	rddreg [dreg:$0xb]  }
0x3b: {  	[spmem:s4] =	stream.linear.scatter [tilespmem:s28], [sflag:$0x3], $0x4000, $0x38;
	[tilespmem:$0x1E9A0] =	vst v63  }
0x3c: {  	_ =	swait.ge [sflag:s26], $0x4000  }
0x3d: {  	[sflag:s26] =	ssyncset.done $0x0  }
0x3e: {  	[sflag:s26] =	ssyncadd.s32 $0xFFFFC000  }
0x3f: {  	[spmem:s16] =	stream.linear.scatter [tilespmem:s29], [sflag:$0x3], $0x800, $0x38;
	[tilespmem:$0x1E9A0] =	vst v63  }
0x40: {  	_ =	swait.ge [sflag:s26], $0x800  }
0x41: {  	[sflag:s26] =	ssyncset.done $0x0  }
0x42: {  	[sflag:s26] =	ssyncadd.s32 $0xFFFFF800  }
0x43: {  	[spmem:s17] =	stream.linear.scatter [tilespmem:s28], [sflag:$0x3], $0x4000, $0x38;
	[tilespmem:$0x1E9A0] =	vst v63  }
0x44: {  	_ =	swait.ge [sflag:s26], $0x4000  }
0x45: {  	[sflag:s26] =	ssyncset.done $0x0  }
0x46: {  	[sflag:s26] =	ssyncadd.s32 $0xFFFFC000  }
0x47: {  	[spmem:s18] =	stream.linear.scatter [tilespmem:s29], [sflag:$0x3], $0x800, $0x38;
	[tilespmem:$0x1E9A0] =	vst v63  }
0x48: {  	_ =	swait.ge [sflag:s26], $0x800  }
0x49: {  	[sflag:s26] =	ssyncset.done $0x0  }
0x4a: {  	[sflag:s26] =	ssyncadd.s32 $0xFFFFF800  }
0x4b: {  	[spmem:s19] =	stream.linear.scatter [tilespmem:s28], [sflag:$0x3], $0x4000, $0x38;
	[tilespmem:$0x1E9A0] =	vst v63  }
0x4c: {  	_ =	swait.ge [sflag:s26], $0x4000  }
0x4d: {  	[sflag:s26] =	ssyncset.done $0x0  }
0x4e: {  	[sflag:s26] =	ssyncadd.s32 $0xFFFFC000  }
0x4f: {  	[spmem:s20] =	stream.linear.scatter [tilespmem:s29], [sflag:$0x3], $0x800, $0x38;
	[tilespmem:$0x1E9A0] =	vst v63  }
0x50: {  	_ =	swait.ge [sflag:s26], $0x800  }
0x51: {  	[sflag:s26] =	ssyncset.done $0x0  }
0x52: {  	[sflag:s26] =	ssyncadd.s32 $0xFFFFF800  }
0x53: {  	[spmem:s21] =	stream.linear.scatter [tilespmem:s28], [sflag:$0x3], $0x4000, $0x38;
	[tilespmem:$0x1E9A0] =	vst v63  }
0x54: {  	_ =	swait.ge [sflag:s26], $0x4000  }
0x55: {  	[sflag:s26] =	ssyncset.done $0x0  }
0x56: {  	[sflag:s26] =	ssyncadd.s32 $0xFFFFC000  }
0x57: {  	[spmem:s22] =	stream.linear.scatter [tilespmem:s29], [sflag:$0x3], $0x800, $0x38;
	[tilespmem:$0x1E9A0] =	vst v63  }
0x58: {  	_ =	swait.ge [sflag:s26], $0x800  }
0x59: {  	[sflag:s26] =	ssyncset.done $0x0  }
0x5a: {  	s14 =	rddreg [dreg:$0x6];
	[sflag:s26] =	ssyncadd.s32 $0xFFFFF800  }
0x5b: {  	[spmem:s14] =	stream.linear.scatter [tilespmem:s28], [sflag:$0x3], $0x3900, $0x38;
	[tilespmem:$0x1E9A0] =	vst v63  }
0x5c: {  	_ =	swait.ge [sflag:s26], $0x3900  }
0x5d: {  	[sflag:s26] =	ssyncset.done $0x0  }
0x5e: {  	s15 =	rddreg [dreg:$0x7];
	[sflag:s26] =	ssyncadd.s32 $0xFFFFC700  }
0x5f: {  	[spmem:s15] =	stream.linear.scatter [tilespmem:s29], [sflag:$0x3], $0x720, $0x38;
	[tilespmem:$0x1E9A0] =	vst v63  }
0x60: {  	_ =	swait.ge [sflag:s26], $0x720  }
0x61: {  	[sflag:s26] =	ssyncset.done $0x0  }
0x62: {  	[sflag:s26] =	ssyncadd.s32 $0xFFFFF8E0  }
0x63: {  	s4 =	simm.s32 $0x0;
	[bflag:$0x0] =	sbarrier.arrive $0xFFFF  }
.LBB2_4:
0x64: {  	s9 =	sadd.s32 s11, s4  }
0x65: {  	s9 =	sshll.u32 s9, $0x5  }
0x66: {  	s9 =	sadd.s32 s8, s9  }
0x67: {  	[tilespmem:s5], [sflag:$0x3] =	stream.linear.gather [hbm4b:s9+s5], $0x100, $0x38;
	[tilespmem:$0x1E9A0] =	vst v63  }
0x68: {  	_ =	swait.ge [sflag:s26], $0x100  }
0x69: {  	[sflag:s26] =	ssyncset.done $0x0  }
0x6a: {  	[sflag:s26] =	ssyncadd.s32 $0xFFFFFF00  }
0x6b: {  	[tilespmem:s28], [sflag:$0x1] =	stream.indirect.gather [hbm4b:s6+s30], $0x80, s5, s30, $0xb8;
	[tilespmem:$0x1E9A0] =	vst v63  }
0x6c: {  	_ = 	snop  }
0x6d: {  	[tilespmem:s31], [sflag:$0x2] =	stream.indirect.gather [hbm4b:s7+s30], $0x80, s30, s30, $0xb8;
	[tilespmem:$0x1E9A0] =	vst v63  }
0x6e: {  	_ =	swait.ge [sflag:s0], $0x4000  }
0x6f: {  	[sflag:s0] =	ssyncset.done $0x0  }
0x70: {  	[sflag:s0] =	ssyncadd.s32 $0xFFFFC000  }
0x71: {  	_ =	swait.ge [sflag:s1], $0x4000  }
0x72: {  	[sflag:s1] =	ssyncset.done $0x0  }
0x73: {  	s9 =	simm.s32 $0x4180;
	[sflag:s1] =	ssyncadd.s32 $0xFFFFC000  }
0x74: {  	v13 =	vld [tilespmem:s9+$0xFFFFFF90]  }
0x75: {  	s10 =	simm.s32 $0x180;
	v14 =	vld [tilespmem:s9+$0xFFFFFF80]  }
0x76: {  	v15 =	vld [tilespmem:s10+$0xFFFFFF80]  }
0x77: {  	v16 =	vld [tilespmem:s10+$0xFFFFFF90]  }
0x78: {  	v17 =	vld [tilespmem:s9+$0xFFFFFFA0]  }
0x79: {  	v18 =	vld [tilespmem:s10+$0xFFFFFFA0]  }
0x7a: {  	v19 =	vld [tilespmem:s9+$0xFFFFFFB0]  }
0x7b: {  	v20 =	vld [tilespmem:s10+$0xFFFFFFB0];
	_ =	sdelay $0x1  }
0x7c: {  	v21 =	vld [tilespmem:s9+$0xFFFFFFC0];
	v14 =	vadd.f32 v14, v15;
	v13 =	vadd.f32 v13, v16  }
0x7d: {  	v22 =	vld [tilespmem:s10+$0xFFFFFFC0]  }
0x7e: {  	v25 =	vld [tilespmem:s9+$0xFFFFFFD0];
	v17 =	vadd.f32 v17, v18;
	v23 =	vmul.f32 $2.000000030e-01, v14;
	v24 =	vmul.f32 $2.000000030e-01, v13  }
0x7f: {  	v26 =	vld [tilespmem:s10+$0xFFFFFFD0];
	v19 =	vadd.f32 v19, v20  }
0x80: {  	v48 =	vld [tilespmem:s9+$0xFFFFFFE0];
	v14 =	vmax.f32 v14, v23;
	v13 =	vmax.f32 v13, v24;
	v23 =	vmul.f32 $2.000000030e-01, v17  }
0x81: {  	v27 =	vld [tilespmem:s10+$0xFFFFFFE0];
	v14 =	vmul.f32 v14, v5;
	v13 =	vmul.f32 v13, v6  }
0x82: {  	v28 =	vld [tilespmem:s9+$0xFFFFFFF0];
	v21 =	vadd.f32 v21, v22;
	v17 =	vmax.f32 v17, v23;
	v23 =	vmul.f32 $2.000000030e-01, v19  }
0x83: {  	v29 =	vld [tilespmem:s10+$0xFFFFFFF0];
	v13 =	vadd.f32 v13, v14;
	v14 =	vmul.f32 v17, v7  }
0x84: {  	v17 =	vmax.f32 v19, v23;
	v19 =	vmul.f32 $2.000000030e-01, v21;
	v23 =	vadd.f32 v25, v26  }
0x85: {  	v13 =	vadd.f32 v14, v13;
	v14 =	vmul.f32 v17, v8  }
0x86: {  	v17 =	vmax.f32 v21, v19;
	v19 =	vmul.f32 $2.000000030e-01, v23;
	v21 =	vadd.f32 v48, v27  }
0x87: {  	v13 =	vadd.f32 v14, v13;
	v14 =	vmul.f32 v17, v9  }
0x88: {  	v17 =	vmax.f32 v23, v19;
	v19 =	vmul.f32 $2.000000030e-01, v21;
	v23 =	vadd.f32 v28, v29  }
0x89: {  	v13 =	vadd.f32 v14, v13;
	v14 =	vmul.f32 v17, v10  }
0x8a: {  	v17 =	vmax.f32 v21, v19;
	v19 =	vmul.f32 $2.000000030e-01, v23  }
0x8b: {  	v13 =	vadd.f32 v14, v13;
	v14 =	vmul.f32 v17, v11  }
0x8c: {  	v17 =	vmax.f32 v23, v19  }
0x8d: {  	v13 =	vadd.f32 v14, v13;
	v14 =	vmul.f32 v17, v12;
	_ =	sdelay $0x1  }
0x8e: {  	v13 =	vadd.f32 v14, v13;
	_ =	sdelay $0x1  }
0x8f: {  	v14 =	vperm.xlane v13, v1;
	_ =	sdelay $0x1  }
0x90: {  	v13 =	vadd.f32 v13, v14;
	_ =	sdelay $0x1  }
0x91: {  	v14 =	vperm.xlane v13, v2;
	_ =	sdelay $0x1  }
0x92: {  	v13 =	vadd.f32 v13, v14;
	_ =	sdelay $0x1  }
0x93: {  	v14 =	vperm.xlane v13, v3;
	_ =	sdelay $0x1  }
0x94: {  	v13 =	vadd.f32 v13, v14;
	_ =	sdelay $0x1  }
0x95: {  	v14 =	vperm.xlane v13, v4;
	_ =	sdelay $0x1  }
0x96: {  	v13 =	vadd.f32 v13, v14;
	_ =	sdelay $0x1  }
0x97: {  	v13 =	vmul.f32 $1.442695020e+00, v13;
	_ =	sdelay $0x1  }
0x98: {  	(erf) = vpow2.f32 v13;
	_ =	sdelay $0x8  }
0x99: {  	v13 =	vpop (erf)  }
0x9a: {  	s12 =	simm.s32 $0x8110;
	v14 =	vmul.f32 v13, v29  }
0x9b: {  	v15 =	vmul.f32 v13, v15;
	[tilespmem:s12+$0xFFFFFFF0] =	vst v13  }
0x9c: {  	v17 =	vmul.f32 v13, v18;
	[tilespmem:s9+$0xFFFFFFF0] =	vst v14  }
0x9d: {  	v14 =	vmul.f32 v13, v22;
	[tilespmem:s9+$0xFFFFFF80] =	vst v15  }
0x9e: {  	v15 =	vmul.f32 v13, v26;
	[tilespmem:s9+$0xFFFFFFA0] =	vst v17  }
0x9f: {  	v17 =	vmul.f32 v13, v27;
	[tilespmem:s9+$0xFFFFFFC0] =	vst v14  }
0xa0: {  	v14 =	vmul.f32 v13, v20;
	[tilespmem:s9+$0xFFFFFFD0] =	vst v15  }
0xa1: {  	v18 =	vld [tilespmem:s9+$0x20];
	v13 =	vmul.f32 v13, v16;
	[tilespmem:s9+$0xFFFFFFE0] =	vst v17  }
0xa2: {  	v19 =	vld [tilespmem:s9+$0x10];
	[tilespmem:s9+$0xFFFFFFB0] =	vst v14  }
0xa3: {  	v17 =	vld [tilespmem:s9+$0x0];
	[tilespmem:s9+$0xFFFFFF90] =	vst v13  }
0xa4: {  	v15 =	vld [tilespmem:s10+$0x10]  }
0xa5: {  	v16 =	vld [tilespmem:s10+$0x0]  }
0xa6: {  	v20 =	vld [tilespmem:s9+$0x30]  }
0xa7: {  	v14 =	vld [tilespmem:s10+$0x20]  }
0xa8: {  	v13 =	vld [tilespmem:s10+$0x30];
	_ =	sdelay $0x1  }
0xa9: {  	v22 =	vld [tilespmem:s9+$0x40];
	v19 =	vadd.f32 v19, v15;
	v21 =	vadd.f32 v17, v16  }
0xaa: {  	v17 =	vld [tilespmem:s10+$0x40]  }
0xab: {  	v51 =	vld [tilespmem:s9+$0x50];
	v49 =	vadd.f32 v18, v14;
	v23 =	vmul.f32 $2.000000030e-01, v19;
	v50 =	vmul.f32 $2.000000030e-01, v21  }
0xac: {  	v52 =	vadd.f32 v20, v13;
	v18 =	vld [tilespmem:s10+$0x50]  }
0xad: {  	v20 =	vmul.f32 $2.000000030e-01, v49;
	v19 =	vmax.f32 v19, v23;
	v21 =	vmax.f32 v21, v50;
	v23 =	vld [tilespmem:s9+$0x60]  }
0xae: {  	v53 =	vmul.f32 v19, v6;
	v19 =	vld [tilespmem:s10+$0x60];
	v21 =	vmul.f32 v21, v5  }
0xaf: {  	v55 =	vld [tilespmem:s9+$0x70];
	v54 =	vmul.f32 $2.000000030e-01, v52;
	v24 =	vmax.f32 v49, v20;
	v22 =	vadd.f32 v22, v17  }
0xb0: {  	v20 =	vld [tilespmem:s10+$0x70];
	v24 =	vmul.f32 v24, v7;
	v21 =	vadd.f32 v53, v21  }
0xb1: {  	v56 =	vmax.f32 v52, v54;
	v26 =	vadd.f32 v51, v18;
	v57 =	vmul.f32 $2.000000030e-01, v22  }
0xb2: {  	v58 =	vmul.f32 v56, v8;
	v21 =	vadd.f32 v24, v21  }
0xb3: {  	v59 =	vmul.f32 $2.000000030e-01, v26;
	v22 =	vmax.f32 v22, v57;
	v23 =	vadd.f32 v23, v19  }
0xb4: {  	v22 =	vmul.f32 v22, v9;
	v21 =	vadd.f32 v58, v21  }
0xb5: {  	v60 =	vmax.f32 v26, v59;
	v62 =	vadd.f32 v55, v20;
	v61 =	vmul.f32 $2.000000030e-01, v23  }
0xb6: {  	v21 =	vadd.f32 v22, v21;
	v22 =	vmul.f32 v60, v10  }
0xb7: {  	v63 =	vmul.f32 $2.000000030e-01, v62;
	v23 =	vmax.f32 v23, v61  }
0xb8: {  	v21 =	vadd.f32 v22, v21;
	v22 =	vmul.f32 v23, v11  }
0xb9: {  	v23 =	vmax.f32 v62, v63  }
0xba: {  	v21 =	vadd.f32 v22, v21;
	v22 =	vmul.f32 v23, v12;
	_ =	sdelay $0x1  }
0xbb: {  	v21 =	vadd.f32 v22, v21;
	_ =	sdelay $0x1  }
0xbc: {  	v22 =	vperm.xlane v21, v1;
	_ =	sdelay $0x1  }
0xbd: {  	v21 =	vadd.f32 v21, v22;
	_ =	sdelay $0x1  }
0xbe: {  	v22 =	vperm.xlane v21, v2;
	_ =	sdelay $0x1  }
0xbf: {  	v21 =	vadd.f32 v21, v22;
	_ =	sdelay $0x1  }
0xc0: {  	v22 =	vperm.xlane v21, v3;
	_ =	sdelay $0x1  }
0xc1: {  	v21 =	vadd.f32 v21, v22;
	_ =	sdelay $0x1  }
0xc2: {  	v22 =	vperm.xlane v21, v4;
	_ =	sdelay $0x1  }
0xc3: {  	v21 =	vadd.f32 v21, v22;
	_ =	sdelay $0x1  }
0xc4: {  	v21 =	vmul.f32 $1.442695020e+00, v21;
	_ =	sdelay $0x1  }
0xc5: {  	(erf) = vpow2.f32 v21;
	_ =	sdelay $0x1  }
0xc6: {  	s13 =	simm.s32 $0x0;
	s14 =	simm.s32 $0x4280;
	s15 =	simm.s32 $0x8110  }
.LBB2_5:
0xc7: {  	s13 =	sadd.s32 $0x2, s13;
	s12 =	sadd.s32 $0x20, s12;
	s10 =	sadd.s32 $0x100, s10  }
0xc8: {  	p0 =	slt.u32 s13, $0x7E;
	_ =	sdelay $0x4  }
0xc9: {  	v21 =	vpop (erf)  }
0xca: {  	[tilespmem:s15+$0x0] =	vst v21;
	v16 =	vmul.f32 v21, v16;
	v15 =	vmul.f32 v21, v15;
	s15 =	smov.u32 s12  }
0xcb: {  	v14 =	vmul.f32 v21, v14;
	v13 =	vmul.f32 v21, v13  }
0xcc: {  	[tilespmem:s9+$0x0] =	vst v16;
	v16 =	vmul.f32 v21, v17;
	v17 =	vmul.f32 v21, v18  }
0xcd: {  	v18 =	vmul.f32 v21, v20;
	[tilespmem:s9+$0x10] =	vst v15;
	v15 =	vmul.f32 v21, v19  }
0xce: {  	[tilespmem:s9+$0x40] =	vst v16  }
0xcf: {  	[tilespmem:s9+$0x70] =	vst v18  }
0xd0: {  	[tilespmem:s9+$0x20] =	vst v14  }
0xd1: {  	[tilespmem:s9+$0x30] =	vst v13  }
0xd2: {  	v13 =	vld [tilespmem:s14+$0xFFFFFF90];
	[tilespmem:s9+$0x60] =	vst v15  }
0xd3: {  	v14 =	vld [tilespmem:s14+$0xFFFFFF80];
	[tilespmem:s9+$0x50] =	vst v17;
	s9 =	smov.u32 s14  }
0xd4: {  	v15 =	vld [tilespmem:s10+$0xFFFFFF80]  }
0xd5: {  	v16 =	vld [tilespmem:s10+$0xFFFFFF90]  }
0xd6: {  	v17 =	vld [tilespmem:s14+$0xFFFFFFA0]  }
0xd7: {  	v18 =	vld [tilespmem:s10+$0xFFFFFFA0]  }
0xd8: {  	v19 =	vld [tilespmem:s14+$0xFFFFFFB0]  }
0xd9: {  	v20 =	vld [tilespmem:s10+$0xFFFFFFB0];
	v14 =	vadd.f32 v14, v15  }
0xda: {  	v13 =	vadd.f32 v13, v16;
	v21 =	vld [tilespmem:s14+$0xFFFFFFC0]  }
0xdb: {  	v22 =	vld [tilespmem:s10+$0xFFFFFFC0];
	v23 =	vmul.f32 $2.000000030e-01, v14  }
0xdc: {  	v24 =	vmul.f32 $2.000000030e-01, v13;
	v17 =	vadd.f32 v17, v18;
	v25 =	vld [tilespmem:s14+$0xFFFFFFD0]  }
0xdd: {  	v26 =	vld [tilespmem:s10+$0xFFFFFFD0];
	v14 =	vmax.f32 v14, v23  }
0xde: {  	v13 =	vmax.f32 v13, v24;
	v23 =	vmul.f32 $2.000000030e-01, v17;
	v19 =	vadd.f32 v19, v20;
	v24 =	vld [tilespmem:s14+$0xFFFFFFE0]  }
0xdf: {  	v14 =	vmul.f32 v14, v5;
	v27 =	vld [tilespmem:s10+$0xFFFFFFE0];
	v13 =	vmul.f32 v13, v6  }
0xe0: {  	v17 =	vmax.f32 v17, v23;
	v23 =	vmul.f32 $2.000000030e-01, v19;
	v21 =	vadd.f32 v21, v22;
	v28 =	vld [tilespmem:s14+$0xFFFFFFF0]  }
0xe1: {  	v29 =	vld [tilespmem:s10+$0xFFFFFFF0];
	v13 =	vadd.f32 v13, v14;
	v14 =	vmul.f32 v17, v7  }
0xe2: {  	v17 =	vmax.f32 v19, v23;
	v19 =	vmul.f32 $2.000000030e-01, v21;
	v23 =	vadd.f32 v25, v26  }
0xe3: {  	v13 =	vadd.f32 v14, v13;
	v14 =	vmul.f32 v17, v8  }
0xe4: {  	v17 =	vmax.f32 v21, v19;
	v19 =	vmul.f32 $2.000000030e-01, v23;
	v21 =	vadd.f32 v24, v27  }
0xe5: {  	v13 =	vadd.f32 v14, v13;
	v14 =	vmul.f32 v17, v9  }
0xe6: {  	v17 =	vmax.f32 v23, v19;
	v19 =	vmul.f32 $2.000000030e-01, v21;
	v23 =	vadd.f32 v28, v29  }
0xe7: {  	v13 =	vadd.f32 v14, v13;
	v14 =	vmul.f32 v17, v10  }
0xe8: {  	v17 =	vmax.f32 v21, v19;
	v19 =	vmul.f32 $2.000000030e-01, v23  }
0xe9: {  	v13 =	vadd.f32 v14, v13;
	v14 =	vmul.f32 v17, v11  }
0xea: {  	v17 =	vmax.f32 v23, v19  }
0xeb: {  	v13 =	vadd.f32 v14, v13;
	v14 =	vmul.f32 v17, v12;
	_ =	sdelay $0x1  }
0xec: {  	v13 =	vadd.f32 v14, v13;
	_ =	sdelay $0x1  }
0xed: {  	v14 =	vperm.xlane v13, v1;
	_ =	sdelay $0x1  }
0xee: {  	v13 =	vadd.f32 v13, v14;
	_ =	sdelay $0x1  }
0xef: {  	v14 =	vperm.xlane v13, v2;
	_ =	sdelay $0x1  }
0xf0: {  	v13 =	vadd.f32 v13, v14;
	_ =	sdelay $0x1  }
0xf1: {  	v14 =	vperm.xlane v13, v3;
	_ =	sdelay $0x1  }
0xf2: {  	v13 =	vadd.f32 v13, v14;
	_ =	sdelay $0x1  }
0xf3: {  	v14 =	vperm.xlane v13, v4;
	_ =	sdelay $0x1  }
0xf4: {  	v13 =	vadd.f32 v13, v14;
	_ =	sdelay $0x1  }
0xf5: {  	v13 =	vmul.f32 $1.442695020e+00, v13;
	_ =	sdelay $0x1  }
0xf6: {  	(erf) = vpow2.f32 v13;
	_ =	sdelay $0x8  }
0xf7: {  	v13 =	vpop (erf)  }
0xf8: {  	v14 =	vmul.f32 v13, v15;
	v15 =	vmul.f32 v13, v29  }
0xf9: {  	v17 =	vmul.f32 v13, v18;
	v18 =	vmul.f32 v13, v27;
	[tilespmem:s12+$0xFFFFFFF0] =	vst v13  }
0xfa: {  	v16 =	vmul.f32 v13, v16;
	v19 =	vmul.f32 v13, v22;
	[tilespmem:s14+$0xFFFFFFF0] =	vst v15  }
0xfb: {  	[tilespmem:s14+$0xFFFFFF80] =	vst v14;
	v14 =	vmul.f32 v13, v20;
	v13 =	vmul.f32 v13, v26  }
0xfc: {  	[tilespmem:s14+$0xFFFFFFA0] =	vst v17  }
0xfd: {  	[tilespmem:s14+$0xFFFFFFC0] =	vst v19  }
0xfe: {  	[tilespmem:s14+$0xFFFFFFD0] =	vst v13;
	v19 =	vld [tilespmem:s14+$0x20]  }
0xff: {  	[tilespmem:s14+$0xFFFFFFE0] =	vst v18;
	v17 =	vld [tilespmem:s14+$0x0]  }
0x100: {  	[tilespmem:s14+$0xFFFFFFB0] =	vst v14;
	v18 =	vld [tilespmem:s14+$0x30]  }
0x101: {  	[tilespmem:s14+$0xFFFFFF90] =	vst v16;
	v20 =	vld [tilespmem:s14+$0x10]  }
0x102: {  	v13 =	vld [tilespmem:s10+$0x30]  }
0x103: {  	v15 =	vld [tilespmem:s10+$0x10]  }
0x104: {  	v16 =	vld [tilespmem:s10+$0x0]  }
0x105: {  	v14 =	vld [tilespmem:s10+$0x20];
	_ =	sdelay $0x2  }
0x106: {  	v21 =	vadd.f32 v18, v13;
	v20 =	vadd.f32 v20, v15  }
0x107: {  	v22 =	vadd.f32 v17, v16;
	v23 =	vld [tilespmem:s14+$0x40]  }
0x108: {  	v17 =	vld [tilespmem:s10+$0x40];
	v24 =	vmul.f32 $2.000000030e-01, v20;
	v25 =	vadd.f32 v19, v14;
	v19 =	vmul.f32 $2.000000030e-01, v21  }
0x109: {  	v26 =	vmul.f32 $2.000000030e-01, v22;
	v27 =	vld [tilespmem:s14+$0x50]  }
0x10a: {  	v18 =	vld [tilespmem:s10+$0x50];
	v20 =	vmax.f32 v20, v24;
	v24 =	vmul.f32 $2.000000030e-01, v25;
	v21 =	vmax.f32 v21, v19  }
0x10b: {  	v22 =	vmax.f32 v22, v26;
	v26 =	vmul.f32 v20, v6;
	v28 =	vld [tilespmem:s14+$0x60]  }
0x10c: {  	v19 =	vld [tilespmem:s10+$0x60];
	v22 =	vmul.f32 v22, v5;
	v24 =	vmax.f32 v25, v24  }
0x10d: {  	v23 =	vadd.f32 v23, v17;
	v25 =	vld [tilespmem:s14+$0x70]  }
0x10e: {  	v24 =	vmul.f32 v24, v7;
	v20 =	vld [tilespmem:s10+$0x70];
	v22 =	vadd.f32 v26, v22  }
0x10f: {  	v26 =	vmul.f32 $2.000000030e-01, v23;
	v27 =	vadd.f32 v27, v18  }
0x110: {  	v21 =	vmul.f32 v21, v8;
	v22 =	vadd.f32 v24, v22  }
0x111: {  	v23 =	vmax.f32 v23, v26;
	v24 =	vmul.f32 $2.000000030e-01, v27;
	v26 =	vadd.f32 v28, v19  }
0x112: {  	v21 =	vadd.f32 v21, v22;
	v22 =	vmul.f32 v23, v9  }
0x113: {  	v23 =	vmax.f32 v27, v24;
	v24 =	vmul.f32 $2.000000030e-01, v26;
	v25 =	vadd.f32 v25, v20  }
0x114: {  	v21 =	vadd.f32 v22, v21;
	v22 =	vmul.f32 v23, v10  }
0x115: {  	v23 =	vmax.f32 v26, v24;
	v24 =	vmul.f32 $2.000000030e-01, v25  }
0x116: {  	v21 =	vadd.f32 v22, v21;
	v22 =	vmul.f32 v23, v11  }
0x117: {  	v23 =	vmax.f32 v25, v24  }
0x118: {  	v21 =	vadd.f32 v22, v21;
	v22 =	vmul.f32 v23, v12;
	_ =	sdelay $0x1  }
0x119: {  	v21 =	vadd.f32 v22, v21;
	_ =	sdelay $0x1  }
0x11a: {  	v22 =	vperm.xlane v21, v1;
	_ =	sdelay $0x1  }
0x11b: {  	v21 =	vadd.f32 v21, v22;
	_ =	sdelay $0x1  }
0x11c: {  	v22 =	vperm.xlane v21, v2;
	_ =	sdelay $0x1  }
0x11d: {  	v21 =	vadd.f32 v21, v22;
	_ =	sdelay $0x1  }
0x11e: {  	v22 =	vperm.xlane v21, v3;
	_ =	sdelay $0x1  }
0x11f: {  	v21 =	vadd.f32 v21, v22;
	_ =	sdelay $0x1  }
0x120: {  	v22 =	vperm.xlane v21, v4;
	_ =	sdelay $0x1  }
0x121: {  	v21 =	vadd.f32 v21, v22;
	_ =	sdelay $0x1  }
.Ltmp1:
0x122: {  	v21 =	vmul.f32 $1.442695020e+00, v21;
	(pc) =	sbr.rel @p0 .LBB2_5-.Ltmp1, $3  }
0x123: {  	_ = 	snop  }
0x124: {  	(erf) = vpow2.f32 v21;
	_ =	sdelay $0x1  }
0x125: {  	s14 =	sadd.s32 $0x100, s14  }
0x126: {  	_ =	sdelay $0x5  }
0x127: {  	v21 =	vpop (erf)  }
0x128: {  	v16 =	vmul.f32 v21, v16  }
0x129: {  	[tilespmem:s15+$0x0] =	vst v21;
	v15 =	vmul.f32 v21, v15  }
0x12a: {  	v63 =	vmul.f32 v21, v17;
	[tilespmem:s9+$0x0] =	vst v16  }
0x12b: {  	v14 =	vmul.f32 v21, v14;
	[tilespmem:s9+$0x10] =	vst v15  }
0x12c: {  	v13 =	vmul.f32 v21, v13;
	[tilespmem:s9+$0x40] =	vst v63  }
0x12d: {  	v15 =	vmul.f32 v21, v20;
	[tilespmem:s9+$0x20] =	vst v14  }
0x12e: {  	v14 =	vmul.f32 v21, v18;
	[tilespmem:s9+$0x30] =	vst v13  }
0x12f: {  	[tilespmem:s9+$0x70] =	vst v15;
	v15 =	vmul.f32 v21, v19  }
0x130: {  	[tilespmem:s9+$0x50] =	vst v14  }
0x131: {  	[tilespmem:s9+$0x60] =	vst v15  }
0x132: {  	[spmem:s2] =	stream.indirect.scatter.add.f32 [tilespmem:s31], [sflag:$0x3], $0x80, s30, s30, $0xb8;
	[tilespmem:$0x1E9A0] =	vst v63  }
0x133: {  	s4 =	sadd.s32 $0x1, s4;
	_ =	swait.ge [sflag:s26], $0x4000  }
0x134: {  	p0 =	sne.s32 s4, $0x52;
	[sflag:s26] =	ssyncset.done $0x0  }
.Ltmp2:
0x135: {  	[sflag:s26] =	ssyncadd.s32 $0xFFFFC000;
	(pc) =	sbr.rel @p0 .LBB2_4-.Ltmp2, $4  }
0x136: {  	[spmem:s3] =	stream.indirect.scatter.add.f32 [tilespmem:s29], [sflag:$0x3], $0x10, s30, s30, $0xb8;
	[tilespmem:$0x1E9A0] =	vst v63  }
0x137: {  	_ =	swait.ge [sflag:s26], $0x800  }
0x138: {  	[sflag:s26] =	ssyncset.done $0x0  }
0x139: {  	[sflag:s26] =	ssyncadd.s32 $0xFFFFF800  }
0x13a: {  	s4 =	stileid.u32  }
0x13b: {  	[bflag:$0x0] =	sbarrier.arrive $0xFFFF;
	s4 =	sshll.u32 s4, $0x6  }
0x13c: {  	s9 =	rddreg [dreg:$0x8];
	s4 =	sor.u32 $0x1C03, s4  }
0x13d: {  	[hbm:s9], [sflag:s4] =	dma.local [spmem:s24], $0x2720  }
0x13e: {  	_ =	swait.ge [sflag:s26], $0x2720  }
0x13f: {  	[sflag:s26] =	ssyncset.done $0x0  }
0x140: {  	s14 =	rddreg [dreg:$0x9];
	[sflag:s26] =	ssyncadd.s32 $0xFFFFD8E0  }
0x141: {  	[hbm:s14], [sflag:s4] =	dma.local [spmem:s25], $0x4E4  }
0x142: {  	_ =	swait.ge [sflag:s26], $0x4E4  }
0x143: {  	s23 =	sadd.s32 $0x1, s23;
	s15 =	rddreg [dreg:$0xa]  }
0x144: {  	p0 =	sne.s32 s23, s15  }
.Ltmp3:
0x145: {  	_ = 	snop;
	(pc) =	sbr.rel @p0 .LBB2_1-.Ltmp3, $3  }
0x146: {  	_ =	sdelay $0x1  }
0x147: {  	[sflag:s26] =	ssyncset.done $0x0  }
0x148: {  	[sflag:s26] =	ssyncadd.s32 $0xFFFFFB1C  }
0x149: {  	_ =	sfence.sel $0x180000  }
0x14a: {  	[bflag:$0x0] =	sbarrier.arrive $0xFFFF  }
0x14b: {  	_ =	strace $0x9000004A  }
0x14c: {  	s0 =	stileid.u32;
	[bflag:$0x2] =	sbarrier.arrive $0xFFFF  }
0x14d: {  	p0 =	sne.s32 s0, $0x0;
	s0 =	rddreg [dreg:$0x5]  }
0x14e: {  	s0 =	sadd.s32 @!p0 $0x100000, s0  }
0x14f: {  	[sflag:s0] =	ssyncadd.tile.s32 @!p0 $0x1;
	_ =	shalt  }
.Lfunc_end2:
_tile_overlayer_lowered:
.L_overlay_start_2:
0x150: {  	(tag) =	ssettag $0x2  }
0x151: {  	s0 =	rddreg [dreg:$0x0];
	s2 =	stileid.u32  }
0x152: {  	s1 =	rddreg [dreg:$0x1];
	p0 =	sne.s32 s2, $0x0  }
0x153: {  	s3 =	rddreg [dreg:$0x2];
	[bflag:$0x3] =	sbarrier.arrive $0xFFFF;
	s2 =	simm.s32 @!p0 $0x1C03  }
0x154: {  	[timem:s3], [sflag:s2] =	dma.local @!p0 [hbm:s0], s1  }
0x155: {  	s0 =	simm.s32 @!p0 $0x3  }
0x156: {  	_ =	swait.ge @!p0 [sflag:s0], s1  }
0x157: {  	s1 =	ssub.s32 @!p0 $0x0, s1;
	[sflag:s0] =	ssyncset.done @!p0 $0x0  }
0x158: {  	[sflag:s0] =	ssyncadd.s32 @!p0 s1  }
0x159: {  	[bflag:$0x3] =	sbarrier.arrive $0xFFFF  }
0x15a: {  	_ =	shalt  }

// kernel: kernel.7.cloned.1.call-start
scs
__scs_entry_jumppad:
0x0: {  	(pc) =	sbr.rel $0x88, $3  }
0x1: {  	(tag) =	ssettag $0x0;
	lr =	simm.s32 $0x1  }
0x2: {  	[smem:$0x3F97] =	sst lr;
	_ =	strace $0xD0000000  }
0x3: {  	_ = 	snop  }
0x4: {  	_ = 	snop  }
0x5: {  	_ = 	snop  }
0x6: {  	_ = 	snop  }
0x7: {  	_ = 	snop  }
__scs_overlays_trampoline_lowered:
0x8: {  	[smem:$0x3FA6] =	sst s0  }
0x9: {  	[smem:$0x3FA7] =	sst s1  }
0xa: {  	[smem:$0x3FA8] =	sst s2  }
0xb: {  	[smem:$0x3FA9] =	sst s3  }
0xc: {  	[smem:$0x3FAA] =	sst s4  }
0xd: {  	[smem:$0x3FAB] =	sst s5  }
0xe: {  	[smem:$0x3FAC] =	sst s6  }
0xf: {  	[smem:$0x3FAD] =	sst s7  }
0x10: {  	[smem:$0x3FAE] =	sst s8  }
0x11: {  	[smem:$0x3FAF] =	sst s9;
	s0 =	simm.s32 @!p0 $0x0  }
0x12: {  	s1 =	sld [smem:$0x3F95];
	s0 =	simm.s32 @p0 $0x1  }
0x13: {  	[smem:$0x3FB0] =	sst s0;
	s0 =	simm.s32 @!p1 $0x0  }
0x14: {  	s2 =	sld [smem:$0x3F94];
	s0 =	simm.s32 @p1 $0x1  }
0x15: {  	[smem:$0x3FB1] =	sst s0;
	s0 =	simm.s32 @!p2 $0x0  }
0x16: {  	s3 =	sld [smem:$0x3FDB];
	s0 =	simm.s32 @p2 $0x1  }
0x17: {  	s4 =	simm.s32 $0x1BF5;
	[smem:$0x3FB3] =	sst s0  }
0x18: {  	s0 =	sld [smem:$0x3F96];
	_ =	swait.ge [sflag:s4], $0x0  }
0x19: {  	s7 =	sld [smem:$0x3F97]  }
0x1a: {  	s8 =	sadd.s32 $0xFFFFE003, lr  }
0x1b: {  	s9 =	sadd.s32 $0xFFFFFEF7, lr;
	s5 =	simm.s32 $0xFFFFFFFF;
	p2 =	slt.u32 s8, $0xFFFFF086  }
0x1c: {  	p1 =	slt.u32 s9, $0xF7A;
	s5 =	simm.s32 @!p2 $0x0  }
0x1d: {  	s5 =	simm.s32 @p1 $0x1;
	p0 =	seq.s32 s7, s2  }
0x1e: {  	s7 =	smul.u32 @!p0 $0xF7A, s2;
	p2 =	seq.s32 @!p0 s5, $0x0  }
0x1f: {  	s9 =	smul.u32 $0xF7A, s1;
	s8 =	simm.s32 @!p0 $0x1BF5;
	p2 =	por !p2, p0  }
0x20: {  	[sflag:s8] =	ssyncset.s32 @!p0 $0xFFFFF086;
	s6 =	sadd.s32 @!p0 s3, s7;
	s7 =	simm.s32 @!p0 $0x108  }
0x21: {  	s3 =	sadd.s32 s3, s9;
	s6 =	sadd.s32 @!p0 $0x88, s6;
	s7 =	simm.s32 @p2 $0x1082  }
0x22: {  	[simem:s7], [sflag:s8] =	dma.local @!p0 [hbm:s6], $0xF7A  }
0x23: {  	s9 =	sor.u32 $0xD0000000, s2;
	s6 =	simm.s32 $0x108;
	_ =	swait.ge @!p0 [sflag:s8], $0x0  }
0x24: {  	s3 =	sadd.s32 $0x88, s3;
	s6 =	simm.s32 @!p1 $0x1082;
	[sflag:s4] =	ssyncset.s32 $0xFFFFF086  }
0x25: {  	[simem:s6], [sflag:s4] =	dma.local [hbm:s3], $0xF7A  }
0x26: {  	[smem:$0x3F97] =	sst s1;
	(tag) =	ssettag s2;
	_ =	strace s9  }
0x27: {  	s1 =	sld [smem:$0x3FA7]  }
0x28: {  	s2 =	sld [smem:$0x3FA8]  }
0x29: {  	s4 =	sld [smem:$0x3FAA]  }
0x2a: {  	p0 =	seq.s32 s5, $0x0;
	s5 =	sld [smem:$0x3FAB]  }
0x2b: {  	s6 =	sld [smem:$0x3FAC]  }
0x2c: {  	s7 =	sld [smem:$0x3FAD]  }
0x2d: {  	s3 =	simm.s32 $0x108;
	s8 =	sld [smem:$0x3FAE]  }
0x2e: {  	s3 =	simm.s32 @!p0 $0x1082;
	s9 =	sld [smem:$0x3FAF]  }
0x2f: {  	lr =	sadd.s32 s0, s3;
	s0 =	sld [smem:$0x3FA6]  }
0x30: {  	s3 =	sld [smem:$0x3FA9]  }
0x31: {  	[smem:$0x3FB2] =	sst s10  }
0x32: {  	s10 =	sld [smem:$0x3FB0];
	_ =	sdelay $0x3  }
0x33: {  	p0 =	seq.s32 s10, $0x1;
	s10 =	sld [smem:$0x3FB2];
	_ =	sdelay $0x3  }
0x34: {  	[smem:$0x3FB2] =	sst s10  }
0x35: {  	s10 =	sld [smem:$0x3FB1];
	_ =	sdelay $0x3  }
0x36: {  	p1 =	seq.s32 s10, $0x1;
	s10 =	sld [smem:$0x3FB2];
	_ =	sdelay $0x3  }
0x37: {  	[smem:$0x3FB2] =	sst s10  }
0x38: {  	s10 =	sld [smem:$0x3FB3]  }
0x39: {  	_ = 	snop;
	(pc) =	sbr.ind lr, $3  }
0x3a: {  	_ = 	snop  }
0x3b: {  	_ = 	snop  }
0x3c: {  	p2 =	seq.s32 s10, $0x1;
	s10 =	sld [smem:$0x3FB2]  }
0x3d: {  	_ =	shalt  }
0x3e: {  	_ =	shalt  }
0x3f: {  	_ =	shalt  }
0x40: {  	_ =	shalt  }
0x41: {  	_ =	shalt  }
0x42: {  	_ =	shalt  }
0x43: {  	_ =	shalt  }
0x44: {  	_ =	shalt  }
0x45: {  	_ =	shalt  }
0x46: {  	_ =	shalt  }
0x47: {  	_ =	shalt  }
0x48: {  	_ =	shalt  }
0x49: {  	_ =	shalt  }
0x4a: {  	_ =	shalt  }
0x4b: {  	_ =	shalt  }
0x4c: {  	_ =	shalt  }
0x4d: {  	_ =	shalt  }
0x4e: {  	_ =	shalt  }
0x4f: {  	_ =	shalt  }
0x50: {  	_ =	shalt  }
0x51: {  	_ =	shalt  }
0x52: {  	_ =	shalt  }
0x53: {  	_ =	shalt  }
0x54: {  	_ =	shalt  }
0x55: {  	_ =	shalt  }
0x56: {  	_ =	shalt  }
0x57: {  	_ =	shalt  }
0x58: {  	_ =	shalt  }
0x59: {  	_ =	shalt  }
0x5a: {  	_ =	shalt  }
0x5b: {  	_ =	shalt  }
0x5c: {  	_ =	shalt  }
0x5d: {  	_ =	shalt  }
0x5e: {  	_ =	shalt  }
0x5f: {  	_ =	shalt  }
0x60: {  	_ =	shalt  }
0x61: {  	_ =	shalt  }
0x62: {  	_ =	shalt  }
0x63: {  	_ =	shalt  }
0x64: {  	_ =	shalt  }
0x65: {  	_ =	shalt  }
0x66: {  	_ =	shalt  }
0x67: {  	_ =	shalt  }
0x68: {  	_ =	shalt  }
0x69: {  	_ =	shalt  }
0x6a: {  	_ =	shalt  }
0x6b: {  	_ =	shalt  }
0x6c: {  	_ =	shalt  }
0x6d: {  	_ =	shalt  }
0x6e: {  	_ =	shalt  }
0x6f: {  	_ =	shalt  }
0x70: {  	_ =	shalt  }
0x71: {  	_ =	shalt  }
0x72: {  	_ =	shalt  }
0x73: {  	_ =	shalt  }
0x74: {  	_ =	shalt  }
0x75: {  	_ =	shalt  }
0x76: {  	_ =	shalt  }
0x77: {  	_ =	shalt  }
0x78: {  	_ =	shalt  }
0x79: {  	_ =	shalt  }
0x7a: {  	_ =	shalt  }
0x7b: {  	_ =	shalt  }
0x7c: {  	_ =	shalt  }
0x7d: {  	_ =	shalt  }
0x7e: {  	_ =	shalt  }
0x7f: {  	_ =	shalt  }
0x80: {  	_ =	shalt  }
0x81: {  	_ =	shalt  }
0x82: {  	_ =	shalt  }
0x83: {  	_ =	shalt  }
0x84: {  	_ =	shalt  }
0x85: {  	_ =	shalt  }
0x86: {  	_ =	shalt  }
0x87: {  	_ =	shalt  }
.Lfunc_end0:
.L_simem_size_0:
called_computation_lowered:
.L_overlay_start_0:
0x88: {  	s2 =	sld [smem:$0x3FD9]  }
0x89: {  	s3 =	sld [smem:$0x3FFE];
	_ =	sdelay $0x1  }
0x8a: {  	s1 =	srdreg.scid  }
0x8b: {  	s0 =	sand.u32 $0x1, s1  }
0x8c: {  	s17 =	sshll.u32 s0, $0xA;
	s2 =	sadd.s32 s3, s2  }
0x8d: {  	s2 =	sadd.s32 s2, s17  }
0x8e: {  	[smem:$0x3FBE] =	sst s2  }
0x8f: {  	_ = 	snop  }
0x90: {  	s2 =	sld [smem:$0x3FD0];
	(tm) =	ssettm $0x1  }
0x91: {  	s18 =	sld [smem:$0x3FFB];
	_ =	sdelay $0x3  }
0x92: {  	_ =	strace s18  }
0x93: {  	s3 =	sld [smem:$0x3FFC];
	_ =	sdelay $0x3  }
0x94: {  	_ =	strace s3  }
0x95: {  	s3 =	sld [smem:$0x3FFD];
	_ =	sdelay $0x3  }
0x96: {  	_ =	strace s3  }
0x97: {  	_ =	strace $0x8FFFFFFF  }
0x98: {  	s19 =	sld [smem:$0x3FDB];
	_ =	sdelay $0x1  }
0x99: {  	s4 =	simm.s32 $_scs_section_size  }
0x9a: {  	s5 =	simm.s32 $_size__tile_overlayer_lowered;
	s6 =	simm.s32 $_tile_overlayer_lowered  }
0x9b: {  	s22 =	simm.s32 $0x1BFF;
	s21 =	sshll.u32 s6, $0x1;
	s3 =	sadd.s32 s4, s19  }
0x9c: {  	s7 =	simm.s32 $0x0;
	s20 =	sshll.u32 s5, $0x1;
	s5 =	sadd.s32 s21, s3  }
0x9d: {  	[timem:s7], [sflag:s22] =	dma.local [hbm:s5], s20  }
0x9e: {  	_ =	swait.ge [sflag:s22], s20  }
0x9f: {  	s4 =	ssub.s32 $0x0, s20;
	[sflag:s22] =	ssyncset.done $0x0  }
0xa0: {  	[sflag:s22] =	ssyncadd.s32 s4;
	_ =	sdelay $0x1  }
0xa1: {  	s23 =	simm.s32 $0x1B8B  }
0xa2: {  	_ =	swait.ge [sflag:s23], $0x1  }
0xa3: {  	[sflag:s23] =	ssyncset.done $0x0  }
0xa4: {  	s25 =	simm.s32 $0x1B8E;
	s24 =	sld [smem:$0x3FFE];
	[sflag:s23] =	ssyncadd.s32 $0xFFFFFFFF  }
0xa5: {  	s26 =	simm.s32 $execute0_lowered;
	[smem:$0x3FD2] =	sst s25  }
0xa6: {  	s5 =	sshll.u32 s26, $0x1;
	_ =	strace $0x80000046;
	[dreg:$0x1] =	wrdreg $0xFFFFFFFF  }
0xa7: {  	s28 =	simm.s32 $_size_execute0_lowered;
	s3 =	sadd.s32 s3, s5;
	[dreg:$0x0] =	wrdreg $0x0  }
0xa8: {  	s5 =	sshll.u32 s28, $0x1;
	[dreg:$0x2] =	wrdreg s3  }
0xa9: {  	[dreg:$0x3] =	wrdreg s5  }
0xaa: {  	[dreg:$0x4] =	wrdreg $0xC0  }
0xab: {  	_ =	task [dreg:s7], $0x5FFFF  }
0xac: {  	[dreg:$0x1] =	wrdreg $0xFFFFFFFF  }
0xad: {  	[dreg:$0x0] =	wrdreg $0x60  }
0xae: {  	[dreg:$0x2] =	wrdreg s24  }
0xaf: {  	[dreg:$0x3] =	wrdreg s2  }
0xb0: {  	[dreg:$0x4] =	wrdreg $0x92400  }
0xb1: {  	[dreg:$0x5] =	wrdreg $0x12EC00  }
0xb2: {  	[dreg:$0x6] =	wrdreg $0x9  }
0xb3: {  	_ =	task.clear_ibuf [dreg:s7], $0x7FFFF;
	_ =	strace $0x90000046  }
0xb4: {  	s29 =	simm.s32 $0x9;
	_ =	strace $0x80000048  }
0xb5: {  	_ =	swait.ge [sflag:s29], $0x1  }
0xb6: {  	[sflag:s29] =	ssyncadd.s32 $0xFFFFFFFF  }
0xb7: {  	_ =	strace $0x90000048  }
0xb8: {  	_ =	sfence  }
0xb9: {  	s30 =	sld [smem:$0x0];
	_ =	sdelay $0x2  }
0xba: {  	s31 =	sshll.u32 s1, $0xD;
	s1 =	sshrl.u32 s1, $0x2  }
0xbb: {  	s3 =	sand.u32 $0x4000, s31;
	s1 =	sadd.s32 s1, s30  }
0xbc: {  	s0 =	sor.u32 s3, s0;
	s1 =	sshll.u32 s1, $0x11  }
0xbd: {  	s0 =	sor.u32 s1, s0  }
0xbe: {  	s0 =	sadd.s32 $0x8F2B, s0  }
0xbf: {  	[sflag:s0] =	ssyncadd.remote.s32 $0x1  }
0xc0: {  	_ =	sfence.sel $0xFFFF  }
0xc1: {  	[dreg:$0x0] =	wrdreg $0xFFFFFFFF;
	(pc) =	sbr.abs _section_cstart, $3  }
0xc2: {  	[dreg:$0x1] =	wrdreg $0xFFFFFFFF  }
0xc3: {  	_ =	task.clear_ibuf [dreg:s7], $0x2FFFF;
	_ =	strace $0x9FFFFFFF  }
0xc4: {  	(tm) =	ssettm $0x7FFFFFFF  }
0xc5: {  	_ =	shalt  }
tec
execute0_lowered:
.L_overlay_start_1:
0x0: {  	(tag) =	ssettag $0x1  }
0x1: {  	s0 =	rddreg [dreg:$0x0]  }
0x2: {  	s1 =	rddreg [dreg:$0x1]  }
0x3: {  	s2 =	srdreg.scid;
	s3 =	rddreg [dreg:$0x2]  }
0x4: {  	s17 =	stileid.u32;
	s4 =	rddreg [dreg:$0x3]  }
0x5: {  	s5 =	simm.s32 $0x0;
	s20 =	simm.s32 $0x3;
	s21 =	simm.s32 $0x200  }
0x6: {  	s22 =	simm.s32 $0x8200;
	s23 =	simm.s32 $0x100;
	s9 =	smul.u32 $0x9C80, s17  }
0x7: {  	s28 =	simm.s32 $0x1;
	s29 =	simm.s32 $0x2;
	s11 =	smul.u32 $0x2720, s17  }
0x8: {  	v0 =	vimm.s32 $0xEFCDAB89;
	s30 =	simm.s32 $0x0;
	s2 =	sand.u32 $0x1, s2;
	s15 =	smul.u32 $0x272, s17  }
0x9: {  	v1 =	vimm.s32 $0x67452301;
	[smem:$0x7FF] =	sst s5;
	s6 =	sadd.s32 $0x15C00, s0;
	s18 =	smul.u32 $0x27200, s17  }
0xa: {  	v2 =	vimm.s32 $0xDCFE98BA;
	s7 =	sadd.s32 $0x2200, s0;
	s12 =	sadd.s32 $0x2000, s0;
	s8 =	smul.u32 $0x9C800, s2  }
0xb: {  	v3 =	vimm.s32 $0x54761032;
	s13 =	sshll.u32 s17, $0x1;
	s10 =	smul.u32 $0x27200, s2;
	_ =	strace $0x80000047  }
0xc: {  	v4 =	vimm.s32 $0xBA98FEDC;
	v5 =	vimm.s32 $0x32107654;
	vm0 =	vcmask $0x2720;
	[dreg:$0x5] =	wrdreg s12;
	s26 =	ssub.s32 $0x2, s2;
	s2 =	sor.u32 s2, s13  }
0xd: {  	vm1 =	vcmask $0x700;
	vm2 =	vcmask $0x730;
	vm3 =	vcmask $0xF38;
	s31 =	sshrl.u32 s26, $0x1;
	s14 =	sadd.s32 $0x200, s15;
	s19 =	sadd.s32 s11, s4  }
0xe: {  	vm4 =	vcmask $0x1700;
	v0 =	vunpack.c.l.s4.s8 v0;
	v1 =	vunpack.c.l.s4.s8 v1;
	s24 =	sadd.s32 $0x100, s15;
	s25 =	sshrl.u32 s9, $0x2;
	s8 =	sadd.s32 s9, s8  }
0xf: {  	v2 =	vunpack.c.l.s4.s8 v2;
	v3 =	vunpack.c.l.s4.s8 v3;
	v4 =	vunpack.c.l.s4.s8 v4;
	s10 =	sadd.s32 s11, s10;
	s16 =	ssub.s32 s26, s31;
	s12 =	sshll.u32 s14, $0x6  }
0x10: {  	v5 =	vunpack.c.l.s4.s8 v5;
	vm0 =	vmor vm1, vm0;
	vm1 =	vcmask $0x2710;
	s13 =	sshll.u32 s14, $0x4;
	s26 =	sshll.u32 s24, $0x6;
	s31 =	sshll.u32 s24, $0x4  }
0x11: {  	vm1 =	vmor vm2, vm1;
	v2 =	vunpack.c.0.s8.s32 v2;
	v3 =	vunpack.c.0.s8.s32 v3;
	s8 =	sshrl.u32 s8, $0x3;
	s10 =	sshrl.u32 s10, $0x3;
	s14 =	sadd.s32 s13, s4  }
0x12: {  	vm2 =	vcmask $0x2F18;
	v0 =	vunpack.c.0.s8.s32 v0;
	v1 =	vunpack.c.0.s8.s32 v1;
	s17 =	sadd.s32 s26, s3;
	s26 =	simm.s32 $0x4200;
	s8 =	sadd.s32 s8, s0  }
0x13: {  	v2 =	vcombine.low v3, v2;
	v3 =	vunpack.c.0.s8.s32 v4;
	v4 =	vunpack.c.0.s8.s32 v5;
	s0 =	sadd.s32 s10, s0;
	s10 =	sadd.s32 s12, s3;
	[dreg:$0x7] =	wrdreg s14  }
0x14: {  	vm2 =	vmor vm3, vm2;
	vm3 =	vcmask $0x3720;
	v1 =	vcombine.low v1, v0;
	s14 =	smax.u32 s16, $0x1;
	s16 =	sadd.s32 s25, s4;
	s25 =	sshrl.u32 s19, $0x3  }
0x15: {  	vm3 =	vmor vm4, vm3;
	[dreg:$0x6] =	wrdreg s10;
	s10 =	smul.u32 $0x29, s2;
	s12 =	sadd.s32 $0x29600, s8;
	v3 =	vcombine.low v4, v3;
	v4 =	vlaneseq.u32  }
0x16: {  	v0 =	vimm.f32 $0.0e+00;
	s8 =	sadd.s32 s9, s3;
	s13 =	sadd.s32 $0x50800, s0;
	s2 =	sshrl.u32 s18, $0x2;
	v1 =	vand.u32 $0xF, v1;
	v4 =	vand.u32 $0x1, v4  }
0x17: {  	v2 =	vand.u32 $0xF, v2;
	s18 =	sadd.s32 s31, s4;
	s15 =	sadd.s32 s2, s3;
	s24 =	sshrl.u32 s8, $0x3;
	v3 =	vand.u32 $0xF, v3;
	v4 =	vmul.u32 $0x8, v4  }
.LBB2_1:
0x18: {  	s0 =	rddreg [dreg:$0x5];
	s2 =	simm.s32 $0x9200  }
0x19: {  	[tilespmem:s2], [sflag:$0x3] =	stream.linear.gather [hbm4b:s0+s5], $0x40, $0x38;
	[tilespmem:$0x155E0] =	vst v63  }
0x1a: {  	_ =	swait.ge [sflag:s20], $0x40  }
0x1b: {  	[sflag:s20] =	ssyncset.done $0x0  }
0x1c: {  	[sflag:s20] =	ssyncadd.s32 $0xFFFFFFC0  }
0x1d: {  	v5 =	vld [tilespmem:$0x9200]  }
0x1e: {  	v6 =	vld [tilespmem:$0x9210]  }
0x1f: {  	s0 =	simm.s32 $0x220;
	v7 =	vld [tilespmem:$0x9220]  }
0x20: {  	v8 =	vld [tilespmem:$0x9230];
	[tilespmem:s0+$0x0] =	vst v0  }
0x21: {  	[tilespmem:s0+$0xFFFFFFE0] =	vst v0  }
0x22: {  	[tilespmem:s0+$0x10] =	vst v0  }
0x23: {  	s8 =	simm.s32 $0x0;
	s2 =	simm.s32 $0x40;
	[tilespmem:s0+$0xFFFFFFF0] =	vst v0  }
.LBB2_2:
0x24: {  	p0 =	sne.s32 s2, $0x3FC0  }
0x25: {  	[tilespmem:s8+$0x8200] =	vst v0;
	s0 =	sadd.s32 $0x40, s0;
	s8 =	smov.u32 s2;
	s2 =	sadd.s32 $0x40, s2  }
.Ltmp0:
0x26: {  	[tilespmem:s0+$0x0] =	vst v0;
	(pc) =	sbr.rel @p0 .LBB2_2-.Ltmp0, $4  }
0x27: {  	_ = 	snop  }
0x28: {  	[tilespmem:s0+$0xFFFFFFE0] =	vst v0  }
0x29: {  	[tilespmem:s0+$0x10] =	vst v0  }
0x2a: {  	s8 =	sshra.s32 s8, $0x2;
	[tilespmem:s0+$0xFFFFFFF0] =	vst v0  }
0x2b: {  	[tilespmem:s8+$0x8200] =	vst v0  }
0x2c: {  	[spmem:s15] =	stream.linear.scatter [tilespmem:s21], [sflag:$0x3], $0x4000, $0x38;
	[tilespmem:$0x155E0] =	vst v63  }
0x2d: {  	_ =	swait.ge [sflag:s20], $0x4000  }
0x2e: {  	[sflag:s20] =	ssyncset.done $0x0  }
0x2f: {  	[sflag:s20] =	ssyncadd.s32 $0xFFFFC000  }
0x30: {  	[spmem:s16] =	stream.linear.scatter [tilespmem:s22], [sflag:$0x3], $0x1000, $0x38;
	[tilespmem:$0x155E0] =	vst v63  }
0x31: {  	_ =	swait.ge [sflag:s20], $0x1000  }
0x32: {  	[sflag:s20] =	ssyncset.done $0x0  }
0x33: {  	[sflag:s20] =	ssyncadd.s32 $0xFFFFF000  }
0x34: {  	[spmem:s17] =	stream.linear.scatter [tilespmem:s21], [sflag:$0x3], $0x4000, $0x38;
	[tilespmem:$0x155E0] =	vst v63  }
0x35: {  	_ =	swait.ge [sflag:s20], $0x4000  }
0x36: {  	[sflag:s20] =	ssyncset.done $0x0  }
0x37: {  	[sflag:s20] =	ssyncadd.s32 $0xFFFFC000  }
0x38: {  	[spmem:s18] =	stream.linear.scatter [tilespmem:s22], [sflag:$0x3], $0x1000, $0x38;
	[tilespmem:$0x155E0] =	vst v63  }
0x39: {  	_ =	swait.ge [sflag:s20], $0x1000  }
0x3a: {  	[sflag:s20] =	ssyncset.done $0x0  }
0x3b: {  	s0 =	rddreg [dreg:$0x6];
	[sflag:s20] =	ssyncadd.s32 $0xFFFFF000  }
0x3c: {  	[spmem:s0] =	stream.linear.scatter [tilespmem:s21], [sflag:$0x3], $0x1C80, $0x38;
	[tilespmem:$0x155E0] =	vst v63  }
0x3d: {  	_ =	swait.ge [sflag:s20], $0x1C80  }
0x3e: {  	[sflag:s20] =	ssyncset.done $0x0  }
0x3f: {  	s19 =	rddreg [dreg:$0x7];
	[sflag:s20] =	ssyncadd.s32 $0xFFFFE380  }
0x40: {  	[spmem:s19] =	stream.linear.scatter [tilespmem:s22], [sflag:$0x3], $0x720, $0x38;
	[tilespmem:$0x155E0] =	vst v63  }
0x41: {  	_ =	swait.ge [sflag:s20], $0x720  }
0x42: {  	[sflag:s20] =	ssyncset.done $0x0  }
0x43: {  	[sflag:s20] =	ssyncadd.s32 $0xFFFFF8E0  }
0x44: {  	s31 =	simm.s32 $0x0;
	[bflag:$0x0] =	sbarrier.arrive $0xFFFF  }
.LBB2_4:
0x45: {  	s0 =	sadd.s32 s10, s31  }
0x46: {  	s0 =	sshll.u32 s0, $0x6  }
0x47: {  	s0 =	sadd.s32 s1, s0  }
0x48: {  	[tilespmem:s5], [sflag:$0x3] =	stream.linear.gather [hbm4b:s0+s5], $0x200, $0x38;
	[tilespmem:$0x155E0] =	vst v63  }
0x49: {  	_ =	swait.ge [sflag:s20], $0x200  }
0x4a: {  	[sflag:s20] =	ssyncset.done $0x0  }
0x4b: {  	[sflag:s20] =	ssyncadd.s32 $0xFFFFFE00  }
0x4c: {  	[tilespmem:s21], [sflag:$0x1] =	stream.indirect.gather [hbm4b:s6+s23], $0x40, s5, s23, $0xb8;
	[tilespmem:$0x155E0] =	vst v63  }
0x4d: {  	_ = 	snop  }
0x4e: {  	[tilespmem:s26], [sflag:$0x2] =	stream.indirect.gather [hbm4b:s7+s23], $0x40, s23, s23, $0xb8;
	[tilespmem:$0x155E0] =	vst v63  }
0x4f: {  	_ =	swait.ge [sflag:s28], $0x4000  }
0x50: {  	[sflag:s28] =	ssyncset.done $0x0  }
0x51: {  	[sflag:s28] =	ssyncadd.s32 $0xFFFFC000  }
0x52: {  	_ =	swait.ge [sflag:s29], $0x4000  }
0x53: {  	[sflag:s29] =	ssyncset.done $0x0  }
0x54: {  	s2 =	simm.s32 $0x240;
	[sflag:s29] =	ssyncadd.s32 $0xFFFFC000  }
0x55: {  	s19 =	simm.s32 $0x4240;
	v10 =	vld [tilespmem:s2+$0xFFFFFFD0]  }
0x56: {  	v11 =	vld [tilespmem:s19+$0xFFFFFFC0]  }
0x57: {  	v12 =	vld [tilespmem:s19+$0xFFFFFFD0]  }
0x58: {  	v13 =	vld [tilespmem:s2+$0xFFFFFFC0]  }
0x59: {  	v9 =	vld [tilespmem:s2+$0xFFFFFFE0]  }
0x5a: {  	v14 =	vld [tilespmem:s19+$0xFFFFFFE0];
	_ =	sdelay $0x1  }
0x5b: {  	v12 =	vadd.f32 v12, v10  }
0x5c: {  	v15 =	vld [tilespmem:s19+$0xFFFFFFF0];
	v11 =	vadd.f32 v11, v13  }
0x5d: {  	v16 =	vld [tilespmem:s2+$0xFFFFFFF0];
	v17 =	vmul.f32 $2.000000030e-01, v12  }
0x5e: {  	v14 =	vadd.f32 v14, v9;
	v18 =	vmul.f32 $2.000000030e-01, v11  }
0x5f: {  	v12 =	vmax.f32 v12, v17  }
0x60: {  	v19 =	vmul.f32 $2.000000030e-01, v14;
	v11 =	vmax.f32 v11, v18;
	v12 =	vmul.f32 v12, v6  }
0x61: {  	v11 =	vmul.f32 v11, v5  }
0x62: {  	v15 =	vadd.f32 v15, v16;
	v14 =	vmax.f32 v14, v19;
	v17 =	vperm.xlane v12, v1  }
0x63: {  	v14 =	vmul.f32 v14, v7;
	v51 =	vperm.xlane v11, v1  }
0x64: {  	v50 =	vmul.f32 $2.000000030e-01, v15;
	v12 =	vadd.f32 v12, v17  }
0x65: {  	v17 =	vperm.xlane v14, v1;
	v11 =	vadd.f32 v11, v51  }
0x66: {  	v15 =	vmax.f32 v15, v50;
	v52 =	vperm.xlane v12, v2  }
0x67: {  	v15 =	vmul.f32 v15, v8;
	v14 =	vadd.f32 v14, v17;
	v17 =	vperm.xlane v11, v2  }
0x68: {  	v12 =	vadd.f32 v12, v52  }
0x69: {  	v53 =	vperm.xlane v15, v1;
	v11 =	vadd.f32 v11, v17  }
0x6a: {  	v17 =	vperm.xlane v12, v3  }
0x6b: {  	v15 =	vadd.f32 v15, v53;
	v54 =	vperm.xlane v14, v2;
	v55 =	vperm.xlane v11, v3  }
0x6c: {  	v12 =	vadd.f32 v12, v17  }
0x6d: {  	v19 =	vperm.xlane v15, v2;
	v14 =	vadd.f32 v14, v54;
	v11 =	vadd.f32 v11, v55  }
0x6e: {  	v12 =	vmul.f32 $1.442695020e+00, v12  }
0x6f: {  	v15 =	vadd.f32 v15, v19;
	v17 =	vperm.xlane v14, v3;
	v11 =	vmul.f32 $1.442695020e+00, v11  }
0x70: {  	(erf) = vpow2.f32 v12  }
0x71: {  	v14 =	vadd.f32 v14, v17;
	v17 =	vperm.xlane v15, v3;
	(erf) = vpow2.f32 v11;
	_ =	sdelay $0x1  }
0x72: {  	v12 =	vmul.f32 $1.442695020e+00, v14;
	v14 =	vadd.f32 v15, v17;
	_ =	sdelay $0x1  }
0x73: {  	(erf) = vpow2.f32 v12;
	v11 =	vmul.f32 $1.442695020e+00, v14;
	_ =	sdelay $0x1  }
0x74: {  	(erf) = vpow2.f32 v11;
	_ =	sdelay $0x1  }
0x75: {  	v11 =	vpop (erf)  }
0x76: {  	v12 =	vpop (erf)  }
0x77: {  	v14 =	vperm.xlane v12, v4;
	_ =	sdelay $0x1  }
0x78: {  	v15 =	vperm.xlane v11, v4;
	v14 =	vnsel vm0, $0x0, v14  }
0x79: {  	v17 =	vpop (erf)  }
0x7a: {  	v56 =	vperm.xlane v17, v4;
	v15 =	vsel vm1, $0x0, v15  }
0x7b: {  	v10 =	vmul.f32 v11, v10;
	v11 =	vadd.f32 v15, v14;
	v14 =	vpop (erf)  }
0x7c: {  	v9 =	vmul.f32 v17, v9;
	v15 =	vsel vm2, $0x0, v56;
	v17 =	vperm.xlane v14, v4  }
0x7d: {  	[tilespmem:s19+$0xFFFFFFD0] =	vst v10;
	v10 =	vmul.f32 v12, v13;
	v11 =	vadd.f32 v15, v11  }
0x7e: {  	[tilespmem:s19+$0xFFFFFFE0] =	vst v9;
	v9 =	vmul.f32 v14, v16;
	v12 =	vsel vm3, $0x0, v17  }
0x7f: {  	[tilespmem:s19+$0xFFFFFFC0] =	vst v10;
	v10 =	vadd.f32 v12, v11  }
0x80: {  	s0 =	simm.s32 $0x8210;
	[tilespmem:s19+$0xFFFFFFF0] =	vst v9  }
0x81: {  	[tilespmem:s0+$0xFFFFFFF0] =	vst v10  }
0x82: {  	v10 =	vld [tilespmem:s2+$0x0]  }
0x83: {  	v13 =	vld [tilespmem:s2+$0x10]  }
0x84: {  	v11 =	vld [tilespmem:s19+$0x0]  }
0x85: {  	v12 =	vld [tilespmem:s19+$0x30]  }
0x86: {  	v14 =	vld [tilespmem:s2+$0x30]  }
0x87: {  	v9 =	vld [tilespmem:s2+$0x20]  }
0x88: {  	v15 =	vld [tilespmem:s19+$0x10]  }
0x89: {  	v16 =	vld [tilespmem:s19+$0x20];
	_ =	sdelay $0x1  }
0x8a: {  	v11 =	vadd.f32 v11, v10  }
0x8b: {  	v12 =	vadd.f32 v12, v14  }
0x8c: {  	v15 =	vadd.f32 v15, v13;
	v17 =	vmul.f32 $2.000000030e-01, v11  }
0x8d: {  	v16 =	vadd.f32 v16, v9;
	v57 =	vmul.f32 $2.000000030e-01, v12  }
0x8e: {  	v11 =	vmax.f32 v11, v17;
	v17 =	vmul.f32 $2.000000030e-01, v15  }
0x8f: {  	v58 =	vmul.f32 $2.000000030e-01, v16;
	v12 =	vmax.f32 v12, v57;
	v11 =	vmul.f32 v11, v5  }
0x90: {  	v12 =	vmul.f32 v12, v8;
	v15 =	vmax.f32 v15, v17  }
0x91: {  	v16 =	vmax.f32 v16, v58;
	v17 =	vperm.xlane v11, v1;
	v15 =	vmul.f32 v15, v6  }
0x92: {  	v16 =	vmul.f32 v16, v7;
	v59 =	vperm.xlane v12, v1  }
0x93: {  	v11 =	vadd.f32 v11, v17;
	v17 =	vperm.xlane v15, v1  }
0x94: {  	v60 =	vperm.xlane v16, v1;
	v12 =	vadd.f32 v12, v59  }
0x95: {  	v61 =	vperm.xlane v11, v2;
	v15 =	vadd.f32 v15, v17  }
0x96: {  	v16 =	vadd.f32 v16, v60;
	v17 =	vperm.xlane v12, v2  }
0x97: {  	v11 =	vadd.f32 v11, v61;
	v62 =	vperm.xlane v15, v2  }
0x98: {  	v19 =	vperm.xlane v16, v2;
	v12 =	vadd.f32 v12, v17  }
0x99: {  	v17 =	vperm.xlane v11, v3;
	v15 =	vadd.f32 v15, v62  }
0x9a: {  	v16 =	vadd.f32 v16, v19;
	v63 =	vperm.xlane v12, v3  }
0x9b: {  	v11 =	vadd.f32 v11, v17;
	v17 =	vperm.xlane v15, v3  }
0x9c: {  	v19 =	vperm.xlane v16, v3;
	v12 =	vadd.f32 v12, v63  }
0x9d: {  	v11 =	vmul.f32 $1.442695020e+00, v11;
	v15 =	vadd.f32 v15, v17  }
0x9e: {  	v16 =	vadd.f32 v16, v19;
	v12 =	vmul.f32 $1.442695020e+00, v12  }
0x9f: {  	(erf) = vpow2.f32 v11;
	v11 =	vmul.f32 $1.442695020e+00, v15  }
0xa0: {  	v15 =	vmul.f32 $1.442695020e+00, v16;
	(erf) = vpow2.f32 v12  }
0xa1: {  	(erf) = vpow2.f32 v11  }
0xa2: {  	(erf) = vpow2.f32 v15;
	_ =	sdelay $0x5  }
0xa3: {  	v11 =	vpop (erf)  }
0xa4: {  	v15 =	vmul.f32 v11, v10;
	v12 =	vperm.xlane v11, v4;
	v11 =	vpop (erf)  }
0xa5: {  	v10 =	vmul.f32 v11, v14;
	v11 =	vperm.xlane v11, v4;
	v16 =	vpop (erf)  }
0xa6: {  	s9 =	simm.s32 $0x0;
	s11 =	simm.s32 $0x8230;
	s8 =	simm.s32 $0x4240;
	[tilespmem:s19+$0x0] =	vst v15;
	v14 =	vmul.f32 v16, v13;
	v15 =	vperm.xlane v16, v4;
	v13 =	vpop (erf)  }
.LBB2_5:
0xa7: {  	s9 =	sadd.s32 $0x2, s9;
	s19 =	sadd.s32 $0x80, s19;
	s2 =	sadd.s32 $0x80, s2  }
0xa8: {  	v12 =	vnsel vm0, $0x0, v12;
	p0 =	slt.u32 s9, $0xFE;
	[tilespmem:s8+$0x10] =	vst v14;
	v14 =	vsel vm1, $0x0, v15;
	v15 =	vperm.xlane v13, v4  }
0xa9: {  	v12 =	vadd.f32 v14, v12  }
0xaa: {  	v14 =	vsel vm2, $0x0, v15  }
0xab: {  	v12 =	vadd.f32 v14, v12  }
0xac: {  	v9 =	vmul.f32 v13, v9;
	v11 =	vsel vm3, $0x0, v11  }
0xad: {  	[tilespmem:s8+$0x30] =	vst v10;
	v10 =	vadd.f32 v11, v12  }
0xae: {  	[tilespmem:s8+$0x20] =	vst v9;
	s8 =	smov.u32 s19  }
0xaf: {  	[tilespmem:s0+$0x0] =	vst v10;
	s0 =	smov.u32 s11  }
0xb0: {  	v9 =	vld [tilespmem:s2+$0xFFFFFFE0]  }
0xb1: {  	v10 =	vld [tilespmem:s19+$0xFFFFFFE0]  }
0xb2: {  	v11 =	vld [tilespmem:s2+$0xFFFFFFD0]  }
0xb3: {  	v12 =	vld [tilespmem:s19+$0xFFFFFFC0]  }
0xb4: {  	v13 =	vld [tilespmem:s19+$0xFFFFFFD0]  }
0xb5: {  	v14 =	vld [tilespmem:s2+$0xFFFFFFC0]  }
0xb6: {  	v15 =	vld [tilespmem:s19+$0xFFFFFFF0]  }
0xb7: {  	v16 =	vld [tilespmem:s2+$0xFFFFFFF0];
	_ =	sdelay $0x1  }
0xb8: {  	v13 =	vadd.f32 v13, v11  }
0xb9: {  	v10 =	vadd.f32 v10, v9;
	v12 =	vadd.f32 v12, v14  }
0xba: {  	v17 =	vmul.f32 $2.000000030e-01, v13  }
0xbb: {  	v19 =	vmul.f32 $2.000000030e-01, v10;
	v18 =	vmul.f32 $2.000000030e-01, v12  }
0xbc: {  	v15 =	vadd.f32 v15, v16;
	v13 =	vmax.f32 v13, v17  }
0xbd: {  	v10 =	vmax.f32 v10, v19;
	v12 =	vmax.f32 v12, v18;
	v13 =	vmul.f32 v13, v6  }
0xbe: {  	v10 =	vmul.f32 v10, v7;
	v12 =	vmul.f32 v12, v5  }
0xbf: {  	v18 =	vmul.f32 $2.000000030e-01, v15;
	v17 =	vperm.xlane v13, v1  }
0xc0: {  	v20 =	vperm.xlane v10, v1;
	v19 =	vperm.xlane v12, v1  }
0xc1: {  	v15 =	vmax.f32 v15, v18;
	v13 =	vadd.f32 v13, v17  }
0xc2: {  	v10 =	vadd.f32 v10, v20;
	v15 =	vmul.f32 v15, v8;
	v12 =	vadd.f32 v12, v19  }
0xc3: {  	v17 =	vperm.xlane v13, v2  }
0xc4: {  	v19 =	vperm.xlane v15, v1;
	v18 =	vperm.xlane v12, v2  }
0xc5: {  	v13 =	vadd.f32 v13, v17;
	v17 =	vperm.xlane v10, v2  }
0xc6: {  	v15 =	vadd.f32 v15, v19;
	v12 =	vadd.f32 v12, v18  }
0xc7: {  	v18 =	vperm.xlane v13, v3;
	v10 =	vadd.f32 v10, v17  }
0xc8: {  	v19 =	vperm.xlane v15, v2;
	v17 =	vperm.xlane v12, v3  }
0xc9: {  	v13 =	vadd.f32 v13, v18;
	v18 =	vperm.xlane v10, v3  }
0xca: {  	v15 =	vadd.f32 v15, v19;
	v12 =	vadd.f32 v12, v17  }
0xcb: {  	v13 =	vmul.f32 $1.442695020e+00, v13;
	v10 =	vadd.f32 v10, v18  }
0xcc: {  	v17 =	vperm.xlane v15, v3;
	v12 =	vmul.f32 $1.442695020e+00, v12  }
0xcd: {  	v10 =	vmul.f32 $1.442695020e+00, v10;
	(erf) = vpow2.f32 v13  }
0xce: {  	v13 =	vadd.f32 v15, v17;
	(erf) = vpow2.f32 v12  }
0xcf: {  	(erf) = vpow2.f32 v10  }
0xd0: {  	v10 =	vmul.f32 $1.442695020e+00, v13;
	_ =	sdelay $0x1  }
0xd1: {  	(erf) = vpow2.f32 v10;
	_ =	sdelay $0x3  }
0xd2: {  	v10 =	vpop (erf)  }
0xd3: {  	v11 =	vmul.f32 v10, v11;
	v12 =	vpop (erf)  }
0xd4: {  	v10 =	vperm.xlane v10, v4;
	v13 =	vperm.xlane v12, v4;
	v15 =	vpop (erf)  }
0xd5: {  	[tilespmem:s19+$0xFFFFFFD0] =	vst v11;
	v17 =	vmul.f32 v15, v9;
	v11 =	vperm.xlane v15, v4  }
0xd6: {  	v12 =	vmul.f32 v12, v14;
	v10 =	vsel vm1, $0x0, v10;
	v13 =	vnsel vm0, $0x0, v13  }
0xd7: {  	v10 =	vadd.f32 v10, v13;
	[tilespmem:s19+$0xFFFFFFE0] =	vst v17;
	v9 =	vpop (erf)  }
0xd8: {  	v11 =	vsel vm2, $0x0, v11;
	[tilespmem:s19+$0xFFFFFFC0] =	vst v12;
	v12 =	vmul.f32 v9, v16;
	v9 =	vperm.xlane v9, v4  }
0xd9: {  	v10 =	vadd.f32 v11, v10  }
0xda: {  	[tilespmem:s19+$0xFFFFFFF0] =	vst v12;
	v9 =	vsel vm3, $0x0, v9  }
0xdb: {  	v9 =	vadd.f32 v9, v10;
	_ =	sdelay $0x1  }
0xdc: {  	[tilespmem:s11+$0xFFFFFFF0] =	vst v9  }
0xdd: {  	v10 =	vld [tilespmem:s2+$0x0]  }
0xde: {  	v13 =	vld [tilespmem:s2+$0x10]  }
0xdf: {  	v11 =	vld [tilespmem:s19+$0x0]  }
0xe0: {  	v12 =	vld [tilespmem:s19+$0x30]  }
0xe1: {  	v14 =	vld [tilespmem:s2+$0x30]  }
0xe2: {  	v9 =	vld [tilespmem:s2+$0x20]  }
0xe3: {  	v15 =	vld [tilespmem:s19+$0x10]  }
0xe4: {  	v11 =	vadd.f32 v11, v10;
	v16 =	vld [tilespmem:s19+$0x20];
	_ =	sdelay $0x1  }
0xe5: {  	v17 =	vmul.f32 $2.000000030e-01, v11;
	v12 =	vadd.f32 v12, v14;
	_ =	sdelay $0x1  }
0xe6: {  	v11 =	vmax.f32 v11, v17;
	v15 =	vadd.f32 v15, v13;
	v17 =	vmul.f32 $2.000000030e-01, v12  }
0xe7: {  	v11 =	vmul.f32 v11, v5;
	v16 =	vadd.f32 v16, v9  }
0xe8: {  	v18 =	vmul.f32 $2.000000030e-01, v15;
	v12 =	vmax.f32 v12, v17  }
0xe9: {  	v17 =	vperm.xlane v11, v1;
	v19 =	vmul.f32 $2.000000030e-01, v16  }
0xea: {  	v12 =	vmul.f32 v12, v8;
	v15 =	vmax.f32 v15, v18  }
0xeb: {  	v11 =	vadd.f32 v11, v17;
	v15 =	vmul.f32 v15, v6;
	v16 =	vmax.f32 v16, v19  }
0xec: {  	v17 =	vperm.xlane v12, v1;
	v16 =	vmul.f32 v16, v7  }
0xed: {  	v18 =	vperm.xlane v11, v2;
	v19 =	vperm.xlane v15, v1  }
0xee: {  	v12 =	vadd.f32 v12, v17;
	v20 =	vperm.xlane v16, v1  }
0xef: {  	v11 =	vadd.f32 v11, v18;
	v15 =	vadd.f32 v15, v19  }
0xf0: {  	v17 =	vperm.xlane v12, v2;
	v16 =	vadd.f32 v16, v20  }
0xf1: {  	v18 =	vperm.xlane v11, v3;
	v19 =	vperm.xlane v15, v2  }
0xf2: {  	v12 =	vadd.f32 v12, v17;
	v20 =	vperm.xlane v16, v2  }
0xf3: {  	v11 =	vadd.f32 v11, v18;
	v15 =	vadd.f32 v15, v19  }
0xf4: {  	v17 =	vperm.xlane v12, v3;
	v16 =	vadd.f32 v16, v20  }
0xf5: {  	v11 =	vmul.f32 $1.442695020e+00, v11;
	v18 =	vperm.xlane v15, v3  }
0xf6: {  	v12 =	vadd.f32 v12, v17;
	v19 =	vperm.xlane v16, v3  }
0xf7: {  	v15 =	vadd.f32 v15, v18;
	(erf) = vpow2.f32 v11  }
0xf8: {  	v12 =	vmul.f32 $1.442695020e+00, v12;
	v11 =	vadd.f32 v16, v19  }
0xf9: {  	v15 =	vmul.f32 $1.442695020e+00, v15  }
0xfa: {  	v11 =	vmul.f32 $1.442695020e+00, v11;
	(erf) = vpow2.f32 v12  }
0xfb: {  	(erf) = vpow2.f32 v15  }
0xfc: {  	(erf) = vpow2.f32 v11;
	_ =	sdelay $0x3  }
0xfd: {  	v11 =	vpop (erf)  }
.Ltmp1:
0xfe: {  	v10 =	vmul.f32 v11, v10;
	v12 =	vperm.xlane v11, v4;
	(pc) =	sbr.rel @p0 .LBB2_5-.Ltmp1, $4  }
0xff: {  	_ = 	snop  }
0x100: {  	[tilespmem:s19+$0x0] =	vst v10;
	v11 =	vpop (erf)  }
0x101: {  	v10 =	vmul.f32 v11, v14;
	v11 =	vperm.xlane v11, v4;
	v15 =	vpop (erf)  }
0x102: {  	s11 =	sadd.s32 $0x20, s11;
	v14 =	vmul.f32 v15, v13;
	v15 =	vperm.xlane v15, v4;
	v13 =	vpop (erf)  }
0x103: {  	_ = 	snop  }
0x104: {  	v12 =	vnsel vm0, $0x0, v12;
	v16 =	vperm.xlane v13, v4;
	v15 =	vsel vm1, $0x0, v15  }
0x105: {  	v12 =	vadd.f32 v15, v12  }
0x106: {  	v63 =	vsel vm2, $0x0, v16  }
0x107: {  	v12 =	vadd.f32 v63, v12  }
0x108: {  	v9 =	vmul.f32 v13, v9;
	v11 =	vsel vm3, $0x0, v11;
	[tilespmem:s8+$0x30] =	vst v10  }
0x109: {  	[tilespmem:s8+$0x10] =	vst v14;
	v10 =	vadd.f32 v11, v12  }
0x10a: {  	[tilespmem:s8+$0x20] =	vst v9  }
0x10b: {  	[tilespmem:s0+$0x0] =	vst v10  }
0x10c: {  	[spmem:s3] =	stream.indirect.scatter.add.f32 [tilespmem:s26], [sflag:$0x3], $0x40, s23, s23, $0xb8;
	[tilespmem:$0x155E0] =	vst v63  }
0x10d: {  	s31 =	sadd.s32 $0x1, s31;
	_ =	swait.ge [sflag:s20], $0x4000  }
0x10e: {  	p0 =	sne.s32 s31, $0x29;
	[sflag:s20] =	ssyncset.done $0x0  }
.Ltmp2:
0x10f: {  	[sflag:s20] =	ssyncadd.s32 $0xFFFFC000;
	(pc) =	sbr.rel @p0 .LBB2_4-.Ltmp2, $4  }
0x110: {  	[spmem:s4] =	stream.indirect.scatter.add.f32 [tilespmem:s22], [sflag:$0x3], $0x10, s23, s23, $0xb8;
	[tilespmem:$0x155E0] =	vst v63  }
0x111: {  	_ =	swait.ge [sflag:s20], $0x1000  }
0x112: {  	[sflag:s20] =	ssyncset.done $0x0  }
0x113: {  	[sflag:s20] =	ssyncadd.s32 $0xFFFFF000  }
0x114: {  	s0 =	stileid.u32  }
0x115: {  	s0 =	sshll.u32 s0, $0x6  }
0x116: {  	[bflag:$0x0] =	sbarrier.arrive $0xFFFF;
	s0 =	sor.u32 $0x1C03, s0  }
0x117: {  	[hbm:s12], [sflag:s0] =	dma.local [spmem:s24], $0x1390  }
0x118: {  	s30 =	sadd.s32 $0x1, s30;
	_ =	swait.ge [sflag:s20], $0x1390  }
0x119: {  	p0 =	sne.s32 s30, s14;
	[sflag:s20] =	ssyncset.done $0x0  }
.Ltmp3:
0x11a: {  	[sflag:s20] =	ssyncadd.s32 $0xFFFFEC70;
	(pc) =	sbr.rel @p0 .LBB2_1-.Ltmp3, $4  }
0x11b: {  	[hbm:s13], [sflag:s0] =	dma.local [spmem:s25], $0x4E4  }
0x11c: {  	_ =	swait.ge [sflag:s20], $0x4E4  }
0x11d: {  	[sflag:s20] =	ssyncset.done $0x0  }
0x11e: {  	[sflag:s20] =	ssyncadd.s32 $0xFFFFFB1C  }
0x11f: {  	_ =	sfence.sel $0x180000  }
0x120: {  	[bflag:$0x0] =	sbarrier.arrive $0xFFFF  }
0x121: {  	_ =	strace $0x90000047  }
0x122: {  	s0 =	stileid.u32;
	[bflag:$0x2] =	sbarrier.arrive $0xFFFF  }
0x123: {  	p0 =	sne.s32 s0, $0x0;
	s0 =	rddreg [dreg:$0x4]  }
0x124: {  	s0 =	sadd.s32 @!p0 $0x100000, s0  }
0x125: {  	[sflag:s0] =	ssyncadd.tile.s32 @!p0 $0x1;
	_ =	shalt  }
.Lfunc_end2:
_tile_overlayer_lowered:
.L_overlay_start_2:
0x126: {  	(tag) =	ssettag $0x2  }
0x127: {  	s0 =	rddreg [dreg:$0x0];
	s2 =	stileid.u32  }
0x128: {  	s1 =	rddreg [dreg:$0x1];
	p0 =	sne.s32 s2, $0x0  }
0x129: {  	s3 =	rddreg [dreg:$0x2];
	[bflag:$0x3] =	sbarrier.arrive $0xFFFF;
	s2 =	simm.s32 @!p0 $0x1C03  }
0x12a: {  	[timem:s3], [sflag:s2] =	dma.local @!p0 [hbm:s0], s1  }
0x12b: {  	s0 =	simm.s32 @!p0 $0x3  }
0x12c: {  	_ =	swait.ge @!p0 [sflag:s0], s1  }
0x12d: {  	s1 =	ssub.s32 @!p0 $0x0, s1;
	[sflag:s0] =	ssyncset.done @!p0 $0x0  }
0x12e: {  	[sflag:s0] =	ssyncadd.s32 @!p0 s1  }
0x12f: {  	[bflag:$0x3] =	sbarrier.arrive $0xFFFF  }
0x130: {  	_ =	shalt  }

</sc_bundles>
